<compile_context>
chip_gen: v7x
topology: tpu7x:2x2x1
jax: 0.10.2.dev20260603
libtpu: 0.0.44.dev20260713+nightly
codegen_flags: <defaults>
</compile_context>

<pallas_src>
import functools

import jax
import jax.numpy as jnp
from jax import lax
from jax.experimental import pallas as pl
from jax.experimental.pallas import tpu as pltpu
from jax.experimental.pallas import tpu_sc as plsc

H = 32
W = 32
NH = 16
M = 1024
N = 1024
TH = 2 * H - 1
TW = 2 * W - 1
TSZ = TH * TW
TSTRIDE = 3976

NC = 2
NS = 16
L = 16
NW = NC * NS
HG = 4
RG = NW // (NH // HG)
ROWS = M // RG
RB = 8
RSUB = 4


def _body(qc_h, kc_h, tab_h, out_h, tab_v, kc_v, qc_v, buf0, buf1, sem0, sem1):
    wid = lax.axis_index("s") * NC + lax.axis_index("c")
    hgroup = wid // RG
    rgroup = wid % RG
    rbase = rgroup * ROWS

    cp0 = pltpu.async_copy(
        tab_h.at[pl.ds(hgroup * (HG * TSTRIDE), HG * TSTRIDE)], tab_v, sem0)
    cp1 = pltpu.async_copy(kc_h, kc_v, sem0)
    cp2 = pltpu.async_copy(qc_h.at[pl.ds(rbase * L, ROWS * L)], qc_v, sem0)
    cp0.wait()
    cp1.wait()
    cp2.wait()

    bufs = (buf0, buf1)
    sems = (sem0, sem1)

    def iteration(i, carry):
        for b in range(2):
            buf = bufs[b]
            sem = sems[b]
            g0 = i * (2 * RB) + b * RB

            @pl.when(i >= 1)
            def _():
                pltpu.make_async_copy(
                    buf, out_h.at[pl.ds(0, HG), pl.ds(0, RB)], sem).wait()

            for sub in range(RB // RSUB):
                qcs = [qc_v[pl.ds((g0 + sub * RSUB + rr) * L, L)]
                       for rr in range(RSUB)]

                @plsc.parallel_loop(0, N, step=L, unroll=2)
                def chunk(off):
                    kc = kc_v[pl.ds(off, L)]
                    for rr in range(RSUB):
                        flat = qcs[rr] - kc
                        for hh in range(HG):
                            vals = plsc.load_gather(tab_v, [flat + hh * TSTRIDE])
                            buf[hh, sub * RSUB + rr, pl.ds(off, L)] = vals

            pltpu.async_copy(
                buf,
                out_h.at[pl.ds(hgroup * HG, HG), pl.ds(rbase + g0, RB)],
                sem)
        return carry

    lax.fori_loop(0, ROWS // (2 * RB), iteration, 0)

    for b in range(2):
        pltpu.make_async_copy(
            bufs[b], out_h.at[pl.ds(0, HG), pl.ds(0, RB)], sems[b]).wait()


_sc_call = functools.partial(
    pl.kernel,
    out_type=jax.ShapeDtypeStruct((NH, M, N), jnp.float32),
    mesh=plsc.VectorSubcoreMesh(core_axis_name="c", subcore_axis_name="s"),
    compiler_params=pltpu.CompilerParams(needs_layout_passes=False),
    scratch_types=[
        pltpu.VMEM((HG * TSTRIDE,), jnp.float32),
        pltpu.VMEM((N,), jnp.int32),
        pltpu.VMEM((ROWS * L,), jnp.int32),
        pltpu.VMEM((HG, RB, N), jnp.float32),
        pltpu.VMEM((HG, RB, N), jnp.float32),
        pltpu.SemaphoreType.DMA,
        pltpu.SemaphoreType.DMA,
    ],
)(_body)


@jax.jit
def kernel(q_coords, k_coords, bias):
    qc = q_coords[:, 0].astype(jnp.int32) * TW + q_coords[:, 1].astype(jnp.int32)
    qc = qc + ((H - 1) * TW + (W - 1))
    qc = jnp.broadcast_to(qc[:, None], (M, L)).reshape(M * L)
    kc = k_coords[:, 0].astype(jnp.int32) * TW + k_coords[:, 1].astype(jnp.int32)
    tab = jnp.pad(bias.reshape(NH, TSZ).astype(jnp.float32),
                  ((0, 0), (0, TSTRIDE - TSZ))).reshape(NH * TSTRIDE)
    return _sc_call(qc, kc, tab)

# --- scband reference (transcript-rebuilt; emitter-appended) ---
"""Pipeline reference for scband-rel-pos-bias2-d-82935818486350 (READ-ONLY COPY).

The authoritative reference and input builder live on the scoring server;
editing this copy changes nothing except your own understanding.
"""

import jax, jax.numpy as jnp
import numpy as np

H = 32
W = 32
NH = 16
M = 1024
N = 1024

def setup_inputs(seed: int = 0) -> dict:
    key = jax.random.key(seed)
    k1, k2, k3 = jax.random.split(key, 3)
    q_coords = jax.random.randint(k1, (M, 2), 0, 32, dtype=jnp.int32)
    k_coords = jax.random.randint(k2, (N, 2), 0, 32, dtype=jnp.int32)
    bias = jax.random.normal(k3, (NH, 2 * H - 1, 2 * W - 1), dtype=jnp.float32) * 0.02
    return {"q_coords": q_coords, "k_coords": k_coords, "bias": bias}

def reference(q_coords, k_coords, bias):
    # q_coords: (M,2) int, k_coords: (N,2) int, bias: (NH, 2H-1, 2W-1)
    dy = q_coords[:, None, 0] - k_coords[None, :, 0]
    dx = q_coords[:, None, 1] - k_coords[None, :, 1]
    idx_y = jnp.clip(dy + (H - 1), 0, 2 * H - 2).astype(jnp.int32)
    idx_x = jnp.clip(dx + (W - 1), 0, 2 * W - 2).astype(jnp.int32)
    # gather: bias[:, idx_y, idx_x] -> (NH, M, N)
    B = bias[:, idx_y, idx_x]
    return B

if __name__ == "__main__":
    import jax
    _d = setup_inputs()
    print(jax.jit(kernel)(*tuple(_d.values())))

</pallas_src>

<mosaic_0001>
#map = affine_map<(d0, d1) -> (0)>
#map1 = affine_map<(d0, d1) -> (0, 0, 0)>
module attributes {stable_mosaic.version = 14 : i64} {
  func.func @_body(%arg0: i32, %arg1: i32, %arg2: memref<16384xi32, #tpu.memory_space<hbm>>, %arg3: memref<1024xi32, #tpu.memory_space<hbm>>, %arg4: memref<63616xf32, #tpu.memory_space<hbm>>, %arg5: memref<16x1024x1024xf32, #tpu.memory_space<hbm>>, %arg6: memref<15904xf32, #tpu.memory_space<vmem>>, %arg7: memref<1024xi32, #tpu.memory_space<vmem>>, %arg8: memref<2048xi32, #tpu.memory_space<vmem>>, %arg9: memref<4x8x1024xf32, #tpu.memory_space<vmem>>, %arg10: memref<4x8x1024xf32, #tpu.memory_space<vmem>>, %arg11: memref<!tpu.dma_semaphore, #tpu.memory_space<semaphore_mem>>, %arg12: memref<!tpu.dma_semaphore, #tpu.memory_space<semaphore_mem>>) attributes {dimension_semantics = [#tpu.dimension_semantics<core_parallel>, #tpu.dimension_semantics<subcore_parallel>], iteration_bounds = array<i64: 2, 16>, scalar_prefetch = 0 : i64, scratch_operands = 7 : i64, tpu.core_type = #tpu.core_type<sc_vector_subcore>, window_params = [{transform_indices = #map}, {transform_indices = #map}, {transform_indices = #map}, {transform_indices = #map1}]} {
    %mul3A = arith.constant 2 : i32
    %mul3A_0 = arith.muli %arg1, %mul3A : i32
    %add3A = arith.addi %mul3A_0, %arg0 : i32
    %jit3A = arith.constant 8 : i32
    %div3A = arith.divsi %add3A, %jit3A : i32
    %sign3A = arith.constant 0 : i32
    %sign3A_1 = arith.cmpi sgt, %add3A, %sign3A : i32
    %sign3A_2 = arith.extui %sign3A_1 : i1 to i32
    %sign3A_3 = arith.constant 0 : i32
    %sign3A_4 = arith.cmpi slt, %add3A, %sign3A_3 : i32
    %sign3A_5 = arith.extui %sign3A_4 : i1 to i32
    %sign3A_6 = arith.subi %sign3A_2, %sign3A_5 : i32
    %sign3A_7 = arith.constant 0 : i32
    %sign3A_8 = arith.cmpi sgt, %jit3A, %sign3A_7 : i32
    %sign3A_9 = arith.extui %sign3A_8 : i1 to i32
    %sign3A_10 = arith.constant 0 : i32
    %sign3A_11 = arith.cmpi slt, %jit3A, %sign3A_10 : i32
    %sign3A_12 = arith.extui %sign3A_11 : i1 to i32
    %sign3A_13 = arith.subi %sign3A_9, %sign3A_12 : i32
    %ne3A = arith.cmpi ne, %sign3A_6, %sign3A_13 : i32
    %rem3A = arith.remsi %add3A, %jit3A : i32
    %ne3A_14 = arith.constant 0 : i32
    %ne3A_15 = arith.cmpi ne, %rem3A, %ne3A_14 : i32
    %and3A = arith.andi %ne3A, %ne3A_15 : i1
    %sub3A = arith.constant 1 : i32
    %sub3A_16 = arith.subi %div3A, %sub3A : i32
    %select_n3A = arith.select %and3A, %sub3A_16, %div3A : i32
    %jit3A_17 = arith.constant 8 : i32
    %eq3A = arith.constant 0 : i32
    %eq3A_18 = arith.cmpi eq, %jit3A_17, %eq3A : i32
    %jit3A_19 = arith.constant 1 : i32
    %select_n3A_20 = arith.select %eq3A_18, %jit3A_19, %jit3A_17 : i32
    %rem3A_21 = arith.remsi %add3A, %select_n3A_20 : i32
    %ne3A_22 = arith.constant 0 : i32
    %ne3A_23 = arith.cmpi ne, %rem3A_21, %ne3A_22 : i32
    %lt3A = arith.constant 0 : i32
    %lt3A_24 = arith.cmpi slt, %rem3A_21, %lt3A : i32
    %lt3A_25 = arith.constant 0 : i32
    %lt3A_26 = arith.cmpi slt, %select_n3A_20, %lt3A_25 : i32
    %ne3A_27 = arith.xori %lt3A_24, %lt3A_26 : i1
    %and3A_28 = arith.andi %ne3A_27, %ne3A_23 : i1
    %add3A_29 = arith.addi %rem3A_21, %select_n3A_20 : i32
    %select_n3A_30 = arith.select %and3A_28, %add3A_29, %rem3A_21 : i32
    %mul3A_31 = arith.constant 128 : i32
    %mul3A_32 = arith.muli %select_n3A_30, %mul3A_31 : i32
    %mul3A_33 = arith.constant 15904 : i32
    %mul3A_34 = arith.muli %select_n3A, %mul3A_33 : i32
    %dma_start3A = tpu.memref_slice %arg4[%mul3A_34] : memref<63616xf32, #tpu.memory_space<hbm>> -> memref<15904xf32, #tpu.memory_space<hbm>>
    %dma_start3A_35 = tpu.memref_slice %arg4[%mul3A_34] : memref<63616xf32, #tpu.memory_space<hbm>> -> memref<15904xf32, #tpu.memory_space<hbm>>
    tpu.enqueue_dma source(%dma_start3A_35 : memref<15904xf32, #tpu.memory_space<hbm>>) target(%arg6 : memref<15904xf32, #tpu.memory_space<vmem>>) target_semaphore(%arg11 : memref<!tpu.dma_semaphore, #tpu.memory_space<semaphore_mem>>)
    tpu.enqueue_dma source(%arg3 : memref<1024xi32, #tpu.memory_space<hbm>>) target(%arg7 : memref<1024xi32, #tpu.memory_space<vmem>>) target_semaphore(%arg11 : memref<!tpu.dma_semaphore, #tpu.memory_space<semaphore_mem>>)
    %mul3A_36 = arith.constant 16 : i32
    %mul3A_37 = arith.muli %mul3A_32, %mul3A_36 : i32
    %dma_start3A_38 = tpu.memref_slice %arg2[%mul3A_37] : memref<16384xi32, #tpu.memory_space<hbm>> -> memref<2048xi32, #tpu.memory_space<hbm>>
    %dma_start3A_39 = tpu.memref_slice %arg2[%mul3A_37] : memref<16384xi32, #tpu.memory_space<hbm>> -> memref<2048xi32, #tpu.memory_space<hbm>>
    tpu.enqueue_dma source(%dma_start3A_39 : memref<2048xi32, #tpu.memory_space<hbm>>) target(%arg8 : memref<2048xi32, #tpu.memory_space<vmem>>) target_semaphore(%arg11 : memref<!tpu.dma_semaphore, #tpu.memory_space<semaphore_mem>>)
    %dma_wait3A = tpu.memref_slice %arg4[%mul3A_34] : memref<63616xf32, #tpu.memory_space<hbm>> -> memref<15904xf32, #tpu.memory_space<hbm>>
    %dma_wait3A_40 = tpu.memref_slice %arg4[%mul3A_34] : memref<63616xf32, #tpu.memory_space<hbm>> -> memref<15904xf32, #tpu.memory_space<hbm>>
    tpu.wait_dma2 semaphore(%arg11 : memref<!tpu.dma_semaphore, #tpu.memory_space<semaphore_mem>>) src(%dma_wait3A_40 : memref<15904xf32, #tpu.memory_space<hbm>>) dst(%arg6 : memref<15904xf32, #tpu.memory_space<vmem>>)
    tpu.wait_dma2 semaphore(%arg11 : memref<!tpu.dma_semaphore, #tpu.memory_space<semaphore_mem>>) src(%arg3 : memref<1024xi32, #tpu.memory_space<hbm>>) dst(%arg7 : memref<1024xi32, #tpu.memory_space<vmem>>)
    %dma_wait3A_41 = tpu.memref_slice %arg2[%mul3A_37] : memref<16384xi32, #tpu.memory_space<hbm>> -> memref<2048xi32, #tpu.memory_space<hbm>>
    %dma_wait3A_42 = tpu.memref_slice %arg2[%mul3A_37] : memref<16384xi32, #tpu.memory_space<hbm>> -> memref<2048xi32, #tpu.memory_space<hbm>>
    tpu.wait_dma2 semaphore(%arg11 : memref<!tpu.dma_semaphore, #tpu.memory_space<semaphore_mem>>) src(%dma_wait3A_42 : memref<2048xi32, #tpu.memory_space<hbm>>) dst(%arg8 : memref<2048xi32, #tpu.memory_space<vmem>>)
    %scan3A = arith.constant 0 : i32
    %scan3A_43 = arith.constant 0 : i32
    %scan3A_44 = arith.constant 8 : i32
    %scan3A_45 = arith.addi %scan3A_43, %scan3A_44 : i32
    %scan3A_46 = arith.constant 1 : i32
    scf.for %scan3A_64 = %scan3A_43 to %scan3A_45 step %scan3A_46  : i32 {
      %mul3A_65 = arith.constant 16 : i32
      %mul3A_66 = arith.muli %scan3A_64, %mul3A_65 : i32
      %add3A_67 = arith.constant 0 : i32
      %add3A_68 = arith.addi %mul3A_66, %add3A_67 : i32
      %ge3A = arith.constant 1 : i32
      %ge3A_69 = arith.cmpi sge, %scan3A_64, %ge3A : i32
      %convert_element_type3A = arith.extui %ge3A_69 : i1 to i32
      %cond3A = arith.constant 0 : i32
      %cond3A_70 = arith.cmpi ne, %convert_element_type3A, %cond3A : i32
      scf.if %cond3A_70 {
        %dma_wait3A_232 = arith.constant 0 : i32
        %dma_wait3A_233 = arith.constant 0 : i32
        %dma_wait3A_234 = arith.constant 0 : i32
        %dma_wait3A_235 = tpu.memref_slice %arg5[%dma_wait3A_232, %dma_wait3A_233, %dma_wait3A_234] : memref<16x1024x1024xf32, #tpu.memory_space<hbm>> -> memref<4x8x1024xf32, #tpu.memory_space<hbm>>
        %dma_wait3A_236 = arith.constant 0 : i32
        %dma_wait3A_237 = arith.constant 0 : i32
        %dma_wait3A_238 = arith.constant 0 : i32
        %dma_wait3A_239 = tpu.memref_slice %arg5[%dma_wait3A_236, %dma_wait3A_237, %dma_wait3A_238] : memref<16x1024x1024xf32, #tpu.memory_space<hbm>> -> memref<4x8x1024xf32, #tpu.memory_space<hbm>>
        tpu.wait_dma2 semaphore(%arg11 : memref<!tpu.dma_semaphore, #tpu.memory_space<semaphore_mem>>) src(%arg9 : memref<4x8x1024xf32, #tpu.memory_space<vmem>>) dst(%dma_wait3A_239 : memref<4x8x1024xf32, #tpu.memory_space<hbm>>)
      } else {
      }
      %add3A_71 = arith.constant 0 : i32
      %add3A_72 = arith.addi %add3A_68, %add3A_71 : i32
      %add3A_73 = arith.constant 0 : i32
      %add3A_74 = arith.addi %add3A_72, %add3A_73 : i32
      %mul3A_75 = arith.constant 16 : i32
      %mul3A_76 = arith.muli %add3A_74, %mul3A_75 : i32
      %get3A = arith.index_cast %mul3A_76 : i32 to index
      %get3A_77 = tpu.vector_load %arg8[%get3A] {strides = array<i32>} : memref<2048xi32, #tpu.memory_space<vmem>>, vector<16xi32>,
      %add3A_78 = arith.constant 0 : i32
      %add3A_79 = arith.addi %add3A_68, %add3A_78 : i32
      %add3A_80 = arith.constant 1 : i32
      %add3A_81 = arith.addi %add3A_79, %add3A_80 : i32
      %mul3A_82 = arith.constant 16 : i32
      %mul3A_83 = arith.muli %add3A_81, %mul3A_82 : i32
      %get3A_84 = arith.index_cast %mul3A_83 : i32 to index
      %get3A_85 = tpu.vector_load %arg8[%get3A_84] {strides = array<i32>} : memref<2048xi32, #tpu.memory_space<vmem>>, vector<16xi32>,
      %add3A_86 = arith.constant 0 : i32
      %add3A_87 = arith.addi %add3A_68, %add3A_86 : i32
      %add3A_88 = arith.constant 2 : i32
      %add3A_89 = arith.addi %add3A_87, %add3A_88 : i32
      %mul3A_90 = arith.constant 16 : i32
      %mul3A_91 = arith.muli %add3A_89, %mul3A_90 : i32
      %get3A_92 = arith.index_cast %mul3A_91 : i32 to index
      %get3A_93 = tpu.vector_load %arg8[%get3A_92] {strides = array<i32>} : memref<2048xi32, #tpu.memory_space<vmem>>, vector<16xi32>,
      %add3A_94 = arith.constant 0 : i32
      %add3A_95 = arith.addi %add3A_68, %add3A_94 : i32
      %add3A_96 = arith.constant 3 : i32
      %add3A_97 = arith.addi %add3A_95, %add3A_96 : i32
      %mul3A_98 = arith.constant 16 : i32
      %mul3A_99 = arith.muli %add3A_97, %mul3A_98 : i32
      %get3A_100 = arith.index_cast %mul3A_99 : i32 to index
      %get3A_101 = tpu.vector_load %arg8[%get3A_100] {strides = array<i32>} : memref<2048xi32, #tpu.memory_space<vmem>>, vector<16xi32>,
      %parallel_loop3A = arith.constant 0 : i32
      %parallel_loop3A_102 = arith.constant 1024 : i32
      %parallel_loop3A_103 = arith.constant 16 : i32
      scf.for %parallel_loop3A_232 = %parallel_loop3A to %parallel_loop3A_102 step %parallel_loop3A_103  : i32 {
        %parallel_loop3A_233 = arith.index_cast %parallel_loop3A_232 : i32 to index
        %parallel_loop3A_234 = tpu.vector_load %arg7[%parallel_loop3A_233] {strides = array<i32>} : memref<1024xi32, #tpu.memory_space<vmem>>, vector<16xi32>,
        %parallel_loop3A_235 = arith.subi %get3A_77, %parallel_loop3A_234 : vector<16xi32>
        %parallel_loop3A_236 = arith.constant 0 : i32
        %parallel_loop3A_237 = vector.broadcast %parallel_loop3A_236 : i32 to vector<16xi32>
        %parallel_loop3A_238 = arith.addi %parallel_loop3A_235, %parallel_loop3A_237 : vector<16xi32>
        %parallel_loop3A_239 = tpu.vector_load_idx %arg6[%parallel_loop3A_238] : memref<15904xf32, #tpu.memory_space<vmem>>[vector<16xi32>], vector<16xf32>,
        %parallel_loop3A_240 = arith.constant 0 : i32
        %parallel_loop3A_241 = arith.constant 0 : i32
        %parallel_loop3A_242 = arith.index_cast %parallel_loop3A_240 : i32 to index
        %parallel_loop3A_243 = arith.index_cast %parallel_loop3A_241 : i32 to index
        %parallel_loop3A_244 = arith.index_cast %parallel_loop3A_232 : i32 to index
        %parallel_loop3A_245 = tpu.vector_load %arg9[%parallel_loop3A_242, %parallel_loop3A_243, %parallel_loop3A_244] {strides = array<i32>} : memref<4x8x1024xf32, #tpu.memory_space<vmem>>, vector<16xf32>,
        tpu.vector_store %arg9[%parallel_loop3A_242, %parallel_loop3A_243, %parallel_loop3A_244], %parallel_loop3A_239 {strides = array<i32>} : memref<4x8x1024xf32, #tpu.memory_space<vmem>>, vector<16xf32>,
        %parallel_loop3A_246 = arith.constant 3976 : i32
        %parallel_loop3A_247 = vector.broadcast %parallel_loop3A_246 : i32 to vector<16xi32>
        %parallel_loop3A_248 = arith.addi %parallel_loop3A_235, %parallel_loop3A_247 : vector<16xi32>
        %parallel_loop3A_249 = tpu.vector_load_idx %arg6[%parallel_loop3A_248] : memref<15904xf32, #tpu.memory_space<vmem>>[vector<16xi32>], vector<16xf32>,
        %parallel_loop3A_250 = arith.constant 1 : i32
        %parallel_loop3A_251 = arith.constant 0 : i32
        %parallel_loop3A_252 = arith.index_cast %parallel_loop3A_250 : i32 to index
        %parallel_loop3A_253 = arith.index_cast %parallel_loop3A_251 : i32 to index
        %parallel_loop3A_254 = arith.index_cast %parallel_loop3A_232 : i32 to index
        %parallel_loop3A_255 = tpu.vector_load %arg9[%parallel_loop3A_252, %parallel_loop3A_253, %parallel_loop3A_254] {strides = array<i32>} : memref<4x8x1024xf32, #tpu.memory_space<vmem>>, vector<16xf32>,
        tpu.vector_store %arg9[%parallel_loop3A_252, %parallel_loop3A_253, %parallel_loop3A_254], %parallel_loop3A_249 {strides = array<i32>} : memref<4x8x1024xf32, #tpu.memory_space<vmem>>, vector<16xf32>,
        %parallel_loop3A_256 = arith.constant 7952 : i32
        %parallel_loop3A_257 = vector.broadcast %parallel_loop3A_256 : i32 to vector<16xi32>
        %parallel_loop3A_258 = arith.addi %parallel_loop3A_235, %parallel_loop3A_257 : vector<16xi32>
        %parallel_loop3A_259 = tpu.vector_load_idx %arg6[%parallel_loop3A_258] : memref<15904xf32, #tpu.memory_space<vmem>>[vector<16xi32>], vector<16xf32>,
        %parallel_loop3A_260 = arith.constant 2 : i32
        %parallel_loop3A_261 = arith.constant 0 : i32
        %parallel_loop3A_262 = arith.index_cast %parallel_loop3A_260 : i32 to index
        %parallel_loop3A_263 = arith.index_cast %parallel_loop3A_261 : i32 to index
        %parallel_loop3A_264 = arith.index_cast %parallel_loop3A_232 : i32 to index
        %parallel_loop3A_265 = tpu.vector_load %arg9[%parallel_loop3A_262, %parallel_loop3A_263, %parallel_loop3A_264] {strides = array<i32>} : memref<4x8x1024xf32, #tpu.memory_space<vmem>>, vector<16xf32>,
        tpu.vector_store %arg9[%parallel_loop3A_262, %parallel_loop3A_263, %parallel_loop3A_264], %parallel_loop3A_259 {strides = array<i32>} : memref<4x8x1024xf32, #tpu.memory_space<vmem>>, vector<16xf32>,
        %parallel_loop3A_266 = arith.constant 11928 : i32
        %parallel_loop3A_267 = vector.broadcast %parallel_loop3A_266 : i32 to vector<16xi32>
        %parallel_loop3A_268 = arith.addi %parallel_loop3A_235, %parallel_loop3A_267 : vector<16xi32>
        %parallel_loop3A_269 = tpu.vector_load_idx %arg6[%parallel_loop3A_268] : memref<15904xf32, #tpu.memory_space<vmem>>[vector<16xi32>], vector<16xf32>,
        %parallel_loop3A_270 = arith.constant 3 : i32
        %parallel_loop3A_271 = arith.constant 0 : i32
        %parallel_loop3A_272 = arith.index_cast %parallel_loop3A_270 : i32 to index
        %parallel_loop3A_273 = arith.index_cast %parallel_loop3A_271 : i32 to index
        %parallel_loop3A_274 = arith.index_cast %parallel_loop3A_232 : i32 to index
        %parallel_loop3A_275 = tpu.vector_load %arg9[%parallel_loop3A_272, %parallel_loop3A_273, %parallel_loop3A_274] {strides = array<i32>} : memref<4x8x1024xf32, #tpu.memory_space<vmem>>, vector<16xf32>,
        tpu.vector_store %arg9[%parallel_loop3A_272, %parallel_loop3A_273, %parallel_loop3A_274], %parallel_loop3A_269 {strides = array<i32>} : memref<4x8x1024xf32, #tpu.memory_space<vmem>>, vector<16xf32>,
        %parallel_loop3A_276 = arith.subi %get3A_85, %parallel_loop3A_234 : vector<16xi32>
        %parallel_loop3A_277 = arith.constant 0 : i32
        %parallel_loop3A_278 = vector.broadcast %parallel_loop3A_277 : i32 to vector<16xi32>
        %parallel_loop3A_279 = arith.addi %parallel_loop3A_276, %parallel_loop3A_278 : vector<16xi32>
        %parallel_loop3A_280 = tpu.vector_load_idx %arg6[%parallel_loop3A_279] : memref<15904xf32, #tpu.memory_space<vmem>>[vector<16xi32>], vector<16xf32>,
        %parallel_loop3A_281 = arith.constant 0 : i32
        %parallel_loop3A_282 = arith.constant 1 : i32
        %parallel_loop3A_283 = arith.index_cast %parallel_loop3A_281 : i32 to index
        %parallel_loop3A_284 = arith.index_cast %parallel_loop3A_282 : i32 to index
        %parallel_loop3A_285 = arith.index_cast %parallel_loop3A_232 : i32 to index
        %parallel_loop3A_286 = tpu.vector_load %arg9[%parallel_loop3A_283, %parallel_loop3A_284, %parallel_loop3A_285] {strides = array<i32>} : memref<4x8x1024xf32, #tpu.memory_space<vmem>>, vector<16xf32>,
        tpu.vector_store %arg9[%parallel_loop3A_283, %parallel_loop3A_284, %parallel_loop3A_285], %parallel_loop3A_280 {strides = array<i32>} : memref<4x8x1024xf32, #tpu.memory_space<vmem>>, vector<16xf32>,
        %parallel_loop3A_287 = arith.constant 3976 : i32
        %parallel_loop3A_288 = vector.broadcast %parallel_loop3A_287 : i32 to vector<16xi32>
        %parallel_loop3A_289 = arith.addi %parallel_loop3A_276, %parallel_loop3A_288 : vector<16xi32>
        %parallel_loop3A_290 = tpu.vector_load_idx %arg6[%parallel_loop3A_289] : memref<15904xf32, #tpu.memory_space<vmem>>[vector<16xi32>], vector<16xf32>,
        %parallel_loop3A_291 = arith.constant 1 : i32
        %parallel_loop3A_292 = arith.constant 1 : i32
        %parallel_loop3A_293 = arith.index_cast %parallel_loop3A_291 : i32 to index
        %parallel_loop3A_294 = arith.index_cast %parallel_loop3A_292 : i32 to index
        %parallel_loop3A_295 = arith.index_cast %parallel_loop3A_232 : i32 to index
        %parallel_loop3A_296 = tpu.vector_load %arg9[%parallel_loop3A_293, %parallel_loop3A_294, %parallel_loop3A_295] {strides = array<i32>} : memref<4x8x1024xf32, #tpu.memory_space<vmem>>, vector<16xf32>,
        tpu.vector_store %arg9[%parallel_loop3A_293, %parallel_loop3A_294, %parallel_loop3A_295], %parallel_loop3A_290 {strides = array<i32>} : memref<4x8x1024xf32, #tpu.memory_space<vmem>>, vector<16xf32>,
        %parallel_loop3A_297 = arith.constant 7952 : i32
        %parallel_loop3A_298 = vector.broadcast %parallel_loop3A_297 : i32 to vector<16xi32>
        %parallel_loop3A_299 = arith.addi %parallel_loop3A_276, %parallel_loop3A_298 : vector<16xi32>
        %parallel_loop3A_300 = tpu.vector_load_idx %arg6[%parallel_loop3A_299] : memref<15904xf32, #tpu.memory_space<vmem>>[vector<16xi32>], vector<16xf32>,
        %parallel_loop3A_301 = arith.constant 2 : i32
        %parallel_loop3A_302 = arith.constant 1 : i32
        %parallel_loop3A_303 = arith.index_cast %parallel_loop3A_301 : i32 to index
        %parallel_loop3A_304 = arith.index_cast %parallel_loop3A_302 : i32 to index
        %parallel_loop3A_305 = arith.index_cast %parallel_loop3A_232 : i32 to index
        %parallel_loop3A_306 = tpu.vector_load %arg9[%parallel_loop3A_303, %parallel_loop3A_304, %parallel_loop3A_305] {strides = array<i32>} : memref<4x8x1024xf32, #tpu.memory_space<vmem>>, vector<16xf32>,
        tpu.vector_store %arg9[%parallel_loop3A_303, %parallel_loop3A_304, %parallel_loop3A_305], %parallel_loop3A_300 {strides = array<i32>} : memref<4x8x1024xf32, #tpu.memory_space<vmem>>, vector<16xf32>,
        %parallel_loop3A_307 = arith.constant 11928 : i32
        %parallel_loop3A_308 = vector.broadcast %parallel_loop3A_307 : i32 to vector<16xi32>
        %parallel_loop3A_309 = arith.addi %parallel_loop3A_276, %parallel_loop3A_308 : vector<16xi32>
        %parallel_loop3A_310 = tpu.vector_load_idx %arg6[%parallel_loop3A_309] : memref<15904xf32, #tpu.memory_space<vmem>>[vector<16xi32>], vector<16xf32>,
        %parallel_loop3A_311 = arith.constant 3 : i32
        %parallel_loop3A_312 = arith.constant 1 : i32
        %parallel_loop3A_313 = arith.index_cast %parallel_loop3A_311 : i32 to index
        %parallel_loop3A_314 = arith.index_cast %parallel_loop3A_312 : i32 to index
        %parallel_loop3A_315 = arith.index_cast %parallel_loop3A_232 : i32 to index
        %parallel_loop3A_316 = tpu.vector_load %arg9[%parallel_loop3A_313, %parallel_loop3A_314, %parallel_loop3A_315] {strides = array<i32>} : memref<4x8x1024xf32, #tpu.memory_space<vmem>>, vector<16xf32>,
        tpu.vector_store %arg9[%parallel_loop3A_313, %parallel_loop3A_314, %parallel_loop3A_315], %parallel_loop3A_310 {strides = array<i32>} : memref<4x8x1024xf32, #tpu.memory_space<vmem>>, vector<16xf32>,
        %parallel_loop3A_317 = arith.subi %get3A_93, %parallel_loop3A_234 : vector<16xi32>
        %parallel_loop3A_318 = arith.constant 0 : i32
        %parallel_loop3A_319 = vector.broadcast %parallel_loop3A_318 : i32 to vector<16xi32>
        %parallel_loop3A_320 = arith.addi %parallel_loop3A_317, %parallel_loop3A_319 : vector<16xi32>
        %parallel_loop3A_321 = tpu.vector_load_idx %arg6[%parallel_loop3A_320] : memref<15904xf32, #tpu.memory_space<vmem>>[vector<16xi32>], vector<16xf32>,
        %parallel_loop3A_322 = arith.constant 0 : i32
        %parallel_loop3A_323 = arith.constant 2 : i32
        %parallel_loop3A_324 = arith.index_cast %parallel_loop3A_322 : i32 to index
        %parallel_loop3A_325 = arith.index_cast %parallel_loop3A_323 : i32 to index
        %parallel_loop3A_326 = arith.index_cast %parallel_loop3A_232 : i32 to index
        %parallel_loop3A_327 = tpu.vector_load %arg9[%parallel_loop3A_324, %parallel_loop3A_325, %parallel_loop3A_326] {strides = array<i32>} : memref<4x8x1024xf32, #tpu.memory_space<vmem>>, vector<16xf32>,
        tpu.vector_store %arg9[%parallel_loop3A_324, %parallel_loop3A_325, %parallel_loop3A_326], %parallel_loop3A_321 {strides = array<i32>} : memref<4x8x1024xf32, #tpu.memory_space<vmem>>, vector<16xf32>,
        %parallel_loop3A_328 = arith.constant 3976 : i32
        %parallel_loop3A_329 = vector.broadcast %parallel_loop3A_328 : i32 to vector<16xi32>
        %parallel_loop3A_330 = arith.addi %parallel_loop3A_317, %parallel_loop3A_329 : vector<16xi32>
        %parallel_loop3A_331 = tpu.vector_load_idx %arg6[%parallel_loop3A_330] : memref<15904xf32, #tpu.memory_space<vmem>>[vector<16xi32>], vector<16xf32>,
        %parallel_loop3A_332 = arith.constant 1 : i32
        %parallel_loop3A_333 = arith.constant 2 : i32
        %parallel_loop3A_334 = arith.index_cast %parallel_loop3A_332 : i32 to index
        %parallel_loop3A_335 = arith.index_cast %parallel_loop3A_333 : i32 to index
        %parallel_loop3A_336 = arith.index_cast %parallel_loop3A_232 : i32 to index
        %parallel_loop3A_337 = tpu.vector_load %arg9[%parallel_loop3A_334, %parallel_loop3A_335, %parallel_loop3A_336] {strides = array<i32>} : memref<4x8x1024xf32, #tpu.memory_space<vmem>>, vector<16xf32>,
        tpu.vector_store %arg9[%parallel_loop3A_334, %parallel_loop3A_335, %parallel_loop3A_336], %parallel_loop3A_331 {strides = array<i32>} : memref<4x8x1024xf32, #tpu.memory_space<vmem>>, vector<16xf32>,
        %parallel_loop3A_338 = arith.constant 7952 : i32
        %parallel_loop3A_339 = vector.broadcast %parallel_loop3A_338 : i32 to vector<16xi32>
        %parallel_loop3A_340 = arith.addi %parallel_loop3A_317, %parallel_loop3A_339 : vector<16xi32>
        %parallel_loop3A_341 = tpu.vector_load_idx %arg6[%parallel_loop3A_340] : memref<15904xf32, #tpu.memory_space<vmem>>[vector<16xi32>], vector<16xf32>,
        %parallel_loop3A_342 = arith.constant 2 : i32
        %parallel_loop3A_343 = arith.constant 2 : i32
        %parallel_loop3A_344 = arith.index_cast %parallel_loop3A_342 : i32 to index
        %parallel_loop3A_345 = arith.index_cast %parallel_loop3A_343 : i32 to index
        %parallel_loop3A_346 = arith.index_cast %parallel_loop3A_232 : i32 to index
        %parallel_loop3A_347 = tpu.vector_load %arg9[%parallel_loop3A_344, %parallel_loop3A_345, %parallel_loop3A_346] {strides = array<i32>} : memref<4x8x1024xf32, #tpu.memory_space<vmem>>, vector<16xf32>,
        tpu.vector_store %arg9[%parallel_loop3A_344, %parallel_loop3A_345, %parallel_loop3A_346], %parallel_loop3A_341 {strides = array<i32>} : memref<4x8x1024xf32, #tpu.memory_space<vmem>>, vector<16xf32>,
        %parallel_loop3A_348 = arith.constant 11928 : i32
        %parallel_loop3A_349 = vector.broadcast %parallel_loop3A_348 : i32 to vector<16xi32>
        %parallel_loop3A_350 = arith.addi %parallel_loop3A_317, %parallel_loop3A_349 : vector<16xi32>
        %parallel_loop3A_351 = tpu.vector_load_idx %arg6[%parallel_loop3A_350] : memref<15904xf32, #tpu.memory_space<vmem>>[vector<16xi32>], vector<16xf32>,
        %parallel_loop3A_352 = arith.constant 3 : i32
        %parallel_loop3A_353 = arith.constant 2 : i32
        %parallel_loop3A_354 = arith.index_cast %parallel_loop3A_352 : i32 to index
        %parallel_loop3A_355 = arith.index_cast %parallel_loop3A_353 : i32 to index
        %parallel_loop3A_356 = arith.index_cast %parallel_loop3A_232 : i32 to index
        %parallel_loop3A_357 = tpu.vector_load %arg9[%parallel_loop3A_354, %parallel_loop3A_355, %parallel_loop3A_356] {strides = array<i32>} : memref<4x8x1024xf32, #tpu.memory_space<vmem>>, vector<16xf32>,
        tpu.vector_store %arg9[%parallel_loop3A_354, %parallel_loop3A_355, %parallel_loop3A_356], %parallel_loop3A_351 {strides = array<i32>} : memref<4x8x1024xf32, #tpu.memory_space<vmem>>, vector<16xf32>,
        %parallel_loop3A_358 = arith.subi %get3A_101, %parallel_loop3A_234 : vector<16xi32>
        %parallel_loop3A_359 = arith.constant 0 : i32
        %parallel_loop3A_360 = vector.broadcast %parallel_loop3A_359 : i32 to vector<16xi32>
        %parallel_loop3A_361 = arith.addi %parallel_loop3A_358, %parallel_loop3A_360 : vector<16xi32>
        %parallel_loop3A_362 = tpu.vector_load_idx %arg6[%parallel_loop3A_361] : memref<15904xf32, #tpu.memory_space<vmem>>[vector<16xi32>], vector<16xf32>,
        %parallel_loop3A_363 = arith.constant 0 : i32
        %parallel_loop3A_364 = arith.constant 3 : i32
        %parallel_loop3A_365 = arith.index_cast %parallel_loop3A_363 : i32 to index
        %parallel_loop3A_366 = arith.index_cast %parallel_loop3A_364 : i32 to index
        %parallel_loop3A_367 = arith.index_cast %parallel_loop3A_232 : i32 to index
        %parallel_loop3A_368 = tpu.vector_load %arg9[%parallel_loop3A_365, %parallel_loop3A_366, %parallel_loop3A_367] {strides = array<i32>} : memref<4x8x1024xf32, #tpu.memory_space<vmem>>, vector<16xf32>,
        tpu.vector_store %arg9[%parallel_loop3A_365, %parallel_loop3A_366, %parallel_loop3A_367], %parallel_loop3A_362 {strides = array<i32>} : memref<4x8x1024xf32, #tpu.memory_space<vmem>>, vector<16xf32>,
        %parallel_loop3A_369 = arith.constant 3976 : i32
        %parallel_loop3A_370 = vector.broadcast %parallel_loop3A_369 : i32 to vector<16xi32>
        %parallel_loop3A_371 = arith.addi %parallel_loop3A_358, %parallel_loop3A_370 : vector<16xi32>
        %parallel_loop3A_372 = tpu.vector_load_idx %arg6[%parallel_loop3A_371] : memref<15904xf32, #tpu.memory_space<vmem>>[vector<16xi32>], vector<16xf32>,
        %parallel_loop3A_373 = arith.constant 1 : i32
        %parallel_loop3A_374 = arith.constant 3 : i32
        %parallel_loop3A_375 = arith.index_cast %parallel_loop3A_373 : i32 to index
        %parallel_loop3A_376 = arith.index_cast %parallel_loop3A_374 : i32 to index
        %parallel_loop3A_377 = arith.index_cast %parallel_loop3A_232 : i32 to index
        %parallel_loop3A_378 = tpu.vector_load %arg9[%parallel_loop3A_375, %parallel_loop3A_376, %parallel_loop3A_377] {strides = array<i32>} : memref<4x8x1024xf32, #tpu.memory_space<vmem>>, vector<16xf32>,
        tpu.vector_store %arg9[%parallel_loop3A_375, %parallel_loop3A_376, %parallel_loop3A_377], %parallel_loop3A_372 {strides = array<i32>} : memref<4x8x1024xf32, #tpu.memory_space<vmem>>, vector<16xf32>,
        %parallel_loop3A_379 = arith.constant 7952 : i32
        %parallel_loop3A_380 = vector.broadcast %parallel_loop3A_379 : i32 to vector<16xi32>
        %parallel_loop3A_381 = arith.addi %parallel_loop3A_358, %parallel_loop3A_380 : vector<16xi32>
        %parallel_loop3A_382 = tpu.vector_load_idx %arg6[%parallel_loop3A_381] : memref<15904xf32, #tpu.memory_space<vmem>>[vector<16xi32>], vector<16xf32>,
        %parallel_loop3A_383 = arith.constant 2 : i32
        %parallel_loop3A_384 = arith.constant 3 : i32
        %parallel_loop3A_385 = arith.index_cast %parallel_loop3A_383 : i32 to index
        %parallel_loop3A_386 = arith.index_cast %parallel_loop3A_384 : i32 to index
        %parallel_loop3A_387 = arith.index_cast %parallel_loop3A_232 : i32 to index
        %parallel_loop3A_388 = tpu.vector_load %arg9[%parallel_loop3A_385, %parallel_loop3A_386, %parallel_loop3A_387] {strides = array<i32>} : memref<4x8x1024xf32, #tpu.memory_space<vmem>>, vector<16xf32>,
        tpu.vector_store %arg9[%parallel_loop3A_385, %parallel_loop3A_386, %parallel_loop3A_387], %parallel_loop3A_382 {strides = array<i32>} : memref<4x8x1024xf32, #tpu.memory_space<vmem>>, vector<16xf32>,
        %parallel_loop3A_389 = arith.constant 11928 : i32
        %parallel_loop3A_390 = vector.broadcast %parallel_loop3A_389 : i32 to vector<16xi32>
        %parallel_loop3A_391 = arith.addi %parallel_loop3A_358, %parallel_loop3A_390 : vector<16xi32>
        %parallel_loop3A_392 = tpu.vector_load_idx %arg6[%parallel_loop3A_391] : memref<15904xf32, #tpu.memory_space<vmem>>[vector<16xi32>], vector<16xf32>,
        %parallel_loop3A_393 = arith.constant 3 : i32
        %parallel_loop3A_394 = arith.constant 3 : i32
        %parallel_loop3A_395 = arith.index_cast %parallel_loop3A_393 : i32 to index
        %parallel_loop3A_396 = arith.index_cast %parallel_loop3A_394 : i32 to index
        %parallel_loop3A_397 = arith.index_cast %parallel_loop3A_232 : i32 to index
        %parallel_loop3A_398 = tpu.vector_load %arg9[%parallel_loop3A_395, %parallel_loop3A_396, %parallel_loop3A_397] {strides = array<i32>} : memref<4x8x1024xf32, #tpu.memory_space<vmem>>, vector<16xf32>,
        tpu.vector_store %arg9[%parallel_loop3A_395, %parallel_loop3A_396, %parallel_loop3A_397], %parallel_loop3A_392 {strides = array<i32>} : memref<4x8x1024xf32, #tpu.memory_space<vmem>>, vector<16xf32>,
      } {sc.loop_unroll_factor = 2 : i64, sc.parallel_access}
      %add3A_104 = arith.constant 4 : i32
      %add3A_105 = arith.addi %add3A_68, %add3A_104 : i32
      %add3A_106 = arith.constant 0 : i32
      %add3A_107 = arith.addi %add3A_105, %add3A_106 : i32
      %mul3A_108 = arith.constant 16 : i32
      %mul3A_109 = arith.muli %add3A_107, %mul3A_108 : i32
      %get3A_110 = arith.index_cast %mul3A_109 : i32 to index
      %get3A_111 = tpu.vector_load %arg8[%get3A_110] {strides = array<i32>} : memref<2048xi32, #tpu.memory_space<vmem>>, vector<16xi32>,
      %add3A_112 = arith.constant 4 : i32
      %add3A_113 = arith.addi %add3A_68, %add3A_112 : i32
      %add3A_114 = arith.constant 1 : i32
      %add3A_115 = arith.addi %add3A_113, %add3A_114 : i32
      %mul3A_116 = arith.constant 16 : i32
      %mul3A_117 = arith.muli %add3A_115, %mul3A_116 : i32
      %get3A_118 = arith.index_cast %mul3A_117 : i32 to index
      %get3A_119 = tpu.vector_load %arg8[%get3A_118] {strides = array<i32>} : memref<2048xi32, #tpu.memory_space<vmem>>, vector<16xi32>,
      %add3A_120 = arith.constant 4 : i32
      %add3A_121 = arith.addi %add3A_68, %add3A_120 : i32
      %add3A_122 = arith.constant 2 : i32
      %add3A_123 = arith.addi %add3A_121, %add3A_122 : i32
      %mul3A_124 = arith.constant 16 : i32
      %mul3A_125 = arith.muli %add3A_123, %mul3A_124 : i32
      %get3A_126 = arith.index_cast %mul3A_125 : i32 to index
      %get3A_127 = tpu.vector_load %arg8[%get3A_126] {strides = array<i32>} : memref<2048xi32, #tpu.memory_space<vmem>>, vector<16xi32>,
      %add3A_128 = arith.constant 4 : i32
      %add3A_129 = arith.addi %add3A_68, %add3A_128 : i32
      %add3A_130 = arith.constant 3 : i32
      %add3A_131 = arith.addi %add3A_129, %add3A_130 : i32
      %mul3A_132 = arith.constant 16 : i32
      %mul3A_133 = arith.muli %add3A_131, %mul3A_132 : i32
      %get3A_134 = arith.index_cast %mul3A_133 : i32 to index
      %get3A_135 = tpu.vector_load %arg8[%get3A_134] {strides = array<i32>} : memref<2048xi32, #tpu.memory_space<vmem>>, vector<16xi32>,
      %parallel_loop3A_136 = arith.constant 0 : i32
      %parallel_loop3A_137 = arith.constant 1024 : i32
      %parallel_loop3A_138 = arith.constant 16 : i32
      scf.for %parallel_loop3A_232 = %parallel_loop3A_136 to %parallel_loop3A_137 step %parallel_loop3A_138  : i32 {
        %parallel_loop3A_233 = arith.index_cast %parallel_loop3A_232 : i32 to index
        %parallel_loop3A_234 = tpu.vector_load %arg7[%parallel_loop3A_233] {strides = array<i32>} : memref<1024xi32, #tpu.memory_space<vmem>>, vector<16xi32>,
        %parallel_loop3A_235 = arith.subi %get3A_111, %parallel_loop3A_234 : vector<16xi32>
        %parallel_loop3A_236 = arith.constant 0 : i32
        %parallel_loop3A_237 = vector.broadcast %parallel_loop3A_236 : i32 to vector<16xi32>
        %parallel_loop3A_238 = arith.addi %parallel_loop3A_235, %parallel_loop3A_237 : vector<16xi32>
        %parallel_loop3A_239 = tpu.vector_load_idx %arg6[%parallel_loop3A_238] : memref<15904xf32, #tpu.memory_space<vmem>>[vector<16xi32>], vector<16xf32>,
        %parallel_loop3A_240 = arith.constant 0 : i32
        %parallel_loop3A_241 = arith.constant 4 : i32
        %parallel_loop3A_242 = arith.index_cast %parallel_loop3A_240 : i32 to index
        %parallel_loop3A_243 = arith.index_cast %parallel_loop3A_241 : i32 to index
        %parallel_loop3A_244 = arith.index_cast %parallel_loop3A_232 : i32 to index
        %parallel_loop3A_245 = tpu.vector_load %arg9[%parallel_loop3A_242, %parallel_loop3A_243, %parallel_loop3A_244] {strides = array<i32>} : memref<4x8x1024xf32, #tpu.memory_space<vmem>>, vector<16xf32>,
        tpu.vector_store %arg9[%parallel_loop3A_242, %parallel_loop3A_243, %parallel_loop3A_244], %parallel_loop3A_239 {strides = array<i32>} : memref<4x8x1024xf32, #tpu.memory_space<vmem>>, vector<16xf32>,
        %parallel_loop3A_246 = arith.constant 3976 : i32
        %parallel_loop3A_247 = vector.broadcast %parallel_loop3A_246 : i32 to vector<16xi32>
        %parallel_loop3A_248 = arith.addi %parallel_loop3A_235, %parallel_loop3A_247 : vector<16xi32>
        %parallel_loop3A_249 = tpu.vector_load_idx %arg6[%parallel_loop3A_248] : memref<15904xf32, #tpu.memory_space<vmem>>[vector<16xi32>], vector<16xf32>,
        %parallel_loop3A_250 = arith.constant 1 : i32
        %parallel_loop3A_251 = arith.constant 4 : i32
        %parallel_loop3A_252 = arith.index_cast %parallel_loop3A_250 : i32 to index
        %parallel_loop3A_253 = arith.index_cast %parallel_loop3A_251 : i32 to index
        %parallel_loop3A_254 = arith.index_cast %parallel_loop3A_232 : i32 to index
        %parallel_loop3A_255 = tpu.vector_load %arg9[%parallel_loop3A_252, %parallel_loop3A_253, %parallel_loop3A_254] {strides = array<i32>} : memref<4x8x1024xf32, #tpu.memory_space<vmem>>, vector<16xf32>,
        tpu.vector_store %arg9[%parallel_loop3A_252, %parallel_loop3A_253, %parallel_loop3A_254], %parallel_loop3A_249 {strides = array<i32>} : memref<4x8x1024xf32, #tpu.memory_space<vmem>>, vector<16xf32>,
        %parallel_loop3A_256 = arith.constant 7952 : i32
        %parallel_loop3A_257 = vector.broadcast %parallel_loop3A_256 : i32 to vector<16xi32>
        %parallel_loop3A_258 = arith.addi %parallel_loop3A_235, %parallel_loop3A_257 : vector<16xi32>
        %parallel_loop3A_259 = tpu.vector_load_idx %arg6[%parallel_loop3A_258] : memref<15904xf32, #tpu.memory_space<vmem>>[vector<16xi32>], vector<16xf32>,
        %parallel_loop3A_260 = arith.constant 2 : i32
        %parallel_loop3A_261 = arith.constant 4 : i32
        %parallel_loop3A_262 = arith.index_cast %parallel_loop3A_260 : i32 to index
        %parallel_loop3A_263 = arith.index_cast %parallel_loop3A_261 : i32 to index
        %parallel_loop3A_264 = arith.index_cast %parallel_loop3A_232 : i32 to index
        %parallel_loop3A_265 = tpu.vector_load %arg9[%parallel_loop3A_262, %parallel_loop3A_263, %parallel_loop3A_264] {strides = array<i32>} : memref<4x8x1024xf32, #tpu.memory_space<vmem>>, vector<16xf32>,
        tpu.vector_store %arg9[%parallel_loop3A_262, %parallel_loop3A_263, %parallel_loop3A_264], %parallel_loop3A_259 {strides = array<i32>} : memref<4x8x1024xf32, #tpu.memory_space<vmem>>, vector<16xf32>,
        %parallel_loop3A_266 = arith.constant 11928 : i32
        %parallel_loop3A_267 = vector.broadcast %parallel_loop3A_266 : i32 to vector<16xi32>
        %parallel_loop3A_268 = arith.addi %parallel_loop3A_235, %parallel_loop3A_267 : vector<16xi32>
        %parallel_loop3A_269 = tpu.vector_load_idx %arg6[%parallel_loop3A_268] : memref<15904xf32, #tpu.memory_space<vmem>>[vector<16xi32>], vector<16xf32>,
        %parallel_loop3A_270 = arith.constant 3 : i32
        %parallel_loop3A_271 = arith.constant 4 : i32
        %parallel_loop3A_272 = arith.index_cast %parallel_loop3A_270 : i32 to index
        %parallel_loop3A_273 = arith.index_cast %parallel_loop3A_271 : i32 to index
        %parallel_loop3A_274 = arith.index_cast %parallel_loop3A_232 : i32 to index
        %parallel_loop3A_275 = tpu.vector_load %arg9[%parallel_loop3A_272, %parallel_loop3A_273, %parallel_loop3A_274] {strides = array<i32>} : memref<4x8x1024xf32, #tpu.memory_space<vmem>>, vector<16xf32>,
        tpu.vector_store %arg9[%parallel_loop3A_272, %parallel_loop3A_273, %parallel_loop3A_274], %parallel_loop3A_269 {strides = array<i32>} : memref<4x8x1024xf32, #tpu.memory_space<vmem>>, vector<16xf32>,
        %parallel_loop3A_276 = arith.subi %get3A_119, %parallel_loop3A_234 : vector<16xi32>
        %parallel_loop3A_277 = arith.constant 0 : i32
        %parallel_loop3A_278 = vector.broadcast %parallel_loop3A_277 : i32 to vector<16xi32>
        %parallel_loop3A_279 = arith.addi %parallel_loop3A_276, %parallel_loop3A_278 : vector<16xi32>
        %parallel_loop3A_280 = tpu.vector_load_idx %arg6[%parallel_loop3A_279] : memref<15904xf32, #tpu.memory_space<vmem>>[vector<16xi32>], vector<16xf32>,
        %parallel_loop3A_281 = arith.constant 0 : i32
        %parallel_loop3A_282 = arith.constant 5 : i32
        %parallel_loop3A_283 = arith.index_cast %parallel_loop3A_281 : i32 to index
        %parallel_loop3A_284 = arith.index_cast %parallel_loop3A_282 : i32 to index
        %parallel_loop3A_285 = arith.index_cast %parallel_loop3A_232 : i32 to index
        %parallel_loop3A_286 = tpu.vector_load %arg9[%parallel_loop3A_283, %parallel_loop3A_284, %parallel_loop3A_285] {strides = array<i32>} : memref<4x8x1024xf32, #tpu.memory_space<vmem>>, vector<16xf32>,
        tpu.vector_store %arg9[%parallel_loop3A_283, %parallel_loop3A_284, %parallel_loop3A_285], %parallel_loop3A_280 {strides = array<i32>} : memref<4x8x1024xf32, #tpu.memory_space<vmem>>, vector<16xf32>,
        %parallel_loop3A_287 = arith.constant 3976 : i32
        %parallel_loop3A_288 = vector.broadcast %parallel_loop3A_287 : i32 to vector<16xi32>
        %parallel_loop3A_289 = arith.addi %parallel_loop3A_276, %parallel_loop3A_288 : vector<16xi32>
        %parallel_loop3A_290 = tpu.vector_load_idx %arg6[%parallel_loop3A_289] : memref<15904xf32, #tpu.memory_space<vmem>>[vector<16xi32>], vector<16xf32>,
        %parallel_loop3A_291 = arith.constant 1 : i32
        %parallel_loop3A_292 = arith.constant 5 : i32
        %parallel_loop3A_293 = arith.index_cast %parallel_loop3A_291 : i32 to index
        %parallel_loop3A_294 = arith.index_cast %parallel_loop3A_292 : i32 to index
        %parallel_loop3A_295 = arith.index_cast %parallel_loop3A_232 : i32 to index
        %parallel_loop3A_296 = tpu.vector_load %arg9[%parallel_loop3A_293, %parallel_loop3A_294, %parallel_loop3A_295] {strides = array<i32>} : memref<4x8x1024xf32, #tpu.memory_space<vmem>>, vector<16xf32>,
        tpu.vector_store %arg9[%parallel_loop3A_293, %parallel_loop3A_294, %parallel_loop3A_295], %parallel_loop3A_290 {strides = array<i32>} : memref<4x8x1024xf32, #tpu.memory_space<vmem>>, vector<16xf32>,
        %parallel_loop3A_297 = arith.constant 7952 : i32
        %parallel_loop3A_298 = vector.broadcast %parallel_loop3A_297 : i32 to vector<16xi32>
        %parallel_loop3A_299 = arith.addi %parallel_loop3A_276, %parallel_loop3A_298 : vector<16xi32>
        %parallel_loop3A_300 = tpu.vector_load_idx %arg6[%parallel_loop3A_299] : memref<15904xf32, #tpu.memory_space<vmem>>[vector<16xi32>], vector<16xf32>,
        %parallel_loop3A_301 = arith.constant 2 : i32
        %parallel_loop3A_302 = arith.constant 5 : i32
        %parallel_loop3A_303 = arith.index_cast %parallel_loop3A_301 : i32 to index
        %parallel_loop3A_304 = arith.index_cast %parallel_loop3A_302 : i32 to index
        %parallel_loop3A_305 = arith.index_cast %parallel_loop3A_232 : i32 to index
        %parallel_loop3A_306 = tpu.vector_load %arg9[%parallel_loop3A_303, %parallel_loop3A_304, %parallel_loop3A_305] {strides = array<i32>} : memref<4x8x1024xf32, #tpu.memory_space<vmem>>, vector<16xf32>,
        tpu.vector_store %arg9[%parallel_loop3A_303, %parallel_loop3A_304, %parallel_loop3A_305], %parallel_loop3A_300 {strides = array<i32>} : memref<4x8x1024xf32, #tpu.memory_space<vmem>>, vector<16xf32>,
        %parallel_loop3A_307 = arith.constant 11928 : i32
        %parallel_loop3A_308 = vector.broadcast %parallel_loop3A_307 : i32 to vector<16xi32>
        %parallel_loop3A_309 = arith.addi %parallel_loop3A_276, %parallel_loop3A_308 : vector<16xi32>
        %parallel_loop3A_310 = tpu.vector_load_idx %arg6[%parallel_loop3A_309] : memref<15904xf32, #tpu.memory_space<vmem>>[vector<16xi32>], vector<16xf32>,
        %parallel_loop3A_311 = arith.constant 3 : i32
        %parallel_loop3A_312 = arith.constant 5 : i32
        %parallel_loop3A_313 = arith.index_cast %parallel_loop3A_311 : i32 to index
        %parallel_loop3A_314 = arith.index_cast %parallel_loop3A_312 : i32 to index
        %parallel_loop3A_315 = arith.index_cast %parallel_loop3A_232 : i32 to index
        %parallel_loop3A_316 = tpu.vector_load %arg9[%parallel_loop3A_313, %parallel_loop3A_314, %parallel_loop3A_315] {strides = array<i32>} : memref<4x8x1024xf32, #tpu.memory_space<vmem>>, vector<16xf32>,
        tpu.vector_store %arg9[%parallel_loop3A_313, %parallel_loop3A_314, %parallel_loop3A_315], %parallel_loop3A_310 {strides = array<i32>} : memref<4x8x1024xf32, #tpu.memory_space<vmem>>, vector<16xf32>,
        %parallel_loop3A_317 = arith.subi %get3A_127, %parallel_loop3A_234 : vector<16xi32>
        %parallel_loop3A_318 = arith.constant 0 : i32
        %parallel_loop3A_319 = vector.broadcast %parallel_loop3A_318 : i32 to vector<16xi32>
        %parallel_loop3A_320 = arith.addi %parallel_loop3A_317, %parallel_loop3A_319 : vector<16xi32>
        %parallel_loop3A_321 = tpu.vector_load_idx %arg6[%parallel_loop3A_320] : memref<15904xf32, #tpu.memory_space<vmem>>[vector<16xi32>], vector<16xf32>,
        %parallel_loop3A_322 = arith.constant 0 : i32
        %parallel_loop3A_323 = arith.constant 6 : i32
        %parallel_loop3A_324 = arith.index_cast %parallel_loop3A_322 : i32 to index
        %parallel_loop3A_325 = arith.index_cast %parallel_loop3A_323 : i32 to index
        %parallel_loop3A_326 = arith.index_cast %parallel_loop3A_232 : i32 to index
        %parallel_loop3A_327 = tpu.vector_load %arg9[%parallel_loop3A_324, %parallel_loop3A_325, %parallel_loop3A_326] {strides = array<i32>} : memref<4x8x1024xf32, #tpu.memory_space<vmem>>, vector<16xf32>,
        tpu.vector_store %arg9[%parallel_loop3A_324, %parallel_loop3A_325, %parallel_loop3A_326], %parallel_loop3A_321 {strides = array<i32>} : memref<4x8x1024xf32, #tpu.memory_space<vmem>>, vector<16xf32>,
        %parallel_loop3A_328 = arith.constant 3976 : i32
        %parallel_loop3A_329 = vector.broadcast %parallel_loop3A_328 : i32 to vector<16xi32>
        %parallel_loop3A_330 = arith.addi %parallel_loop3A_317, %parallel_loop3A_329 : vector<16xi32>
        %parallel_loop3A_331 = tpu.vector_load_idx %arg6[%parallel_loop3A_330] : memref<15904xf32, #tpu.memory_space<vmem>>[vector<16xi32>], vector<16xf32>,
        %parallel_loop3A_332 = arith.constant 1 : i32
        %parallel_loop3A_333 = arith.constant 6 : i32
        %parallel_loop3A_334 = arith.index_cast %parallel_loop3A_332 : i32 to index
        %parallel_loop3A_335 = arith.index_cast %parallel_loop3A_333 : i32 to index
        %parallel_loop3A_336 = arith.index_cast %parallel_loop3A_232 : i32 to index
        %parallel_loop3A_337 = tpu.vector_load %arg9[%parallel_loop3A_334, %parallel_loop3A_335, %parallel_loop3A_336] {strides = array<i32>} : memref<4x8x1024xf32, #tpu.memory_space<vmem>>, vector<16xf32>,
        tpu.vector_store %arg9[%parallel_loop3A_334, %parallel_loop3A_335, %parallel_loop3A_336], %parallel_loop3A_331 {strides = array<i32>} : memref<4x8x1024xf32, #tpu.memory_space<vmem>>, vector<16xf32>,
        %parallel_loop3A_338 = arith.constant 7952 : i32
        %parallel_loop3A_339 = vector.broadcast %parallel_loop3A_338 : i32 to vector<16xi32>
        %parallel_loop3A_340 = arith.addi %parallel_loop3A_317, %parallel_loop3A_339 : vector<16xi32>
        %parallel_loop3A_341 = tpu.vector_load_idx %arg6[%parallel_loop3A_340] : memref<15904xf32, #tpu.memory_space<vmem>>[vector<16xi32>], vector<16xf32>,
        %parallel_loop3A_342 = arith.constant 2 : i32
        %parallel_loop3A_343 = arith.constant 6 : i32
        %parallel_loop3A_344 = arith.index_cast %parallel_loop3A_342 : i32 to index
        %parallel_loop3A_345 = arith.index_cast %parallel_loop3A_343 : i32 to index
        %parallel_loop3A_346 = arith.index_cast %parallel_loop3A_232 : i32 to index
        %parallel_loop3A_347 = tpu.vector_load %arg9[%parallel_loop3A_344, %parallel_loop3A_345, %parallel_loop3A_346] {strides = array<i32>} : memref<4x8x1024xf32, #tpu.memory_space<vmem>>, vector<16xf32>,
        tpu.vector_store %arg9[%parallel_loop3A_344, %parallel_loop3A_345, %parallel_loop3A_346], %parallel_loop3A_341 {strides = array<i32>} : memref<4x8x1024xf32, #tpu.memory_space<vmem>>, vector<16xf32>,
        %parallel_loop3A_348 = arith.constant 11928 : i32
        %parallel_loop3A_349 = vector.broadcast %parallel_loop3A_348 : i32 to vector<16xi32>
        %parallel_loop3A_350 = arith.addi %parallel_loop3A_317, %parallel_loop3A_349 : vector<16xi32>
        %parallel_loop3A_351 = tpu.vector_load_idx %arg6[%parallel_loop3A_350] : memref<15904xf32, #tpu.memory_space<vmem>>[vector<16xi32>], vector<16xf32>,
        %parallel_loop3A_352 = arith.constant 3 : i32
        %parallel_loop3A_353 = arith.constant 6 : i32
        %parallel_loop3A_354 = arith.index_cast %parallel_loop3A_352 : i32 to index
        %parallel_loop3A_355 = arith.index_cast %parallel_loop3A_353 : i32 to index
        %parallel_loop3A_356 = arith.index_cast %parallel_loop3A_232 : i32 to index
        %parallel_loop3A_357 = tpu.vector_load %arg9[%parallel_loop3A_354, %parallel_loop3A_355, %parallel_loop3A_356] {strides = array<i32>} : memref<4x8x1024xf32, #tpu.memory_space<vmem>>, vector<16xf32>,
        tpu.vector_store %arg9[%parallel_loop3A_354, %parallel_loop3A_355, %parallel_loop3A_356], %parallel_loop3A_351 {strides = array<i32>} : memref<4x8x1024xf32, #tpu.memory_space<vmem>>, vector<16xf32>,
        %parallel_loop3A_358 = arith.subi %get3A_135, %parallel_loop3A_234 : vector<16xi32>
        %parallel_loop3A_359 = arith.constant 0 : i32
        %parallel_loop3A_360 = vector.broadcast %parallel_loop3A_359 : i32 to vector<16xi32>
        %parallel_loop3A_361 = arith.addi %parallel_loop3A_358, %parallel_loop3A_360 : vector<16xi32>
        %parallel_loop3A_362 = tpu.vector_load_idx %arg6[%parallel_loop3A_361] : memref<15904xf32, #tpu.memory_space<vmem>>[vector<16xi32>], vector<16xf32>,
        %parallel_loop3A_363 = arith.constant 0 : i32
        %parallel_loop3A_364 = arith.constant 7 : i32
        %parallel_loop3A_365 = arith.index_cast %parallel_loop3A_363 : i32 to index
        %parallel_loop3A_366 = arith.index_cast %parallel_loop3A_364 : i32 to index
        %parallel_loop3A_367 = arith.index_cast %parallel_loop3A_232 : i32 to index
        %parallel_loop3A_368 = tpu.vector_load %arg9[%parallel_loop3A_365, %parallel_loop3A_366, %parallel_loop3A_367] {strides = array<i32>} : memref<4x8x1024xf32, #tpu.memory_space<vmem>>, vector<16xf32>,
        tpu.vector_store %arg9[%parallel_loop3A_365, %parallel_loop3A_366, %parallel_loop3A_367], %parallel_loop3A_362 {strides = array<i32>} : memref<4x8x1024xf32, #tpu.memory_space<vmem>>, vector<16xf32>,
        %parallel_loop3A_369 = arith.constant 3976 : i32
        %parallel_loop3A_370 = vector.broadcast %parallel_loop3A_369 : i32 to vector<16xi32>
        %parallel_loop3A_371 = arith.addi %parallel_loop3A_358, %parallel_loop3A_370 : vector<16xi32>
        %parallel_loop3A_372 = tpu.vector_load_idx %arg6[%parallel_loop3A_371] : memref<15904xf32, #tpu.memory_space<vmem>>[vector<16xi32>], vector<16xf32>,
        %parallel_loop3A_373 = arith.constant 1 : i32
        %parallel_loop3A_374 = arith.constant 7 : i32
        %parallel_loop3A_375 = arith.index_cast %parallel_loop3A_373 : i32 to index
        %parallel_loop3A_376 = arith.index_cast %parallel_loop3A_374 : i32 to index
        %parallel_loop3A_377 = arith.index_cast %parallel_loop3A_232 : i32 to index
        %parallel_loop3A_378 = tpu.vector_load %arg9[%parallel_loop3A_375, %parallel_loop3A_376, %parallel_loop3A_377] {strides = array<i32>} : memref<4x8x1024xf32, #tpu.memory_space<vmem>>, vector<16xf32>,
        tpu.vector_store %arg9[%parallel_loop3A_375, %parallel_loop3A_376, %parallel_loop3A_377], %parallel_loop3A_372 {strides = array<i32>} : memref<4x8x1024xf32, #tpu.memory_space<vmem>>, vector<16xf32>,
        %parallel_loop3A_379 = arith.constant 7952 : i32
        %parallel_loop3A_380 = vector.broadcast %parallel_loop3A_379 : i32 to vector<16xi32>
        %parallel_loop3A_381 = arith.addi %parallel_loop3A_358, %parallel_loop3A_380 : vector<16xi32>
        %parallel_loop3A_382 = tpu.vector_load_idx %arg6[%parallel_loop3A_381] : memref<15904xf32, #tpu.memory_space<vmem>>[vector<16xi32>], vector<16xf32>,
        %parallel_loop3A_383 = arith.constant 2 : i32
        %parallel_loop3A_384 = arith.constant 7 : i32
        %parallel_loop3A_385 = arith.index_cast %parallel_loop3A_383 : i32 to index
        %parallel_loop3A_386 = arith.index_cast %parallel_loop3A_384 : i32 to index
        %parallel_loop3A_387 = arith.index_cast %parallel_loop3A_232 : i32 to index
        %parallel_loop3A_388 = tpu.vector_load %arg9[%parallel_loop3A_385, %parallel_loop3A_386, %parallel_loop3A_387] {strides = array<i32>} : memref<4x8x1024xf32, #tpu.memory_space<vmem>>, vector<16xf32>,
        tpu.vector_store %arg9[%parallel_loop3A_385, %parallel_loop3A_386, %parallel_loop3A_387], %parallel_loop3A_382 {strides = array<i32>} : memref<4x8x1024xf32, #tpu.memory_space<vmem>>, vector<16xf32>,
        %parallel_loop3A_389 = arith.constant 11928 : i32
        %parallel_loop3A_390 = vector.broadcast %parallel_loop3A_389 : i32 to vector<16xi32>
        %parallel_loop3A_391 = arith.addi %parallel_loop3A_358, %parallel_loop3A_390 : vector<16xi32>
        %parallel_loop3A_392 = tpu.vector_load_idx %arg6[%parallel_loop3A_391] : memref<15904xf32, #tpu.memory_space<vmem>>[vector<16xi32>], vector<16xf32>,
        %parallel_loop3A_393 = arith.constant 3 : i32
        %parallel_loop3A_394 = arith.constant 7 : i32
        %parallel_loop3A_395 = arith.index_cast %parallel_loop3A_393 : i32 to index
        %parallel_loop3A_396 = arith.index_cast %parallel_loop3A_394 : i32 to index
        %parallel_loop3A_397 = arith.index_cast %parallel_loop3A_232 : i32 to index
        %parallel_loop3A_398 = tpu.vector_load %arg9[%parallel_loop3A_395, %parallel_loop3A_396, %parallel_loop3A_397] {strides = array<i32>} : memref<4x8x1024xf32, #tpu.memory_space<vmem>>, vector<16xf32>,
        tpu.vector_store %arg9[%parallel_loop3A_395, %parallel_loop3A_396, %parallel_loop3A_397], %parallel_loop3A_392 {strides = array<i32>} : memref<4x8x1024xf32, #tpu.memory_space<vmem>>, vector<16xf32>,
      } {sc.loop_unroll_factor = 2 : i64, sc.parallel_access}
      %mul3A_139 = arith.constant 4 : i32
      %mul3A_140 = arith.muli %select_n3A, %mul3A_139 : i32
      %add3A_141 = arith.addi %mul3A_32, %add3A_68 : i32
      %dma_start3A_142 = arith.constant 0 : i32
      %dma_start3A_143 = tpu.memref_slice %arg5[%mul3A_140, %add3A_141, %dma_start3A_142] : memref<16x1024x1024xf32, #tpu.memory_space<hbm>> -> memref<4x8x1024xf32, #tpu.memory_space<hbm>>
      %dma_start3A_144 = arith.constant 0 : i32
      %dma_start3A_145 = tpu.memref_slice %arg5[%mul3A_140, %add3A_141, %dma_start3A_144] : memref<16x1024x1024xf32, #tpu.memory_space<hbm>> -> memref<4x8x1024xf32, #tpu.memory_space<hbm>>
      tpu.enqueue_dma source(%arg9 : memref<4x8x1024xf32, #tpu.memory_space<vmem>>) target(%dma_start3A_145 : memref<4x8x1024xf32, #tpu.memory_space<hbm>>) target_semaphore(%arg11 : memref<!tpu.dma_semaphore, #tpu.memory_space<semaphore_mem>>)
      %mul3A_146 = arith.constant 16 : i32
      %mul3A_147 = arith.muli %scan3A_64, %mul3A_146 : i32
      %add3A_148 = arith.constant 8 : i32
      %add3A_149 = arith.addi %mul3A_147, %add3A_148 : i32
      %ge3A_150 = arith.constant 1 : i32
      %ge3A_151 = arith.cmpi sge, %scan3A_64, %ge3A_150 : i32
      %convert_element_type3A_152 = arith.extui %ge3A_151 : i1 to i32
      %cond3A_153 = arith.constant 0 : i32
      %cond3A_154 = arith.cmpi ne, %convert_element_type3A_152, %cond3A_153 : i32
      scf.if %cond3A_154 {
        %dma_wait3A_232 = arith.constant 0 : i32
        %dma_wait3A_233 = arith.constant 0 : i32
        %dma_wait3A_234 = arith.constant 0 : i32
        %dma_wait3A_235 = tpu.memref_slice %arg5[%dma_wait3A_232, %dma_wait3A_233, %dma_wait3A_234] : memref<16x1024x1024xf32, #tpu.memory_space<hbm>> -> memref<4x8x1024xf32, #tpu.memory_space<hbm>>
        %dma_wait3A_236 = arith.constant 0 : i32
        %dma_wait3A_237 = arith.constant 0 : i32
        %dma_wait3A_238 = arith.constant 0 : i32
        %dma_wait3A_239 = tpu.memref_slice %arg5[%dma_wait3A_236, %dma_wait3A_237, %dma_wait3A_238] : memref<16x1024x1024xf32, #tpu.memory_space<hbm>> -> memref<4x8x1024xf32, #tpu.memory_space<hbm>>
        tpu.wait_dma2 semaphore(%arg12 : memref<!tpu.dma_semaphore, #tpu.memory_space<semaphore_mem>>) src(%arg10 : memref<4x8x1024xf32, #tpu.memory_space<vmem>>) dst(%dma_wait3A_239 : memref<4x8x1024xf32, #tpu.memory_space<hbm>>)
      } else {
      }
      %add3A_155 = arith.constant 0 : i32
      %add3A_156 = arith.addi %add3A_149, %add3A_155 : i32
      %add3A_157 = arith.constant 0 : i32
      %add3A_158 = arith.addi %add3A_156, %add3A_157 : i32
      %mul3A_159 = arith.constant 16 : i32
      %mul3A_160 = arith.muli %add3A_158, %mul3A_159 : i32
      %get3A_161 = arith.index_cast %mul3A_160 : i32 to index
      %get3A_162 = tpu.vector_load %arg8[%get3A_161] {strides = array<i32>} : memref<2048xi32, #tpu.memory_space<vmem>>, vector<16xi32>,
      %add3A_163 = arith.constant 0 : i32
      %add3A_164 = arith.addi %add3A_149, %add3A_163 : i32
      %add3A_165 = arith.constant 1 : i32
      %add3A_166 = arith.addi %add3A_164, %add3A_165 : i32
      %mul3A_167 = arith.constant 16 : i32
      %mul3A_168 = arith.muli %add3A_166, %mul3A_167 : i32
      %get3A_169 = arith.index_cast %mul3A_168 : i32 to index
      %get3A_170 = tpu.vector_load %arg8[%get3A_169] {strides = array<i32>} : memref<2048xi32, #tpu.memory_space<vmem>>, vector<16xi32>,
      %add3A_171 = arith.constant 0 : i32
      %add3A_172 = arith.addi %add3A_149, %add3A_171 : i32
      %add3A_173 = arith.constant 2 : i32
      %add3A_174 = arith.addi %add3A_172, %add3A_173 : i32
      %mul3A_175 = arith.constant 16 : i32
      %mul3A_176 = arith.muli %add3A_174, %mul3A_175 : i32
      %get3A_177 = arith.index_cast %mul3A_176 : i32 to index
      %get3A_178 = tpu.vector_load %arg8[%get3A_177] {strides = array<i32>} : memref<2048xi32, #tpu.memory_space<vmem>>, vector<16xi32>,
      %add3A_179 = arith.constant 0 : i32
      %add3A_180 = arith.addi %add3A_149, %add3A_179 : i32
      %add3A_181 = arith.constant 3 : i32
      %add3A_182 = arith.addi %add3A_180, %add3A_181 : i32
      %mul3A_183 = arith.constant 16 : i32
      %mul3A_184 = arith.muli %add3A_182, %mul3A_183 : i32
      %get3A_185 = arith.index_cast %mul3A_184 : i32 to index
      %get3A_186 = tpu.vector_load %arg8[%get3A_185] {strides = array<i32>} : memref<2048xi32, #tpu.memory_space<vmem>>, vector<16xi32>,
      %parallel_loop3A_187 = arith.constant 0 : i32
      %parallel_loop3A_188 = arith.constant 1024 : i32
      %parallel_loop3A_189 = arith.constant 16 : i32
      scf.for %parallel_loop3A_232 = %parallel_loop3A_187 to %parallel_loop3A_188 step %parallel_loop3A_189  : i32 {
        %parallel_loop3A_233 = arith.index_cast %parallel_loop3A_232 : i32 to index
        %parallel_loop3A_234 = tpu.vector_load %arg7[%parallel_loop3A_233] {strides = array<i32>} : memref<1024xi32, #tpu.memory_space<vmem>>, vector<16xi32>,
        %parallel_loop3A_235 = arith.subi %get3A_162, %parallel_loop3A_234 : vector<16xi32>
        %parallel_loop3A_236 = arith.constant 0 : i32
        %parallel_loop3A_237 = vector.broadcast %parallel_loop3A_236 : i32 to vector<16xi32>
        %parallel_loop3A_238 = arith.addi %parallel_loop3A_235, %parallel_loop3A_237 : vector<16xi32>
        %parallel_loop3A_239 = tpu.vector_load_idx %arg6[%parallel_loop3A_238] : memref<15904xf32, #tpu.memory_space<vmem>>[vector<16xi32>], vector<16xf32>,
        %parallel_loop3A_240 = arith.constant 0 : i32
        %parallel_loop3A_241 = arith.constant 0 : i32
        %parallel_loop3A_242 = arith.index_cast %parallel_loop3A_240 : i32 to index
        %parallel_loop3A_243 = arith.index_cast %parallel_loop3A_241 : i32 to index
        %parallel_loop3A_244 = arith.index_cast %parallel_loop3A_232 : i32 to index
        %parallel_loop3A_245 = tpu.vector_load %arg10[%parallel_loop3A_242, %parallel_loop3A_243, %parallel_loop3A_244] {strides = array<i32>} : memref<4x8x1024xf32, #tpu.memory_space<vmem>>, vector<16xf32>,
        tpu.vector_store %arg10[%parallel_loop3A_242, %parallel_loop3A_243, %parallel_loop3A_244], %parallel_loop3A_239 {strides = array<i32>} : memref<4x8x1024xf32, #tpu.memory_space<vmem>>, vector<16xf32>,
        %parallel_loop3A_246 = arith.constant 3976 : i32
        %parallel_loop3A_247 = vector.broadcast %parallel_loop3A_246 : i32 to vector<16xi32>
        %parallel_loop3A_248 = arith.addi %parallel_loop3A_235, %parallel_loop3A_247 : vector<16xi32>
        %parallel_loop3A_249 = tpu.vector_load_idx %arg6[%parallel_loop3A_248] : memref<15904xf32, #tpu.memory_space<vmem>>[vector<16xi32>], vector<16xf32>,
        %parallel_loop3A_250 = arith.constant 1 : i32
        %parallel_loop3A_251 = arith.constant 0 : i32
        %parallel_loop3A_252 = arith.index_cast %parallel_loop3A_250 : i32 to index
        %parallel_loop3A_253 = arith.index_cast %parallel_loop3A_251 : i32 to index
        %parallel_loop3A_254 = arith.index_cast %parallel_loop3A_232 : i32 to index
        %parallel_loop3A_255 = tpu.vector_load %arg10[%parallel_loop3A_252, %parallel_loop3A_253, %parallel_loop3A_254] {strides = array<i32>} : memref<4x8x1024xf32, #tpu.memory_space<vmem>>, vector<16xf32>,
        tpu.vector_store %arg10[%parallel_loop3A_252, %parallel_loop3A_253, %parallel_loop3A_254], %parallel_loop3A_249 {strides = array<i32>} : memref<4x8x1024xf32, #tpu.memory_space<vmem>>, vector<16xf32>,
        %parallel_loop3A_256 = arith.constant 7952 : i32
        %parallel_loop3A_257 = vector.broadcast %parallel_loop3A_256 : i32 to vector<16xi32>
        %parallel_loop3A_258 = arith.addi %parallel_loop3A_235, %parallel_loop3A_257 : vector<16xi32>
        %parallel_loop3A_259 = tpu.vector_load_idx %arg6[%parallel_loop3A_258] : memref<15904xf32, #tpu.memory_space<vmem>>[vector<16xi32>], vector<16xf32>,
        %parallel_loop3A_260 = arith.constant 2 : i32
        %parallel_loop3A_261 = arith.constant 0 : i32
        %parallel_loop3A_262 = arith.index_cast %parallel_loop3A_260 : i32 to index
        %parallel_loop3A_263 = arith.index_cast %parallel_loop3A_261 : i32 to index
        %parallel_loop3A_264 = arith.index_cast %parallel_loop3A_232 : i32 to index
        %parallel_loop3A_265 = tpu.vector_load %arg10[%parallel_loop3A_262, %parallel_loop3A_263, %parallel_loop3A_264] {strides = array<i32>} : memref<4x8x1024xf32, #tpu.memory_space<vmem>>, vector<16xf32>,
        tpu.vector_store %arg10[%parallel_loop3A_262, %parallel_loop3A_263, %parallel_loop3A_264], %parallel_loop3A_259 {strides = array<i32>} : memref<4x8x1024xf32, #tpu.memory_space<vmem>>, vector<16xf32>,
        %parallel_loop3A_266 = arith.constant 11928 : i32
        %parallel_loop3A_267 = vector.broadcast %parallel_loop3A_266 : i32 to vector<16xi32>
        %parallel_loop3A_268 = arith.addi %parallel_loop3A_235, %parallel_loop3A_267 : vector<16xi32>
        %parallel_loop3A_269 = tpu.vector_load_idx %arg6[%parallel_loop3A_268] : memref<15904xf32, #tpu.memory_space<vmem>>[vector<16xi32>], vector<16xf32>,
        %parallel_loop3A_270 = arith.constant 3 : i32
        %parallel_loop3A_271 = arith.constant 0 : i32
        %parallel_loop3A_272 = arith.index_cast %parallel_loop3A_270 : i32 to index
        %parallel_loop3A_273 = arith.index_cast %parallel_loop3A_271 : i32 to index
        %parallel_loop3A_274 = arith.index_cast %parallel_loop3A_232 : i32 to index
        %parallel_loop3A_275 = tpu.vector_load %arg10[%parallel_loop3A_272, %parallel_loop3A_273, %parallel_loop3A_274] {strides = array<i32>} : memref<4x8x1024xf32, #tpu.memory_space<vmem>>, vector<16xf32>,
        tpu.vector_store %arg10[%parallel_loop3A_272, %parallel_loop3A_273, %parallel_loop3A_274], %parallel_loop3A_269 {strides = array<i32>} : memref<4x8x1024xf32, #tpu.memory_space<vmem>>, vector<16xf32>,
        %parallel_loop3A_276 = arith.subi %get3A_170, %parallel_loop3A_234 : vector<16xi32>
        %parallel_loop3A_277 = arith.constant 0 : i32
        %parallel_loop3A_278 = vector.broadcast %parallel_loop3A_277 : i32 to vector<16xi32>
        %parallel_loop3A_279 = arith.addi %parallel_loop3A_276, %parallel_loop3A_278 : vector<16xi32>
        %parallel_loop3A_280 = tpu.vector_load_idx %arg6[%parallel_loop3A_279] : memref<15904xf32, #tpu.memory_space<vmem>>[vector<16xi32>], vector<16xf32>,
        %parallel_loop3A_281 = arith.constant 0 : i32
        %parallel_loop3A_282 = arith.constant 1 : i32
        %parallel_loop3A_283 = arith.index_cast %parallel_loop3A_281 : i32 to index
        %parallel_loop3A_284 = arith.index_cast %parallel_loop3A_282 : i32 to index
        %parallel_loop3A_285 = arith.index_cast %parallel_loop3A_232 : i32 to index
        %parallel_loop3A_286 = tpu.vector_load %arg10[%parallel_loop3A_283, %parallel_loop3A_284, %parallel_loop3A_285] {strides = array<i32>} : memref<4x8x1024xf32, #tpu.memory_space<vmem>>, vector<16xf32>,
        tpu.vector_store %arg10[%parallel_loop3A_283, %parallel_loop3A_284, %parallel_loop3A_285], %parallel_loop3A_280 {strides = array<i32>} : memref<4x8x1024xf32, #tpu.memory_space<vmem>>, vector<16xf32>,
        %parallel_loop3A_287 = arith.constant 3976 : i32
        %parallel_loop3A_288 = vector.broadcast %parallel_loop3A_287 : i32 to vector<16xi32>
        %parallel_loop3A_289 = arith.addi %parallel_loop3A_276, %parallel_loop3A_288 : vector<16xi32>
        %parallel_loop3A_290 = tpu.vector_load_idx %arg6[%parallel_loop3A_289] : memref<15904xf32, #tpu.memory_space<vmem>>[vector<16xi32>], vector<16xf32>,
        %parallel_loop3A_291 = arith.constant 1 : i32
        %parallel_loop3A_292 = arith.constant 1 : i32
        %parallel_loop3A_293 = arith.index_cast %parallel_loop3A_291 : i32 to index
        %parallel_loop3A_294 = arith.index_cast %parallel_loop3A_292 : i32 to index
        %parallel_loop3A_295 = arith.index_cast %parallel_loop3A_232 : i32 to index
        %parallel_loop3A_296 = tpu.vector_load %arg10[%parallel_loop3A_293, %parallel_loop3A_294, %parallel_loop3A_295] {strides = array<i32>} : memref<4x8x1024xf32, #tpu.memory_space<vmem>>, vector<16xf32>,
        tpu.vector_store %arg10[%parallel_loop3A_293, %parallel_loop3A_294, %parallel_loop3A_295], %parallel_loop3A_290 {strides = array<i32>} : memref<4x8x1024xf32, #tpu.memory_space<vmem>>, vector<16xf32>,
        %parallel_loop3A_297 = arith.constant 7952 : i32
        %parallel_loop3A_298 = vector.broadcast %parallel_loop3A_297 : i32 to vector<16xi32>
        %parallel_loop3A_299 = arith.addi %parallel_loop3A_276, %parallel_loop3A_298 : vector<16xi32>
        %parallel_loop3A_300 = tpu.vector_load_idx %arg6[%parallel_loop3A_299] : memref<15904xf32, #tpu.memory_space<vmem>>[vector<16xi32>], vector<16xf32>,
        %parallel_loop3A_301 = arith.constant 2 : i32
        %parallel_loop3A_302 = arith.constant 1 : i32
        %parallel_loop3A_303 = arith.index_cast %parallel_loop3A_301 : i32 to index
        %parallel_loop3A_304 = arith.index_cast %parallel_loop3A_302 : i32 to index
        %parallel_loop3A_305 = arith.index_cast %parallel_loop3A_232 : i32 to index
        %parallel_loop3A_306 = tpu.vector_load %arg10[%parallel_loop3A_303, %parallel_loop3A_304, %parallel_loop3A_305] {strides = array<i32>} : memref<4x8x1024xf32, #tpu.memory_space<vmem>>, vector<16xf32>,
        tpu.vector_store %arg10[%parallel_loop3A_303, %parallel_loop3A_304, %parallel_loop3A_305], %parallel_loop3A_300 {strides = array<i32>} : memref<4x8x1024xf32, #tpu.memory_space<vmem>>, vector<16xf32>,
        %parallel_loop3A_307 = arith.constant 11928 : i32
        %parallel_loop3A_308 = vector.broadcast %parallel_loop3A_307 : i32 to vector<16xi32>
        %parallel_loop3A_309 = arith.addi %parallel_loop3A_276, %parallel_loop3A_308 : vector<16xi32>
        %parallel_loop3A_310 = tpu.vector_load_idx %arg6[%parallel_loop3A_309] : memref<15904xf32, #tpu.memory_space<vmem>>[vector<16xi32>], vector<16xf32>,
        %parallel_loop3A_311 = arith.constant 3 : i32
        %parallel_loop3A_312 = arith.constant 1 : i32
        %parallel_loop3A_313 = arith.index_cast %parallel_loop3A_311 : i32 to index
        %parallel_loop3A_314 = arith.index_cast %parallel_loop3A_312 : i32 to index
        %parallel_loop3A_315 = arith.index_cast %parallel_loop3A_232 : i32 to index
        %parallel_loop3A_316 = tpu.vector_load %arg10[%parallel_loop3A_313, %parallel_loop3A_314, %parallel_loop3A_315] {strides = array<i32>} : memref<4x8x1024xf32, #tpu.memory_space<vmem>>, vector<16xf32>,
        tpu.vector_store %arg10[%parallel_loop3A_313, %parallel_loop3A_314, %parallel_loop3A_315], %parallel_loop3A_310 {strides = array<i32>} : memref<4x8x1024xf32, #tpu.memory_space<vmem>>, vector<16xf32>,
        %parallel_loop3A_317 = arith.subi %get3A_178, %parallel_loop3A_234 : vector<16xi32>
        %parallel_loop3A_318 = arith.constant 0 : i32
        %parallel_loop3A_319 = vector.broadcast %parallel_loop3A_318 : i32 to vector<16xi32>
        %parallel_loop3A_320 = arith.addi %parallel_loop3A_317, %parallel_loop3A_319 : vector<16xi32>
        %parallel_loop3A_321 = tpu.vector_load_idx %arg6[%parallel_loop3A_320] : memref<15904xf32, #tpu.memory_space<vmem>>[vector<16xi32>], vector<16xf32>,
        %parallel_loop3A_322 = arith.constant 0 : i32
        %parallel_loop3A_323 = arith.constant 2 : i32
        %parallel_loop3A_324 = arith.index_cast %parallel_loop3A_322 : i32 to index
        %parallel_loop3A_325 = arith.index_cast %parallel_loop3A_323 : i32 to index
        %parallel_loop3A_326 = arith.index_cast %parallel_loop3A_232 : i32 to index
        %parallel_loop3A_327 = tpu.vector_load %arg10[%parallel_loop3A_324, %parallel_loop3A_325, %parallel_loop3A_326] {strides = array<i32>} : memref<4x8x1024xf32, #tpu.memory_space<vmem>>, vector<16xf32>,
        tpu.vector_store %arg10[%parallel_loop3A_324, %parallel_loop3A_325, %parallel_loop3A_326], %parallel_loop3A_321 {strides = array<i32>} : memref<4x8x1024xf32, #tpu.memory_space<vmem>>, vector<16xf32>,
        %parallel_loop3A_328 = arith.constant 3976 : i32
        %parallel_loop3A_329 = vector.broadcast %parallel_loop3A_328 : i32 to vector<16xi32>
        %parallel_loop3A_330 = arith.addi %parallel_loop3A_317, %parallel_loop3A_329 : vector<16xi32>
        %parallel_loop3A_331 = tpu.vector_load_idx %arg6[%parallel_loop3A_330] : memref<15904xf32, #tpu.memory_space<vmem>>[vector<16xi32>], vector<16xf32>,
        %parallel_loop3A_332 = arith.constant 1 : i32
        %parallel_loop3A_333 = arith.constant 2 : i32
        %parallel_loop3A_334 = arith.index_cast %parallel_loop3A_332 : i32 to index
        %parallel_loop3A_335 = arith.index_cast %parallel_loop3A_333 : i32 to index
        %parallel_loop3A_336 = arith.index_cast %parallel_loop3A_232 : i32 to index
        %parallel_loop3A_337 = tpu.vector_load %arg10[%parallel_loop3A_334, %parallel_loop3A_335, %parallel_loop3A_336] {strides = array<i32>} : memref<4x8x1024xf32, #tpu.memory_space<vmem>>, vector<16xf32>,
        tpu.vector_store %arg10[%parallel_loop3A_334, %parallel_loop3A_335, %parallel_loop3A_336], %parallel_loop3A_331 {strides = array<i32>} : memref<4x8x1024xf32, #tpu.memory_space<vmem>>, vector<16xf32>,
        %parallel_loop3A_338 = arith.constant 7952 : i32
        %parallel_loop3A_339 = vector.broadcast %parallel_loop3A_338 : i32 to vector<16xi32>
        %parallel_loop3A_340 = arith.addi %parallel_loop3A_317, %parallel_loop3A_339 : vector<16xi32>
        %parallel_loop3A_341 = tpu.vector_load_idx %arg6[%parallel_loop3A_340] : memref<15904xf32, #tpu.memory_space<vmem>>[vector<16xi32>], vector<16xf32>,
        %parallel_loop3A_342 = arith.constant 2 : i32
        %parallel_loop3A_343 = arith.constant 2 : i32
        %parallel_loop3A_344 = arith.index_cast %parallel_loop3A_342 : i32 to index
        %parallel_loop3A_345 = arith.index_cast %parallel_loop3A_343 : i32 to index
        %parallel_loop3A_346 = arith.index_cast %parallel_loop3A_232 : i32 to index
        %parallel_loop3A_347 = tpu.vector_load %arg10[%parallel_loop3A_344, %parallel_loop3A_345, %parallel_loop3A_346] {strides = array<i32>} : memref<4x8x1024xf32, #tpu.memory_space<vmem>>, vector<16xf32>,
        tpu.vector_store %arg10[%parallel_loop3A_344, %parallel_loop3A_345, %parallel_loop3A_346], %parallel_loop3A_341 {strides = array<i32>} : memref<4x8x1024xf32, #tpu.memory_space<vmem>>, vector<16xf32>,
        %parallel_loop3A_348 = arith.constant 11928 : i32
        %parallel_loop3A_349 = vector.broadcast %parallel_loop3A_348 : i32 to vector<16xi32>
        %parallel_loop3A_350 = arith.addi %parallel_loop3A_317, %parallel_loop3A_349 : vector<16xi32>
        %parallel_loop3A_351 = tpu.vector_load_idx %arg6[%parallel_loop3A_350] : memref<15904xf32, #tpu.memory_space<vmem>>[vector<16xi32>], vector<16xf32>,
        %parallel_loop3A_352 = arith.constant 3 : i32
        %parallel_loop3A_353 = arith.constant 2 : i32
        %parallel_loop3A_354 = arith.index_cast %parallel_loop3A_352 : i32 to index
        %parallel_loop3A_355 = arith.index_cast %parallel_loop3A_353 : i32 to index
        %parallel_loop3A_356 = arith.index_cast %parallel_loop3A_232 : i32 to index
        %parallel_loop3A_357 = tpu.vector_load %arg10[%parallel_loop3A_354, %parallel_loop3A_355, %parallel_loop3A_356] {strides = array<i32>} : memref<4x8x1024xf32, #tpu.memory_space<vmem>>, vector<16xf32>,
        tpu.vector_store %arg10[%parallel_loop3A_354, %parallel_loop3A_355, %parallel_loop3A_356], %parallel_loop3A_351 {strides = array<i32>} : memref<4x8x1024xf32, #tpu.memory_space<vmem>>, vector<16xf32>,
        %parallel_loop3A_358 = arith.subi %get3A_186, %parallel_loop3A_234 : vector<16xi32>
        %parallel_loop3A_359 = arith.constant 0 : i32
        %parallel_loop3A_360 = vector.broadcast %parallel_loop3A_359 : i32 to vector<16xi32>
        %parallel_loop3A_361 = arith.addi %parallel_loop3A_358, %parallel_loop3A_360 : vector<16xi32>
        %parallel_loop3A_362 = tpu.vector_load_idx %arg6[%parallel_loop3A_361] : memref<15904xf32, #tpu.memory_space<vmem>>[vector<16xi32>], vector<16xf32>,
        %parallel_loop3A_363 = arith.constant 0 : i32
        %parallel_loop3A_364 = arith.constant 3 : i32
        %parallel_loop3A_365 = arith.index_cast %parallel_loop3A_363 : i32 to index
        %parallel_loop3A_366 = arith.index_cast %parallel_loop3A_364 : i32 to index
        %parallel_loop3A_367 = arith.index_cast %parallel_loop3A_232 : i32 to index
        %parallel_loop3A_368 = tpu.vector_load %arg10[%parallel_loop3A_365, %parallel_loop3A_366, %parallel_loop3A_367] {strides = array<i32>} : memref<4x8x1024xf32, #tpu.memory_space<vmem>>, vector<16xf32>,
        tpu.vector_store %arg10[%parallel_loop3A_365, %parallel_loop3A_366, %parallel_loop3A_367], %parallel_loop3A_362 {strides = array<i32>} : memref<4x8x1024xf32, #tpu.memory_space<vmem>>, vector<16xf32>,
        %parallel_loop3A_369 = arith.constant 3976 : i32
        %parallel_loop3A_370 = vector.broadcast %parallel_loop3A_369 : i32 to vector<16xi32>
        %parallel_loop3A_371 = arith.addi %parallel_loop3A_358, %parallel_loop3A_370 : vector<16xi32>
        %parallel_loop3A_372 = tpu.vector_load_idx %arg6[%parallel_loop3A_371] : memref<15904xf32, #tpu.memory_space<vmem>>[vector<16xi32>], vector<16xf32>,
        %parallel_loop3A_373 = arith.constant 1 : i32
        %parallel_loop3A_374 = arith.constant 3 : i32
        %parallel_loop3A_375 = arith.index_cast %parallel_loop3A_373 : i32 to index
        %parallel_loop3A_376 = arith.index_cast %parallel_loop3A_374 : i32 to index
        %parallel_loop3A_377 = arith.index_cast %parallel_loop3A_232 : i32 to index
        %parallel_loop3A_378 = tpu.vector_load %arg10[%parallel_loop3A_375, %parallel_loop3A_376, %parallel_loop3A_377] {strides = array<i32>} : memref<4x8x1024xf32, #tpu.memory_space<vmem>>, vector<16xf32>,
        tpu.vector_store %arg10[%parallel_loop3A_375, %parallel_loop3A_376, %parallel_loop3A_377], %parallel_loop3A_372 {strides = array<i32>} : memref<4x8x1024xf32, #tpu.memory_space<vmem>>, vector<16xf32>,
        %parallel_loop3A_379 = arith.constant 7952 : i32
        %parallel_loop3A_380 = vector.broadcast %parallel_loop3A_379 : i32 to vector<16xi32>
        %parallel_loop3A_381 = arith.addi %parallel_loop3A_358, %parallel_loop3A_380 : vector<16xi32>
        %parallel_loop3A_382 = tpu.vector_load_idx %arg6[%parallel_loop3A_381] : memref<15904xf32, #tpu.memory_space<vmem>>[vector<16xi32>], vector<16xf32>,
        %parallel_loop3A_383 = arith.constant 2 : i32
        %parallel_loop3A_384 = arith.constant 3 : i32
        %parallel_loop3A_385 = arith.index_cast %parallel_loop3A_383 : i32 to index
        %parallel_loop3A_386 = arith.index_cast %parallel_loop3A_384 : i32 to index
        %parallel_loop3A_387 = arith.index_cast %parallel_loop3A_232 : i32 to index
        %parallel_loop3A_388 = tpu.vector_load %arg10[%parallel_loop3A_385, %parallel_loop3A_386, %parallel_loop3A_387] {strides = array<i32>} : memref<4x8x1024xf32, #tpu.memory_space<vmem>>, vector<16xf32>,
        tpu.vector_store %arg10[%parallel_loop3A_385, %parallel_loop3A_386, %parallel_loop3A_387], %parallel_loop3A_382 {strides = array<i32>} : memref<4x8x1024xf32, #tpu.memory_space<vmem>>, vector<16xf32>,
        %parallel_loop3A_389 = arith.constant 11928 : i32
        %parallel_loop3A_390 = vector.broadcast %parallel_loop3A_389 : i32 to vector<16xi32>
        %parallel_loop3A_391 = arith.addi %parallel_loop3A_358, %parallel_loop3A_390 : vector<16xi32>
        %parallel_loop3A_392 = tpu.vector_load_idx %arg6[%parallel_loop3A_391] : memref<15904xf32, #tpu.memory_space<vmem>>[vector<16xi32>], vector<16xf32>,
        %parallel_loop3A_393 = arith.constant 3 : i32
        %parallel_loop3A_394 = arith.constant 3 : i32
        %parallel_loop3A_395 = arith.index_cast %parallel_loop3A_393 : i32 to index
        %parallel_loop3A_396 = arith.index_cast %parallel_loop3A_394 : i32 to index
        %parallel_loop3A_397 = arith.index_cast %parallel_loop3A_232 : i32 to index
        %parallel_loop3A_398 = tpu.vector_load %arg10[%parallel_loop3A_395, %parallel_loop3A_396, %parallel_loop3A_397] {strides = array<i32>} : memref<4x8x1024xf32, #tpu.memory_space<vmem>>, vector<16xf32>,
        tpu.vector_store %arg10[%parallel_loop3A_395, %parallel_loop3A_396, %parallel_loop3A_397], %parallel_loop3A_392 {strides = array<i32>} : memref<4x8x1024xf32, #tpu.memory_space<vmem>>, vector<16xf32>,
      } {sc.loop_unroll_factor = 2 : i64, sc.parallel_access}
      %add3A_190 = arith.constant 4 : i32
      %add3A_191 = arith.addi %add3A_149, %add3A_190 : i32
      %add3A_192 = arith.constant 0 : i32
      %add3A_193 = arith.addi %add3A_191, %add3A_192 : i32
      %mul3A_194 = arith.constant 16 : i32
      %mul3A_195 = arith.muli %add3A_193, %mul3A_194 : i32
      %get3A_196 = arith.index_cast %mul3A_195 : i32 to index
      %get3A_197 = tpu.vector_load %arg8[%get3A_196] {strides = array<i32>} : memref<2048xi32, #tpu.memory_space<vmem>>, vector<16xi32>,
      %add3A_198 = arith.constant 4 : i32
      %add3A_199 = arith.addi %add3A_149, %add3A_198 : i32
      %add3A_200 = arith.constant 1 : i32
      %add3A_201 = arith.addi %add3A_199, %add3A_200 : i32
      %mul3A_202 = arith.constant 16 : i32
      %mul3A_203 = arith.muli %add3A_201, %mul3A_202 : i32
      %get3A_204 = arith.index_cast %mul3A_203 : i32 to index
      %get3A_205 = tpu.vector_load %arg8[%get3A_204] {strides = array<i32>} : memref<2048xi32, #tpu.memory_space<vmem>>, vector<16xi32>,
      %add3A_206 = arith.constant 4 : i32
      %add3A_207 = arith.addi %add3A_149, %add3A_206 : i32
      %add3A_208 = arith.constant 2 : i32
      %add3A_209 = arith.addi %add3A_207, %add3A_208 : i32
      %mul3A_210 = arith.constant 16 : i32
      %mul3A_211 = arith.muli %add3A_209, %mul3A_210 : i32
      %get3A_212 = arith.index_cast %mul3A_211 : i32 to index
      %get3A_213 = tpu.vector_load %arg8[%get3A_212] {strides = array<i32>} : memref<2048xi32, #tpu.memory_space<vmem>>, vector<16xi32>,
      %add3A_214 = arith.constant 4 : i32
      %add3A_215 = arith.addi %add3A_149, %add3A_214 : i32
      %add3A_216 = arith.constant 3 : i32
      %add3A_217 = arith.addi %add3A_215, %add3A_216 : i32
      %mul3A_218 = arith.constant 16 : i32
      %mul3A_219 = arith.muli %add3A_217, %mul3A_218 : i32
      %get3A_220 = arith.index_cast %mul3A_219 : i32 to index
      %get3A_221 = tpu.vector_load %arg8[%get3A_220] {strides = array<i32>} : memref<2048xi32, #tpu.memory_space<vmem>>, vector<16xi32>,
      %parallel_loop3A_222 = arith.constant 0 : i32
      %parallel_loop3A_223 = arith.constant 1024 : i32
      %parallel_loop3A_224 = arith.constant 16 : i32
      scf.for %parallel_loop3A_232 = %parallel_loop3A_222 to %parallel_loop3A_223 step %parallel_loop3A_224  : i32 {
        %parallel_loop3A_233 = arith.index_cast %parallel_loop3A_232 : i32 to index
        %parallel_loop3A_234 = tpu.vector_load %arg7[%parallel_loop3A_233] {strides = array<i32>} : memref<1024xi32, #tpu.memory_space<vmem>>, vector<16xi32>,
        %parallel_loop3A_235 = arith.subi %get3A_197, %parallel_loop3A_234 : vector<16xi32>
        %parallel_loop3A_236 = arith.constant 0 : i32
        %parallel_loop3A_237 = vector.broadcast %parallel_loop3A_236 : i32 to vector<16xi32>
        %parallel_loop3A_238 = arith.addi %parallel_loop3A_235, %parallel_loop3A_237 : vector<16xi32>
        %parallel_loop3A_239 = tpu.vector_load_idx %arg6[%parallel_loop3A_238] : memref<15904xf32, #tpu.memory_space<vmem>>[vector<16xi32>], vector<16xf32>,
        %parallel_loop3A_240 = arith.constant 0 : i32
        %parallel_loop3A_241 = arith.constant 4 : i32
        %parallel_loop3A_242 = arith.index_cast %parallel_loop3A_240 : i32 to index
        %parallel_loop3A_243 = arith.index_cast %parallel_loop3A_241 : i32 to index
        %parallel_loop3A_244 = arith.index_cast %parallel_loop3A_232 : i32 to index
        %parallel_loop3A_245 = tpu.vector_load %arg10[%parallel_loop3A_242, %parallel_loop3A_243, %parallel_loop3A_244] {strides = array<i32>} : memref<4x8x1024xf32, #tpu.memory_space<vmem>>, vector<16xf32>,
        tpu.vector_store %arg10[%parallel_loop3A_242, %parallel_loop3A_243, %parallel_loop3A_244], %parallel_loop3A_239 {strides = array<i32>} : memref<4x8x1024xf32, #tpu.memory_space<vmem>>, vector<16xf32>,
        %parallel_loop3A_246 = arith.constant 3976 : i32
        %parallel_loop3A_247 = vector.broadcast %parallel_loop3A_246 : i32 to vector<16xi32>
        %parallel_loop3A_248 = arith.addi %parallel_loop3A_235, %parallel_loop3A_247 : vector<16xi32>
        %parallel_loop3A_249 = tpu.vector_load_idx %arg6[%parallel_loop3A_248] : memref<15904xf32, #tpu.memory_space<vmem>>[vector<16xi32>], vector<16xf32>,
        %parallel_loop3A_250 = arith.constant 1 : i32
        %parallel_loop3A_251 = arith.constant 4 : i32
        %parallel_loop3A_252 = arith.index_cast %parallel_loop3A_250 : i32 to index
        %parallel_loop3A_253 = arith.index_cast %parallel_loop3A_251 : i32 to index
        %parallel_loop3A_254 = arith.index_cast %parallel_loop3A_232 : i32 to index
        %parallel_loop3A_255 = tpu.vector_load %arg10[%parallel_loop3A_252, %parallel_loop3A_253, %parallel_loop3A_254] {strides = array<i32>} : memref<4x8x1024xf32, #tpu.memory_space<vmem>>, vector<16xf32>,
        tpu.vector_store %arg10[%parallel_loop3A_252, %parallel_loop3A_253, %parallel_loop3A_254], %parallel_loop3A_249 {strides = array<i32>} : memref<4x8x1024xf32, #tpu.memory_space<vmem>>, vector<16xf32>,
        %parallel_loop3A_256 = arith.constant 7952 : i32
        %parallel_loop3A_257 = vector.broadcast %parallel_loop3A_256 : i32 to vector<16xi32>
        %parallel_loop3A_258 = arith.addi %parallel_loop3A_235, %parallel_loop3A_257 : vector<16xi32>
        %parallel_loop3A_259 = tpu.vector_load_idx %arg6[%parallel_loop3A_258] : memref<15904xf32, #tpu.memory_space<vmem>>[vector<16xi32>], vector<16xf32>,
        %parallel_loop3A_260 = arith.constant 2 : i32
        %parallel_loop3A_261 = arith.constant 4 : i32
        %parallel_loop3A_262 = arith.index_cast %parallel_loop3A_260 : i32 to index
        %parallel_loop3A_263 = arith.index_cast %parallel_loop3A_261 : i32 to index
        %parallel_loop3A_264 = arith.index_cast %parallel_loop3A_232 : i32 to index
        %parallel_loop3A_265 = tpu.vector_load %arg10[%parallel_loop3A_262, %parallel_loop3A_263, %parallel_loop3A_264] {strides = array<i32>} : memref<4x8x1024xf32, #tpu.memory_space<vmem>>, vector<16xf32>,
        tpu.vector_store %arg10[%parallel_loop3A_262, %parallel_loop3A_263, %parallel_loop3A_264], %parallel_loop3A_259 {strides = array<i32>} : memref<4x8x1024xf32, #tpu.memory_space<vmem>>, vector<16xf32>,
        %parallel_loop3A_266 = arith.constant 11928 : i32
        %parallel_loop3A_267 = vector.broadcast %parallel_loop3A_266 : i32 to vector<16xi32>
        %parallel_loop3A_268 = arith.addi %parallel_loop3A_235, %parallel_loop3A_267 : vector<16xi32>
        %parallel_loop3A_269 = tpu.vector_load_idx %arg6[%parallel_loop3A_268] : memref<15904xf32, #tpu.memory_space<vmem>>[vector<16xi32>], vector<16xf32>,
        %parallel_loop3A_270 = arith.constant 3 : i32
        %parallel_loop3A_271 = arith.constant 4 : i32
        %parallel_loop3A_272 = arith.index_cast %parallel_loop3A_270 : i32 to index
        %parallel_loop3A_273 = arith.index_cast %parallel_loop3A_271 : i32 to index
        %parallel_loop3A_274 = arith.index_cast %parallel_loop3A_232 : i32 to index
        %parallel_loop3A_275 = tpu.vector_load %arg10[%parallel_loop3A_272, %parallel_loop3A_273, %parallel_loop3A_274] {strides = array<i32>} : memref<4x8x1024xf32, #tpu.memory_space<vmem>>, vector<16xf32>,
        tpu.vector_store %arg10[%parallel_loop3A_272, %parallel_loop3A_273, %parallel_loop3A_274], %parallel_loop3A_269 {strides = array<i32>} : memref<4x8x1024xf32, #tpu.memory_space<vmem>>, vector<16xf32>,
        %parallel_loop3A_276 = arith.subi %get3A_205, %parallel_loop3A_234 : vector<16xi32>
        %parallel_loop3A_277 = arith.constant 0 : i32
        %parallel_loop3A_278 = vector.broadcast %parallel_loop3A_277 : i32 to vector<16xi32>
        %parallel_loop3A_279 = arith.addi %parallel_loop3A_276, %parallel_loop3A_278 : vector<16xi32>
        %parallel_loop3A_280 = tpu.vector_load_idx %arg6[%parallel_loop3A_279] : memref<15904xf32, #tpu.memory_space<vmem>>[vector<16xi32>], vector<16xf32>,
        %parallel_loop3A_281 = arith.constant 0 : i32
        %parallel_loop3A_282 = arith.constant 5 : i32
        %parallel_loop3A_283 = arith.index_cast %parallel_loop3A_281 : i32 to index
        %parallel_loop3A_284 = arith.index_cast %parallel_loop3A_282 : i32 to index
        %parallel_loop3A_285 = arith.index_cast %parallel_loop3A_232 : i32 to index
        %parallel_loop3A_286 = tpu.vector_load %arg10[%parallel_loop3A_283, %parallel_loop3A_284, %parallel_loop3A_285] {strides = array<i32>} : memref<4x8x1024xf32, #tpu.memory_space<vmem>>, vector<16xf32>,
        tpu.vector_store %arg10[%parallel_loop3A_283, %parallel_loop3A_284, %parallel_loop3A_285], %parallel_loop3A_280 {strides = array<i32>} : memref<4x8x1024xf32, #tpu.memory_space<vmem>>, vector<16xf32>,
        %parallel_loop3A_287 = arith.constant 3976 : i32
        %parallel_loop3A_288 = vector.broadcast %parallel_loop3A_287 : i32 to vector<16xi32>
        %parallel_loop3A_289 = arith.addi %parallel_loop3A_276, %parallel_loop3A_288 : vector<16xi32>
        %parallel_loop3A_290 = tpu.vector_load_idx %arg6[%parallel_loop3A_289] : memref<15904xf32, #tpu.memory_space<vmem>>[vector<16xi32>], vector<16xf32>,
        %parallel_loop3A_291 = arith.constant 1 : i32
        %parallel_loop3A_292 = arith.constant 5 : i32
        %parallel_loop3A_293 = arith.index_cast %parallel_loop3A_291 : i32 to index
        %parallel_loop3A_294 = arith.index_cast %parallel_loop3A_292 : i32 to index
        %parallel_loop3A_295 = arith.index_cast %parallel_loop3A_232 : i32 to index
        %parallel_loop3A_296 = tpu.vector_load %arg10[%parallel_loop3A_293, %parallel_loop3A_294, %parallel_loop3A_295] {strides = array<i32>} : memref<4x8x1024xf32, #tpu.memory_space<vmem>>, vector<16xf32>,
        tpu.vector_store %arg10[%parallel_loop3A_293, %parallel_loop3A_294, %parallel_loop3A_295], %parallel_loop3A_290 {strides = array<i32>} : memref<4x8x1024xf32, #tpu.memory_space<vmem>>, vector<16xf32>,
        %parallel_loop3A_297 = arith.constant 7952 : i32
        %parallel_loop3A_298 = vector.broadcast %parallel_loop3A_297 : i32 to vector<16xi32>
        %parallel_loop3A_299 = arith.addi %parallel_loop3A_276, %parallel_loop3A_298 : vector<16xi32>
        %parallel_loop3A_300 = tpu.vector_load_idx %arg6[%parallel_loop3A_299] : memref<15904xf32, #tpu.memory_space<vmem>>[vector<16xi32>], vector<16xf32>,
        %parallel_loop3A_301 = arith.constant 2 : i32
        %parallel_loop3A_302 = arith.constant 5 : i32
        %parallel_loop3A_303 = arith.index_cast %parallel_loop3A_301 : i32 to index
        %parallel_loop3A_304 = arith.index_cast %parallel_loop3A_302 : i32 to index
        %parallel_loop3A_305 = arith.index_cast %parallel_loop3A_232 : i32 to index
        %parallel_loop3A_306 = tpu.vector_load %arg10[%parallel_loop3A_303, %parallel_loop3A_304, %parallel_loop3A_305] {strides = array<i32>} : memref<4x8x1024xf32, #tpu.memory_space<vmem>>, vector<16xf32>,
        tpu.vector_store %arg10[%parallel_loop3A_303, %parallel_loop3A_304, %parallel_loop3A_305], %parallel_loop3A_300 {strides = array<i32>} : memref<4x8x1024xf32, #tpu.memory_space<vmem>>, vector<16xf32>,
        %parallel_loop3A_307 = arith.constant 11928 : i32
        %parallel_loop3A_308 = vector.broadcast %parallel_loop3A_307 : i32 to vector<16xi32>
        %parallel_loop3A_309 = arith.addi %parallel_loop3A_276, %parallel_loop3A_308 : vector<16xi32>
        %parallel_loop3A_310 = tpu.vector_load_idx %arg6[%parallel_loop3A_309] : memref<15904xf32, #tpu.memory_space<vmem>>[vector<16xi32>], vector<16xf32>,
        %parallel_loop3A_311 = arith.constant 3 : i32
        %parallel_loop3A_312 = arith.constant 5 : i32
        %parallel_loop3A_313 = arith.index_cast %parallel_loop3A_311 : i32 to index
        %parallel_loop3A_314 = arith.index_cast %parallel_loop3A_312 : i32 to index
        %parallel_loop3A_315 = arith.index_cast %parallel_loop3A_232 : i32 to index
        %parallel_loop3A_316 = tpu.vector_load %arg10[%parallel_loop3A_313, %parallel_loop3A_314, %parallel_loop3A_315] {strides = array<i32>} : memref<4x8x1024xf32, #tpu.memory_space<vmem>>, vector<16xf32>,
        tpu.vector_store %arg10[%parallel_loop3A_313, %parallel_loop3A_314, %parallel_loop3A_315], %parallel_loop3A_310 {strides = array<i32>} : memref<4x8x1024xf32, #tpu.memory_space<vmem>>, vector<16xf32>,
        %parallel_loop3A_317 = arith.subi %get3A_213, %parallel_loop3A_234 : vector<16xi32>
        %parallel_loop3A_318 = arith.constant 0 : i32
        %parallel_loop3A_319 = vector.broadcast %parallel_loop3A_318 : i32 to vector<16xi32>
        %parallel_loop3A_320 = arith.addi %parallel_loop3A_317, %parallel_loop3A_319 : vector<16xi32>
        %parallel_loop3A_321 = tpu.vector_load_idx %arg6[%parallel_loop3A_320] : memref<15904xf32, #tpu.memory_space<vmem>>[vector<16xi32>], vector<16xf32>,
        %parallel_loop3A_322 = arith.constant 0 : i32
        %parallel_loop3A_323 = arith.constant 6 : i32
        %parallel_loop3A_324 = arith.index_cast %parallel_loop3A_322 : i32 to index
        %parallel_loop3A_325 = arith.index_cast %parallel_loop3A_323 : i32 to index
        %parallel_loop3A_326 = arith.index_cast %parallel_loop3A_232 : i32 to index
        %parallel_loop3A_327 = tpu.vector_load %arg10[%parallel_loop3A_324, %parallel_loop3A_325, %parallel_loop3A_326] {strides = array<i32>} : memref<4x8x1024xf32, #tpu.memory_space<vmem>>, vector<16xf32>,
        tpu.vector_store %arg10[%parallel_loop3A_324, %parallel_loop3A_325, %parallel_loop3A_326], %parallel_loop3A_321 {strides = array<i32>} : memref<4x8x1024xf32, #tpu.memory_space<vmem>>, vector<16xf32>,
        %parallel_loop3A_328 = arith.constant 3976 : i32
        %parallel_loop3A_329 = vector.broadcast %parallel_loop3A_328 : i32 to vector<16xi32>
        %parallel_loop3A_330 = arith.addi %parallel_loop3A_317, %parallel_loop3A_329 : vector<16xi32>
        %parallel_loop3A_331 = tpu.vector_load_idx %arg6[%parallel_loop3A_330] : memref<15904xf32, #tpu.memory_space<vmem>>[vector<16xi32>], vector<16xf32>,
        %parallel_loop3A_332 = arith.constant 1 : i32
        %parallel_loop3A_333 = arith.constant 6 : i32
        %parallel_loop3A_334 = arith.index_cast %parallel_loop3A_332 : i32 to index
        %parallel_loop3A_335 = arith.index_cast %parallel_loop3A_333 : i32 to index
        %parallel_loop3A_336 = arith.index_cast %parallel_loop3A_232 : i32 to index
        %parallel_loop3A_337 = tpu.vector_load %arg10[%parallel_loop3A_334, %parallel_loop3A_335, %parallel_loop3A_336] {strides = array<i32>} : memref<4x8x1024xf32, #tpu.memory_space<vmem>>, vector<16xf32>,
        tpu.vector_store %arg10[%parallel_loop3A_334, %parallel_loop3A_335, %parallel_loop3A_336], %parallel_loop3A_331 {strides = array<i32>} : memref<4x8x1024xf32, #tpu.memory_space<vmem>>, vector<16xf32>,
        %parallel_loop3A_338 = arith.constant 7952 : i32
        %parallel_loop3A_339 = vector.broadcast %parallel_loop3A_338 : i32 to vector<16xi32>
        %parallel_loop3A_340 = arith.addi %parallel_loop3A_317, %parallel_loop3A_339 : vector<16xi32>
        %parallel_loop3A_341 = tpu.vector_load_idx %arg6[%parallel_loop3A_340] : memref<15904xf32, #tpu.memory_space<vmem>>[vector<16xi32>], vector<16xf32>,
        %parallel_loop3A_342 = arith.constant 2 : i32
        %parallel_loop3A_343 = arith.constant 6 : i32
        %parallel_loop3A_344 = arith.index_cast %parallel_loop3A_342 : i32 to index
        %parallel_loop3A_345 = arith.index_cast %parallel_loop3A_343 : i32 to index
        %parallel_loop3A_346 = arith.index_cast %parallel_loop3A_232 : i32 to index
        %parallel_loop3A_347 = tpu.vector_load %arg10[%parallel_loop3A_344, %parallel_loop3A_345, %parallel_loop3A_346] {strides = array<i32>} : memref<4x8x1024xf32, #tpu.memory_space<vmem>>, vector<16xf32>,
        tpu.vector_store %arg10[%parallel_loop3A_344, %parallel_loop3A_345, %parallel_loop3A_346], %parallel_loop3A_341 {strides = array<i32>} : memref<4x8x1024xf32, #tpu.memory_space<vmem>>, vector<16xf32>,
        %parallel_loop3A_348 = arith.constant 11928 : i32
        %parallel_loop3A_349 = vector.broadcast %parallel_loop3A_348 : i32 to vector<16xi32>
        %parallel_loop3A_350 = arith.addi %parallel_loop3A_317, %parallel_loop3A_349 : vector<16xi32>
        %parallel_loop3A_351 = tpu.vector_load_idx %arg6[%parallel_loop3A_350] : memref<15904xf32, #tpu.memory_space<vmem>>[vector<16xi32>], vector<16xf32>,
        %parallel_loop3A_352 = arith.constant 3 : i32
        %parallel_loop3A_353 = arith.constant 6 : i32
        %parallel_loop3A_354 = arith.index_cast %parallel_loop3A_352 : i32 to index
        %parallel_loop3A_355 = arith.index_cast %parallel_loop3A_353 : i32 to index
        %parallel_loop3A_356 = arith.index_cast %parallel_loop3A_232 : i32 to index
        %parallel_loop3A_357 = tpu.vector_load %arg10[%parallel_loop3A_354, %parallel_loop3A_355, %parallel_loop3A_356] {strides = array<i32>} : memref<4x8x1024xf32, #tpu.memory_space<vmem>>, vector<16xf32>,
        tpu.vector_store %arg10[%parallel_loop3A_354, %parallel_loop3A_355, %parallel_loop3A_356], %parallel_loop3A_351 {strides = array<i32>} : memref<4x8x1024xf32, #tpu.memory_space<vmem>>, vector<16xf32>,
        %parallel_loop3A_358 = arith.subi %get3A_221, %parallel_loop3A_234 : vector<16xi32>
        %parallel_loop3A_359 = arith.constant 0 : i32
        %parallel_loop3A_360 = vector.broadcast %parallel_loop3A_359 : i32 to vector<16xi32>
        %parallel_loop3A_361 = arith.addi %parallel_loop3A_358, %parallel_loop3A_360 : vector<16xi32>
        %parallel_loop3A_362 = tpu.vector_load_idx %arg6[%parallel_loop3A_361] : memref<15904xf32, #tpu.memory_space<vmem>>[vector<16xi32>], vector<16xf32>,
        %parallel_loop3A_363 = arith.constant 0 : i32
        %parallel_loop3A_364 = arith.constant 7 : i32
        %parallel_loop3A_365 = arith.index_cast %parallel_loop3A_363 : i32 to index
        %parallel_loop3A_366 = arith.index_cast %parallel_loop3A_364 : i32 to index
        %parallel_loop3A_367 = arith.index_cast %parallel_loop3A_232 : i32 to index
        %parallel_loop3A_368 = tpu.vector_load %arg10[%parallel_loop3A_365, %parallel_loop3A_366, %parallel_loop3A_367] {strides = array<i32>} : memref<4x8x1024xf32, #tpu.memory_space<vmem>>, vector<16xf32>,
        tpu.vector_store %arg10[%parallel_loop3A_365, %parallel_loop3A_366, %parallel_loop3A_367], %parallel_loop3A_362 {strides = array<i32>} : memref<4x8x1024xf32, #tpu.memory_space<vmem>>, vector<16xf32>,
        %parallel_loop3A_369 = arith.constant 3976 : i32
        %parallel_loop3A_370 = vector.broadcast %parallel_loop3A_369 : i32 to vector<16xi32>
        %parallel_loop3A_371 = arith.addi %parallel_loop3A_358, %parallel_loop3A_370 : vector<16xi32>
        %parallel_loop3A_372 = tpu.vector_load_idx %arg6[%parallel_loop3A_371] : memref<15904xf32, #tpu.memory_space<vmem>>[vector<16xi32>], vector<16xf32>,
        %parallel_loop3A_373 = arith.constant 1 : i32
        %parallel_loop3A_374 = arith.constant 7 : i32
        %parallel_loop3A_375 = arith.index_cast %parallel_loop3A_373 : i32 to index
        %parallel_loop3A_376 = arith.index_cast %parallel_loop3A_374 : i32 to index
        %parallel_loop3A_377 = arith.index_cast %parallel_loop3A_232 : i32 to index
        %parallel_loop3A_378 = tpu.vector_load %arg10[%parallel_loop3A_375, %parallel_loop3A_376, %parallel_loop3A_377] {strides = array<i32>} : memref<4x8x1024xf32, #tpu.memory_space<vmem>>, vector<16xf32>,
        tpu.vector_store %arg10[%parallel_loop3A_375, %parallel_loop3A_376, %parallel_loop3A_377], %parallel_loop3A_372 {strides = array<i32>} : memref<4x8x1024xf32, #tpu.memory_space<vmem>>, vector<16xf32>,
        %parallel_loop3A_379 = arith.constant 7952 : i32
        %parallel_loop3A_380 = vector.broadcast %parallel_loop3A_379 : i32 to vector<16xi32>
        %parallel_loop3A_381 = arith.addi %parallel_loop3A_358, %parallel_loop3A_380 : vector<16xi32>
        %parallel_loop3A_382 = tpu.vector_load_idx %arg6[%parallel_loop3A_381] : memref<15904xf32, #tpu.memory_space<vmem>>[vector<16xi32>], vector<16xf32>,
        %parallel_loop3A_383 = arith.constant 2 : i32
        %parallel_loop3A_384 = arith.constant 7 : i32
        %parallel_loop3A_385 = arith.index_cast %parallel_loop3A_383 : i32 to index
        %parallel_loop3A_386 = arith.index_cast %parallel_loop3A_384 : i32 to index
        %parallel_loop3A_387 = arith.index_cast %parallel_loop3A_232 : i32 to index
        %parallel_loop3A_388 = tpu.vector_load %arg10[%parallel_loop3A_385, %parallel_loop3A_386, %parallel_loop3A_387] {strides = array<i32>} : memref<4x8x1024xf32, #tpu.memory_space<vmem>>, vector<16xf32>,
        tpu.vector_store %arg10[%parallel_loop3A_385, %parallel_loop3A_386, %parallel_loop3A_387], %parallel_loop3A_382 {strides = array<i32>} : memref<4x8x1024xf32, #tpu.memory_space<vmem>>, vector<16xf32>,
        %parallel_loop3A_389 = arith.constant 11928 : i32
        %parallel_loop3A_390 = vector.broadcast %parallel_loop3A_389 : i32 to vector<16xi32>
        %parallel_loop3A_391 = arith.addi %parallel_loop3A_358, %parallel_loop3A_390 : vector<16xi32>
        %parallel_loop3A_392 = tpu.vector_load_idx %arg6[%parallel_loop3A_391] : memref<15904xf32, #tpu.memory_space<vmem>>[vector<16xi32>], vector<16xf32>,
        %parallel_loop3A_393 = arith.constant 3 : i32
        %parallel_loop3A_394 = arith.constant 7 : i32
        %parallel_loop3A_395 = arith.index_cast %parallel_loop3A_393 : i32 to index
        %parallel_loop3A_396 = arith.index_cast %parallel_loop3A_394 : i32 to index
        %parallel_loop3A_397 = arith.index_cast %parallel_loop3A_232 : i32 to index
        %parallel_loop3A_398 = tpu.vector_load %arg10[%parallel_loop3A_395, %parallel_loop3A_396, %parallel_loop3A_397] {strides = array<i32>} : memref<4x8x1024xf32, #tpu.memory_space<vmem>>, vector<16xf32>,
        tpu.vector_store %arg10[%parallel_loop3A_395, %parallel_loop3A_396, %parallel_loop3A_397], %parallel_loop3A_392 {strides = array<i32>} : memref<4x8x1024xf32, #tpu.memory_space<vmem>>, vector<16xf32>,
      } {sc.loop_unroll_factor = 2 : i64, sc.parallel_access}
      %mul3A_225 = arith.constant 4 : i32
      %mul3A_226 = arith.muli %select_n3A, %mul3A_225 : i32
      %add3A_227 = arith.addi %mul3A_32, %add3A_149 : i32
      %dma_start3A_228 = arith.constant 0 : i32
      %dma_start3A_229 = tpu.memref_slice %arg5[%mul3A_226, %add3A_227, %dma_start3A_228] : memref<16x1024x1024xf32, #tpu.memory_space<hbm>> -> memref<4x8x1024xf32, #tpu.memory_space<hbm>>
      %dma_start3A_230 = arith.constant 0 : i32
      %dma_start3A_231 = tpu.memref_slice %arg5[%mul3A_226, %add3A_227, %dma_start3A_230] : memref<16x1024x1024xf32, #tpu.memory_space<hbm>> -> memref<4x8x1024xf32, #tpu.memory_space<hbm>>
      tpu.enqueue_dma source(%arg10 : memref<4x8x1024xf32, #tpu.memory_space<vmem>>) target(%dma_start3A_231 : memref<4x8x1024xf32, #tpu.memory_space<hbm>>) target_semaphore(%arg12 : memref<!tpu.dma_semaphore, #tpu.memory_space<semaphore_mem>>)
    }
    %scan3A_47 = arith.constant 8 : i32
    %dma_wait3A_48 = arith.constant 0 : i32
    %dma_wait3A_49 = arith.constant 0 : i32
    %dma_wait3A_50 = arith.constant 0 : i32
    %dma_wait3A_51 = tpu.memref_slice %arg5[%dma_wait3A_48, %dma_wait3A_49, %dma_wait3A_50] : memref<16x1024x1024xf32, #tpu.memory_space<hbm>> -> memref<4x8x1024xf32, #tpu.memory_space<hbm>>
    %dma_wait3A_52 = arith.constant 0 : i32
    %dma_wait3A_53 = arith.constant 0 : i32
    %dma_wait3A_54 = arith.constant 0 : i32
    %dma_wait3A_55 = tpu.memref_slice %arg5[%dma_wait3A_52, %dma_wait3A_53, %dma_wait3A_54] : memref<16x1024x1024xf32, #tpu.memory_space<hbm>> -> memref<4x8x1024xf32, #tpu.memory_space<hbm>>
    tpu.wait_dma2 semaphore(%arg11 : memref<!tpu.dma_semaphore, #tpu.memory_space<semaphore_mem>>) src(%arg9 : memref<4x8x1024xf32, #tpu.memory_space<vmem>>) dst(%dma_wait3A_55 : memref<4x8x1024xf32, #tpu.memory_space<hbm>>)
    %dma_wait3A_56 = arith.constant 0 : i32
    %dma_wait3A_57 = arith.constant 0 : i32
    %dma_wait3A_58 = arith.constant 0 : i32
    %dma_wait3A_59 = tpu.memref_slice %arg5[%dma_wait3A_56, %dma_wait3A_57, %dma_wait3A_58] : memref<16x1024x1024xf32, #tpu.memory_space<hbm>> -> memref<4x8x1024xf32, #tpu.memory_space<hbm>>
    %dma_wait3A_60 = arith.constant 0 : i32
    %dma_wait3A_61 = arith.constant 0 : i32
    %dma_wait3A_62 = arith.constant 0 : i32
    %dma_wait3A_63 = tpu.memref_slice %arg5[%dma_wait3A_60, %dma_wait3A_61, %dma_wait3A_62] : memref<16x1024x1024xf32, #tpu.memory_space<hbm>> -> memref<4x8x1024xf32, #tpu.memory_space<hbm>>
    tpu.wait_dma2 semaphore(%arg12 : memref<!tpu.dma_semaphore, #tpu.memory_space<semaphore_mem>>) src(%arg10 : memref<4x8x1024xf32, #tpu.memory_space<vmem>>) dst(%dma_wait3A_63 : memref<4x8x1024xf32, #tpu.memory_space<hbm>>)
    return
  }
}

</mosaic_0001>

<sc_bundles>
// kernel: kernel.3.cloned.1.call-start
scs
__scs_entry_jumppad:
0x0: {  	(pc) =	sbr.rel $0x88, $3  }
0x1: {  	(tag) =	ssettag $0x0;
	lr =	simm.s32 $0x1  }
0x2: {  	[smem:$0x3F9E] =	sst lr;
	_ =	strace $0xD0000000  }
0x3: {  	_ = 	snop  }
0x4: {  	_ = 	snop  }
0x5: {  	_ = 	snop  }
0x6: {  	_ = 	snop  }
0x7: {  	_ = 	snop  }
__scs_overlays_trampoline_lowered:
0x8: {  	[smem:$0x3FAD] =	sst s0  }
0x9: {  	[smem:$0x3FAE] =	sst s1  }
0xa: {  	[smem:$0x3FAF] =	sst s2  }
0xb: {  	[smem:$0x3FB0] =	sst s3  }
0xc: {  	[smem:$0x3FB1] =	sst s4  }
0xd: {  	[smem:$0x3FB2] =	sst s5  }
0xe: {  	[smem:$0x3FB3] =	sst s6  }
0xf: {  	[smem:$0x3FB4] =	sst s7  }
0x10: {  	[smem:$0x3FB5] =	sst s8  }
0x11: {  	[smem:$0x3FB6] =	sst s9;
	s0 =	simm.s32 @!p0 $0x0  }
0x12: {  	s1 =	sld [smem:$0x3F9C];
	s0 =	simm.s32 @p0 $0x1  }
0x13: {  	[smem:$0x3FB7] =	sst s0;
	s0 =	simm.s32 @!p1 $0x0  }
0x14: {  	s2 =	sld [smem:$0x3F9B];
	s0 =	simm.s32 @p1 $0x1  }
0x15: {  	[smem:$0x3FB8] =	sst s0;
	s0 =	simm.s32 @!p2 $0x0  }
0x16: {  	s3 =	sld [smem:$0x3FDB];
	s0 =	simm.s32 @p2 $0x1  }
0x17: {  	s4 =	simm.s32 $0x1BF5;
	[smem:$0x3FBA] =	sst s0  }
0x18: {  	s0 =	sld [smem:$0x3F9D];
	_ =	swait.ge [sflag:s4], $0x0  }
0x19: {  	s7 =	sld [smem:$0x3F9E]  }
0x1a: {  	s8 =	sadd.s32 $0xFFFFE003, lr  }
0x1b: {  	s9 =	sadd.s32 $0xFFFFFEF7, lr;
	s5 =	simm.s32 $0xFFFFFFFF;
	p2 =	slt.u32 s8, $0xFFFFF086  }
0x1c: {  	p1 =	slt.u32 s9, $0xF7A;
	s5 =	simm.s32 @!p2 $0x0  }
0x1d: {  	s5 =	simm.s32 @p1 $0x1;
	p0 =	seq.s32 s7, s2  }
0x1e: {  	s7 =	smul.u32 @!p0 $0xF7A, s2;
	p2 =	seq.s32 @!p0 s5, $0x0  }
0x1f: {  	s9 =	smul.u32 $0xF7A, s1;
	s8 =	simm.s32 @!p0 $0x1BF5;
	p2 =	por !p2, p0  }
0x20: {  	[sflag:s8] =	ssyncset.s32 @!p0 $0xFFFFF086;
	s6 =	sadd.s32 @!p0 s3, s7;
	s7 =	simm.s32 @!p0 $0x108  }
0x21: {  	s3 =	sadd.s32 s3, s9;
	s6 =	sadd.s32 @!p0 $0x88, s6;
	s7 =	simm.s32 @p2 $0x1082  }
0x22: {  	[simem:s7], [sflag:s8] =	dma.local @!p0 [hbm:s6], $0xF7A  }
0x23: {  	s9 =	sor.u32 $0xD0000000, s2;
	s6 =	simm.s32 $0x108;
	_ =	swait.ge @!p0 [sflag:s8], $0x0  }
0x24: {  	s3 =	sadd.s32 $0x88, s3;
	s6 =	simm.s32 @!p1 $0x1082;
	[sflag:s4] =	ssyncset.s32 $0xFFFFF086  }
0x25: {  	[simem:s6], [sflag:s4] =	dma.local [hbm:s3], $0xF7A  }
0x26: {  	[smem:$0x3F9E] =	sst s1;
	(tag) =	ssettag s2;
	_ =	strace s9  }
0x27: {  	s1 =	sld [smem:$0x3FAE]  }
0x28: {  	s2 =	sld [smem:$0x3FAF]  }
0x29: {  	s4 =	sld [smem:$0x3FB1]  }
0x2a: {  	p0 =	seq.s32 s5, $0x0;
	s5 =	sld [smem:$0x3FB2]  }
0x2b: {  	s6 =	sld [smem:$0x3FB3]  }
0x2c: {  	s7 =	sld [smem:$0x3FB4]  }
0x2d: {  	s3 =	simm.s32 $0x108;
	s8 =	sld [smem:$0x3FB5]  }
0x2e: {  	s3 =	simm.s32 @!p0 $0x1082;
	s9 =	sld [smem:$0x3FB6]  }
0x2f: {  	lr =	sadd.s32 s0, s3;
	s0 =	sld [smem:$0x3FAD]  }
0x30: {  	s3 =	sld [smem:$0x3FB0]  }
0x31: {  	[smem:$0x3FB9] =	sst s10  }
0x32: {  	s10 =	sld [smem:$0x3FB7];
	_ =	sdelay $0x3  }
0x33: {  	p0 =	seq.s32 s10, $0x1;
	s10 =	sld [smem:$0x3FB9];
	_ =	sdelay $0x3  }
0x34: {  	[smem:$0x3FB9] =	sst s10  }
0x35: {  	s10 =	sld [smem:$0x3FB8];
	_ =	sdelay $0x3  }
0x36: {  	p1 =	seq.s32 s10, $0x1;
	s10 =	sld [smem:$0x3FB9];
	_ =	sdelay $0x3  }
0x37: {  	[smem:$0x3FB9] =	sst s10  }
0x38: {  	s10 =	sld [smem:$0x3FBA]  }
0x39: {  	_ = 	snop;
	(pc) =	sbr.ind lr, $3  }
0x3a: {  	_ = 	snop  }
0x3b: {  	_ = 	snop  }
0x3c: {  	p2 =	seq.s32 s10, $0x1;
	s10 =	sld [smem:$0x3FB9]  }
0x3d: {  	_ =	shalt  }
0x3e: {  	_ =	shalt  }
0x3f: {  	_ =	shalt  }
0x40: {  	_ =	shalt  }
0x41: {  	_ =	shalt  }
0x42: {  	_ =	shalt  }
0x43: {  	_ =	shalt  }
0x44: {  	_ =	shalt  }
0x45: {  	_ =	shalt  }
0x46: {  	_ =	shalt  }
0x47: {  	_ =	shalt  }
0x48: {  	_ =	shalt  }
0x49: {  	_ =	shalt  }
0x4a: {  	_ =	shalt  }
0x4b: {  	_ =	shalt  }
0x4c: {  	_ =	shalt  }
0x4d: {  	_ =	shalt  }
0x4e: {  	_ =	shalt  }
0x4f: {  	_ =	shalt  }
0x50: {  	_ =	shalt  }
0x51: {  	_ =	shalt  }
0x52: {  	_ =	shalt  }
0x53: {  	_ =	shalt  }
0x54: {  	_ =	shalt  }
0x55: {  	_ =	shalt  }
0x56: {  	_ =	shalt  }
0x57: {  	_ =	shalt  }
0x58: {  	_ =	shalt  }
0x59: {  	_ =	shalt  }
0x5a: {  	_ =	shalt  }
0x5b: {  	_ =	shalt  }
0x5c: {  	_ =	shalt  }
0x5d: {  	_ =	shalt  }
0x5e: {  	_ =	shalt  }
0x5f: {  	_ =	shalt  }
0x60: {  	_ =	shalt  }
0x61: {  	_ =	shalt  }
0x62: {  	_ =	shalt  }
0x63: {  	_ =	shalt  }
0x64: {  	_ =	shalt  }
0x65: {  	_ =	shalt  }
0x66: {  	_ =	shalt  }
0x67: {  	_ =	shalt  }
0x68: {  	_ =	shalt  }
0x69: {  	_ =	shalt  }
0x6a: {  	_ =	shalt  }
0x6b: {  	_ =	shalt  }
0x6c: {  	_ =	shalt  }
0x6d: {  	_ =	shalt  }
0x6e: {  	_ =	shalt  }
0x6f: {  	_ =	shalt  }
0x70: {  	_ =	shalt  }
0x71: {  	_ =	shalt  }
0x72: {  	_ =	shalt  }
0x73: {  	_ =	shalt  }
0x74: {  	_ =	shalt  }
0x75: {  	_ =	shalt  }
0x76: {  	_ =	shalt  }
0x77: {  	_ =	shalt  }
0x78: {  	_ =	shalt  }
0x79: {  	_ =	shalt  }
0x7a: {  	_ =	shalt  }
0x7b: {  	_ =	shalt  }
0x7c: {  	_ =	shalt  }
0x7d: {  	_ =	shalt  }
0x7e: {  	_ =	shalt  }
0x7f: {  	_ =	shalt  }
0x80: {  	_ =	shalt  }
0x81: {  	_ =	shalt  }
0x82: {  	_ =	shalt  }
0x83: {  	_ =	shalt  }
0x84: {  	_ =	shalt  }
0x85: {  	_ =	shalt  }
0x86: {  	_ =	shalt  }
0x87: {  	_ =	shalt  }
.Lfunc_end0:
.L_simem_size_0:
called_computation_lowered:
.L_overlay_start_0:
0x88: {  	s2 =	sld [smem:$0x3FD9]  }
0x89: {  	s3 =	sld [smem:$0x3FFE];
	_ =	sdelay $0x1  }
0x8a: {  	s1 =	srdreg.scid  }
0x8b: {  	s0 =	sand.u32 $0x1, s1  }
0x8c: {  	s17 =	sshll.u32 s0, $0xA;
	s2 =	sadd.s32 s3, s2  }
0x8d: {  	s2 =	sadd.s32 s2, s17  }
0x8e: {  	[smem:$0x3FC5] =	sst s2  }
0x8f: {  	_ = 	snop  }
0x90: {  	s2 =	sld [smem:$0x3FD0];
	(tm) =	ssettm $0x1  }
0x91: {  	s18 =	sld [smem:$0x3FFB];
	_ =	sdelay $0x3  }
0x92: {  	_ =	strace s18  }
0x93: {  	s3 =	sld [smem:$0x3FFC];
	_ =	sdelay $0x3  }
0x94: {  	_ =	strace s3  }
0x95: {  	s3 =	sld [smem:$0x3FFD];
	_ =	sdelay $0x3  }
0x96: {  	_ =	strace s3  }
0x97: {  	_ =	strace $0x8FFFFFFF  }
0x98: {  	s19 =	sld [smem:$0x3FDB];
	_ =	sdelay $0x1  }
0x99: {  	s4 =	simm.s32 $_scs_section_size  }
0x9a: {  	s5 =	simm.s32 $_size__tile_overlayer_lowered;
	s6 =	simm.s32 $_tile_overlayer_lowered  }
0x9b: {  	s22 =	simm.s32 $0x1BFF;
	s21 =	sshll.u32 s6, $0x1;
	s3 =	sadd.s32 s4, s19  }
0x9c: {  	s7 =	simm.s32 $0x0;
	s20 =	sshll.u32 s5, $0x1;
	s5 =	sadd.s32 s21, s3  }
0x9d: {  	[timem:s7], [sflag:s22] =	dma.local [hbm:s5], s20  }
0x9e: {  	_ =	swait.ge [sflag:s22], s20  }
0x9f: {  	s4 =	ssub.s32 $0x0, s20;
	[sflag:s22] =	ssyncset.done $0x0  }
0xa0: {  	[sflag:s22] =	ssyncadd.s32 s4;
	_ =	sdelay $0x1  }
0xa1: {  	s23 =	simm.s32 $0x1B8B  }
0xa2: {  	_ =	swait.ge [sflag:s23], $0x1  }
0xa3: {  	[sflag:s23] =	ssyncset.done $0x0  }
0xa4: {  	s25 =	simm.s32 $0x1B8E;
	s24 =	sld [smem:$0x3FFE];
	[sflag:s23] =	ssyncadd.s32 $0xFFFFFFFF  }
0xa5: {  	s26 =	simm.s32 $execute0_lowered;
	[smem:$0x3FD2] =	sst s25  }
0xa6: {  	s5 =	sshll.u32 s26, $0x1;
	_ =	strace $0x80000046;
	[dreg:$0x1] =	wrdreg $0xFFFFFFFF  }
0xa7: {  	s28 =	simm.s32 $_size_execute0_lowered;
	s3 =	sadd.s32 s3, s5;
	[dreg:$0x0] =	wrdreg $0x0  }
0xa8: {  	s5 =	sshll.u32 s28, $0x1;
	[dreg:$0x2] =	wrdreg s3  }
0xa9: {  	[dreg:$0x3] =	wrdreg s5  }
0xaa: {  	[dreg:$0x4] =	wrdreg $0xC0  }
0xab: {  	_ =	task [dreg:s7], $0x5FFFF  }
0xac: {  	[dreg:$0x1] =	wrdreg $0xFFFFFFFF  }
0xad: {  	[dreg:$0x0] =	wrdreg $0x60  }
0xae: {  	[dreg:$0x2] =	wrdreg s24  }
0xaf: {  	[dreg:$0x3] =	wrdreg s2  }
0xb0: {  	[dreg:$0x4] =	wrdreg $0x9  }
0xb1: {  	_ =	task.clear_ibuf [dreg:s7], $0x5FFFF;
	_ =	strace $0x90000046  }
0xb2: {  	s29 =	simm.s32 $0x9;
	_ =	strace $0x80000048  }
0xb3: {  	_ =	swait.ge [sflag:s29], $0x1  }
0xb4: {  	[sflag:s29] =	ssyncadd.s32 $0xFFFFFFFF  }
0xb5: {  	_ =	strace $0x90000048  }
0xb6: {  	_ =	sfence  }
0xb7: {  	s30 =	sld [smem:$0x0];
	_ =	sdelay $0x2  }
0xb8: {  	s31 =	sshll.u32 s1, $0xD;
	s1 =	sshrl.u32 s1, $0x2  }
0xb9: {  	s3 =	sand.u32 $0x4000, s31;
	s1 =	sadd.s32 s1, s30  }
0xba: {  	s0 =	sor.u32 s3, s0;
	s1 =	sshll.u32 s1, $0x11  }
0xbb: {  	s0 =	sor.u32 s1, s0  }
0xbc: {  	s0 =	sadd.s32 $0x8F2B, s0  }
0xbd: {  	[sflag:s0] =	ssyncadd.remote.s32 $0x1  }
0xbe: {  	_ =	sfence.sel $0xFFFF  }
0xbf: {  	[dreg:$0x0] =	wrdreg $0xFFFFFFFF;
	(pc) =	sbr.abs _section_cstart, $3  }
0xc0: {  	[dreg:$0x1] =	wrdreg $0xFFFFFFFF  }
0xc1: {  	_ =	task.clear_ibuf [dreg:s7], $0x2FFFF;
	_ =	strace $0x9FFFFFFF  }
0xc2: {  	(tm) =	ssettm $0x7FFFFFFF  }
0xc3: {  	_ =	shalt  }
tec
execute0_lowered:
.L_overlay_start_1:
0x0: {  	(tag) =	ssettag $0x1  }
0x1: {  	s0 =	rddreg [dreg:$0x0]  }
0x2: {  	s4 =	stileid.u32;
	s1 =	srdreg.scid  }
0x3: {  	s3 =	simm.s32 $0x0;
	s2 =	sshll.u32 s4, $0x1;
	s1 =	sand.u32 $0x1, s1  }
0x4: {  	s4 =	sshrl.u32 s4, $0x2;
	[smem:$0x7FF] =	sst s3;
	s7 =	sadd.s32 $0x400, s0  }
0x5: {  	s2 =	sand.u32 $0x6, s2;
	s6 =	smul.u32 $0x7C4, s4;
	_ =	strace $0x80000047  }
0x6: {  	[dreg:$0x3] =	wrdreg s7;
	s30 =	sshll.u32 s4, $0x16;
	s2 =	sor.u32 s1, s2  }
0x7: {  	s1 =	ssub.s32 $0x2, s1;
	[dreg:$0x7] =	wrdreg s30;
	s5 =	sshll.u32 s2, $0x8  }
0x8: {  	s2 =	sshll.u32 s2, $0x7;
	s5 =	sadd.s32 s5, s0;
	s0 =	sadd.s32 s6, s0  }
0x9: {  	s28 =	sshrl.u32 s1, $0x1;
	[dreg:$0x4] =	wrdreg s2;
	s0 =	sadd.s32 $0xE00, s0  }
0xa: {  	s1 =	ssub.s32 s1, s28;
	s29 =	sadd.s32 $0x600, s5;
	[dreg:$0x5] =	wrdreg s0  }
0xb: {  	s31 =	smax.u32 s1, $0x1;
	[dreg:$0x6] =	wrdreg s29  }
0xc: {  	s4 =	simm.s32 $0x0;
	s2 =	simm.s32 $0x1;
	[dreg:$0x8] =	wrdreg s31  }
.LBB2_1:
0xd: {  	[dreg:$0x9] =	wrdreg s4  }
0xe: {  	s0 =	rddreg [dreg:$0x5]  }
0xf: {  	[tilespmem:s3], [sflag:$0x1] =	stream.linear.gather [hbm4b:s0+s3], $0x3E20, $0x38;
	[tilespmem:$0x14A80] =	vst v63  }
0x10: {  	s29 =	rddreg [dreg:$0x3];
	s1 =	simm.s32 $0x3E80  }
0x11: {  	[tilespmem:s1], [sflag:$0x1] =	stream.linear.gather [hbm4b:s29+s3], $0x400, $0x38;
	[tilespmem:$0x14A80] =	vst v63  }
0x12: {  	s30 =	rddreg [dreg:$0x6];
	s31 =	simm.s32 $0x4280  }
0x13: {  	[tilespmem:s31], [sflag:$0x1] =	stream.linear.gather [hbm4b:s30+s3], $0x800, $0x38;
	[tilespmem:$0x14A80] =	vst v63  }
0x14: {  	_ =	swait.ge [sflag:s2], $0x3E20  }
0x15: {  	[sflag:s2] =	ssyncset.done $0x0  }
0x16: {  	[sflag:s2] =	ssyncadd.s32 $0xFFFFC1E0  }
0x17: {  	_ =	swait.ge [sflag:s2], $0x400  }
0x18: {  	[sflag:s2] =	ssyncset.done $0x0  }
0x19: {  	[sflag:s2] =	ssyncadd.s32 $0xFFFFFC00  }
0x1a: {  	_ =	swait.ge [sflag:s2], $0x800  }
0x1b: {  	[sflag:s2] =	ssyncset.done $0x0  }
0x1c: {  	s19 =	simm.s32 $0x0;
	[sflag:s2] =	ssyncadd.s32 $0xFFFFF800  }
.LBB2_2:
0x1d: {  	p0 =	seq.s32 s19, $0x0  }
0x1e: {  	s0 =	simm.s32 @!p0 $0x1  }
0x1f: {  	s1 =	simm.s32 $0x0;
	s2 =	sshll.u32 s19, $0x8;
	_ =	swait.ge @!p0 [sflag:s0], $0x8000  }
0x20: {  	s6 =	sand.u32 $0x60, s1;
	s20 =	sand.u32 $0x3FFFFF00, s2;
	[sflag:s0] =	ssyncset.done @!p0 $0x0  }
0x21: {  	s4 =	sand.u32 $0x380, s1;
	s9 =	sor.u32 $0x10, s6;
	[sflag:s0] =	ssyncadd.s32 @!p0 $0xFFFF8000  }
0x22: {  	s0 =	sor.u32 s9, s4;
	v7 =	vld [tilespmem:s20+$0x4280]  }
0x23: {  	v10 =	vld [tilespmem:s0+$0x3E80];
	_ =	sdelay $0x1  }
0x24: {  	s5 =	simm.s32 $0x3E80  }
0x25: {  	v9 =	vld [tilespmem:s5+$0x0];
	_ =	sdelay $0x1  }
0x26: {  	v1 =	vsub.s32 v7, v10;
	_ =	sdelay $0x2  }
0x27: {  	v2 =	vsub.s32 v7, v9;
	_ =	sdelay $0x1  }
0x28: {  	v5 =	vld.idx.msk [tilespmem:v1+s3+$0x0], $0xffff  }
0x29: {  	s7 =	simm.s32 $0x0;
	v6 =	vadd.s32 $0xF88, v1  }
0x2a: {  	s17 =	sand.u32 $0x1C00, s7;
	v4 =	vld [tilespmem:s20+$0x4290]  }
0x2b: {  	s0 =	sadd.s32 $0x4A80, s17;
	v8 =	vld.idx.msk [tilespmem:v2+s3+$0x0], $0xffff  }
0x2c: {  	v3 =	vld [tilespmem:s20+$0x42A0];
	s7 =	sor.u32 s9, s0;
	v11 =	vadd.s32 $0xF88, v2  }
0x2d: {  	v0 =	vld [tilespmem:s20+$0x42B0];
	[tilespmem:s7+$0x0] =	vst v5  }
0x2e: {  	v5 =	vld.idx.msk [tilespmem:v6+s3+$0x0], $0xffff  }
0x2f: {  	s4 =	sor.u32 s6, s0;
	v6 =	vadd.s32 $0x1F10, v1  }
0x30: {  	[tilespmem:s4+$0x0] =	vst v8  }
0x31: {  	s8 =	sadd.s32 $0x6A80, s17;
	v8 =	vld.idx.msk [tilespmem:v11+s3+$0x0], $0xffff  }
0x32: {  	s10 =	sor.u32 s9, s8;
	v11 =	vadd.s32 $0x1F10, v2  }
0x33: {  	[tilespmem:s10+$0x0] =	vst v5  }
0x34: {  	v5 =	vld.idx.msk [tilespmem:v6+s3+$0x0], $0xffff  }
0x35: {  	s0 =	sor.u32 s6, s8;
	v1 =	vadd.s32 $0x2E98, v1  }
0x36: {  	[tilespmem:s0+$0x0] =	vst v8  }
0x37: {  	s12 =	simm.s32 $0x20;
	s11 =	sadd.s32 $0x8A80, s17;
	v6 =	vld.idx.msk [tilespmem:v11+s3+$0x0], $0xffff  }
0x38: {  	s22 =	sand.u32 $0x60, s12;
	s2 =	sor.u32 s9, s11;
	v8 =	vadd.s32 $0x2E98, v2  }
0x39: {  	s1 =	sand.u32 $0x380, s12;
	s23 =	sor.u32 $0x10, s22;
	[tilespmem:s2+$0x0] =	vst v5  }
0x3a: {  	s1 =	sor.u32 s23, s1;
	v5 =	vld.idx.msk [tilespmem:v1+s3+$0x0], $0xffff  }
0x3b: {  	v2 =	vld [tilespmem:s1+$0x3E80];
	s0 =	sor.u32 s6, s11;
	v11 =	vsub.s32 v4, v10  }
0x3c: {  	[tilespmem:s0+$0x0] =	vst v6  }
0x3d: {  	s14 =	simm.s32 $0x3EA0;
	s13 =	sadd.s32 $0xAA80, s17;
	v6 =	vld.idx.msk [tilespmem:v8+s3+$0x0], $0xffff  }
0x3e: {  	s15 =	sor.u32 s9, s13;
	v1 =	vld [tilespmem:s14+$0x0];
	v8 =	vsub.s32 v4, v9  }
0x3f: {  	[tilespmem:s15+$0x0] =	vst v5  }
0x40: {  	v12 =	vsub.s32 v7, v2;
	v5 =	vld.idx.msk [tilespmem:v11+s3+$0x0], $0xffff  }
0x41: {  	v13 =	vadd.s32 $0xF88, v11;
	s0 =	sor.u32 s6, s13  }
0x42: {  	[tilespmem:s0+$0x0] =	vst v6  }
0x43: {  	v6 =	vsub.s32 v7, v1;
	v14 =	vld.idx.msk [tilespmem:v8+s3+$0x0], $0xffff  }
0x44: {  	v16 =	vadd.s32 $0xF88, v8  }
0x45: {  	v15 =	vld.idx.msk [tilespmem:v12+s3+$0x0], $0xffff;
	[tilespmem:s7+$0x80] =	vst v5  }
0x46: {  	s16 =	simm.s32 $0x100;
	v5 =	vld.idx.msk [tilespmem:v13+s3+$0x0], $0xffff;
	v13 =	vadd.s32 $0xF88, v12  }
0x47: {  	s24 =	sand.u32 $0x1C00, s16;
	v17 =	vadd.s32 $0x1F10, v11  }
0x48: {  	s0 =	sadd.s32 $0x4A80, s24;
	v18 =	vld.idx.msk [tilespmem:v6+s3+$0x0], $0xffff;
	[tilespmem:s4+$0x80] =	vst v14  }
0x49: {  	s18 =	sadd.s32 $0x6B00, s17;
	s29 =	sor.u32 s23, s0;
	v14 =	vld.idx.msk [tilespmem:v16+s3+$0x0], $0xffff;
	v16 =	vadd.s32 $0xF88, v6  }
0x4a: {  	s21 =	sor.u32 s9, s18;
	[tilespmem:s29+$0x0] =	vst v15;
	v15 =	vadd.s32 $0x1F10, v8  }
0x4b: {  	v13 =	vld.idx.msk [tilespmem:v13+s3+$0x0], $0xffff;
	[tilespmem:s21+$0x0] =	vst v5  }
0x4c: {  	s28 =	sor.u32 s22, s0;
	v5 =	vld.idx.msk [tilespmem:v17+s3+$0x0], $0xffff;
	v17 =	vadd.s32 $0x1F10, v12  }
0x4d: {  	s25 =	sor.u32 s6, s18;
	v11 =	vadd.s32 $0x2E98, v11;
	[tilespmem:s28+$0x0] =	vst v18  }
0x4e: {  	s26 =	sadd.s32 $0x6A80, s24;
	v16 =	vld.idx.msk [tilespmem:v16+s3+$0x0], $0xffff;
	[tilespmem:s25+$0x0] =	vst v14  }
0x4f: {  	s5 =	sadd.s32 $0x8B00, s17;
	s2 =	sor.u32 s23, s26;
	v14 =	vld.idx.msk [tilespmem:v15+s3+$0x0], $0xffff;
	v15 =	vadd.s32 $0x1F10, v6  }
0x50: {  	s8 =	sor.u32 s9, s5;
	v8 =	vadd.s32 $0x2E98, v8;
	[tilespmem:s2+$0x0] =	vst v13  }
0x51: {  	v13 =	vld.idx.msk [tilespmem:v17+s3+$0x0], $0xffff;
	[tilespmem:s8+$0x0] =	vst v5  }
0x52: {  	s10 =	sor.u32 s22, s26;
	s11 =	sor.u32 s6, s5;
	s5 =	simm.s32 $0x40;
	v5 =	vld.idx.msk [tilespmem:v11+s3+$0x0], $0xffff;
	v11 =	vadd.s32 $0x2E98, v12  }
0x53: {  	s26 =	sand.u32 $0x60, s5;
	[tilespmem:s10+$0x0] =	vst v16  }
0x54: {  	s12 =	sadd.s32 $0x8A80, s24;
	s16 =	sand.u32 $0x380, s5;
	s25 =	sor.u32 $0x10, s26;
	v15 =	vld.idx.msk [tilespmem:v15+s3+$0x0], $0xffff;
	[tilespmem:s11+$0x0] =	vst v14;
	v12 =	vsub.s32 v3, v10  }
0x55: {  	s13 =	sor.u32 s23, s12;
	s1 =	sor.u32 s25, s16;
	v14 =	vadd.s32 $0x2E98, v6;
	v8 =	vld.idx.msk [tilespmem:v8+s3+$0x0], $0xffff  }
0x56: {  	s14 =	sadd.s32 $0xAB00, s17;
	v6 =	vld [tilespmem:s1+$0x3E80];
	[tilespmem:s13+$0x0] =	vst v13;
	v13 =	vsub.s32 v3, v9  }
0x57: {  	s18 =	simm.s32 $0x3EC0;
	s15 =	sor.u32 s9, s14;
	v11 =	vld.idx.msk [tilespmem:v11+s3+$0x0], $0xffff  }
0x58: {  	s0 =	sor.u32 s22, s12;
	[tilespmem:s15+$0x0] =	vst v5;
	v5 =	vld [tilespmem:s18+$0x0]  }
0x59: {  	s21 =	sor.u32 s6, s14;
	v17 =	vsub.s32 v4, v2;
	[tilespmem:s0+$0x0] =	vst v15;
	v16 =	vld.idx.msk [tilespmem:v12+s3+$0x0], $0xffff  }
0x5a: {  	s2 =	sadd.s32 $0xAA80, s24;
	v15 =	vadd.s32 $0xF88, v12;
	v14 =	vld.idx.msk [tilespmem:v14+s3+$0x0], $0xffff;
	[tilespmem:s21+$0x0] =	vst v8  }
0x5b: {  	v18 =	vsub.s32 v4, v1;
	s5 =	sor.u32 s23, s2;
	v8 =	vld.idx.msk [tilespmem:v13+s3+$0x0], $0xffff  }
0x5c: {  	[tilespmem:s5+$0x0] =	vst v11;
	v11 =	vadd.s32 $0xF88, v13  }
0x5d: {  	v21 =	vsub.s32 v7, v5  }
0x5e: {  	s0 =	sor.u32 s22, s2;
	v19 =	vld.idx.msk [tilespmem:v17+s3+$0x0], $0xffff;
	[tilespmem:s7+$0x100] =	vst v16;
	v16 =	vsub.s32 v7, v6  }
0x5f: {  	v20 =	vadd.s32 $0xF88, v17;
	[tilespmem:s0+$0x0] =	vst v14;
	v15 =	vld.idx.msk [tilespmem:v15+s3+$0x0], $0xffff  }
0x60: {  	v14 =	vadd.s32 $0x1F10, v12;
	v22 =	vld.idx.msk [tilespmem:v18+s3+$0x0], $0xffff;
	[tilespmem:s4+$0x100] =	vst v8  }
0x61: {  	v8 =	vld.idx.msk [tilespmem:v11+s3+$0x0], $0xffff;
	v11 =	vadd.s32 $0xF88, v18  }
0x62: {  	s8 =	sadd.s32 $0x6B80, s17;
	v25 =	vld.idx.msk [tilespmem:v21+s3+$0x0], $0xffff  }
0x63: {  	s10 =	sor.u32 s9, s8;
	v23 =	vld.idx.msk [tilespmem:v16+s3+$0x0], $0xffff;
	[tilespmem:s29+$0x80] =	vst v19;
	v19 =	vadd.s32 $0x1F10, v13  }
0x64: {  	s11 =	simm.s32 $0x200;
	v20 =	vld.idx.msk [tilespmem:v20+s3+$0x0], $0xffff;
	[tilespmem:s10+$0x0] =	vst v15;
	v15 =	vadd.s32 $0xF88, v16  }
0x65: {  	s30 =	sand.u32 $0x1C00, s11;
	v24 =	vadd.s32 $0x1F10, v17;
	[tilespmem:s28+$0x80] =	vst v22;
	v14 =	vld.idx.msk [tilespmem:v14+s3+$0x0], $0xffff  }
0x66: {  	s16 =	simm.s32 $0x3EE0;
	s12 =	sadd.s32 $0x4A80, s30;
	s0 =	sor.u32 s6, s8;
	v12 =	vadd.s32 $0x2E98, v12;
	v11 =	vld.idx.msk [tilespmem:v11+s3+$0x0], $0xffff  }
0x67: {  	s1 =	sor.u32 s25, s12;
	s13 =	sadd.s32 $0x6B00, s24;
	v22 =	vadd.s32 $0xF88, v21;
	[tilespmem:s0+$0x0] =	vst v8;
	v8 =	vld [tilespmem:s16+$0x0]  }
0x68: {  	s14 =	sor.u32 s23, s13;
	s8 =	sadd.s32 $0x8B80, s17;
	[tilespmem:s1+$0x0] =	vst v23;
	v19 =	vld.idx.msk [tilespmem:v19+s3+$0x0], $0xffff;
	v23 =	vadd.s32 $0x1F10, v18  }
0x69: {  	s15 =	sor.u32 s9, s8;
	v13 =	vadd.s32 $0x2E98, v13;
	v15 =	vld.idx.msk [tilespmem:v15+s3+$0x0], $0xffff;
	[tilespmem:s14+$0x0] =	vst v20  }
0x6a: {  	s0 =	sor.u32 s26, s12;
	v20 =	vld.idx.msk [tilespmem:v24+s3+$0x0], $0xffff;
	[tilespmem:s15+$0x0] =	vst v14;
	v14 =	vadd.s32 $0x1F10, v16  }
0x6b: {  	s5 =	sor.u32 s22, s13;
	v17 =	vadd.s32 $0x2E98, v17;
	[tilespmem:s0+$0x0] =	vst v25;
	v12 =	vld.idx.msk [tilespmem:v12+s3+$0x0], $0xffff  }
0x6c: {  	s21 =	sadd.s32 $0x6A80, s30;
	s18 =	sor.u32 s6, s8;
	v22 =	vld.idx.msk [tilespmem:v22+s3+$0x0], $0xffff;
	v24 =	vsub.s32 v0, v10;
	[tilespmem:s5+$0x0] =	vst v11  }
0x6d: {  	s11 =	sor.u32 s25, s21;
	s10 =	sadd.s32 $0x8B00, s24;
	v11 =	vadd.s32 $0x1F10, v21;
	v10 =	vld.idx.msk [tilespmem:v23+s3+$0x0], $0xffff;
	[tilespmem:s18+$0x0] =	vst v19  }
0x6e: {  	s13 =	sadd.s32 $0xAB80, s17;
	s12 =	sor.u32 s23, s10;
	[tilespmem:s11+$0x0] =	vst v15;
	v13 =	vld.idx.msk [tilespmem:v13+s3+$0x0], $0xffff;
	v15 =	vadd.s32 $0x2E98, v18  }
0x6f: {  	v9 =	vsub.s32 v0, v9;
	s14 =	sor.u32 s9, s13;
	v14 =	vld.idx.msk [tilespmem:v14+s3+$0x0], $0xffff;
	[tilespmem:s12+$0x0] =	vst v20  }
0x70: {  	s8 =	sor.u32 s26, s21;
	v17 =	vld.idx.msk [tilespmem:v17+s3+$0x0], $0xffff;
	[tilespmem:s14+$0x0] =	vst v12;
	v12 =	vadd.s32 $0x2E98, v16  }
0x71: {  	s15 =	sor.u32 s22, s10;
	[tilespmem:s8+$0x0] =	vst v22;
	v18 =	vsub.s32 v3, v2;
	v16 =	vld.idx.msk [tilespmem:v24+s3+$0x0], $0xffff  }
0x72: {  	s16 =	sadd.s32 $0x8A80, s30;
	s5 =	sor.u32 s6, s13;
	v11 =	vld.idx.msk [tilespmem:v11+s3+$0x0], $0xffff;
	[tilespmem:s15+$0x0] =	vst v10;
	v10 =	vadd.s32 $0xF88, v24  }
0x73: {  	s18 =	sor.u32 s25, s16;
	s12 =	sadd.s32 $0xAB00, s24;
	v15 =	vld.idx.msk [tilespmem:v15+s3+$0x0], $0xffff;
	[tilespmem:s5+$0x0] =	vst v13  }
0x74: {  	s11 =	simm.s32 $0x60;
	s21 =	sor.u32 s23, s12;
	[tilespmem:s18+$0x0] =	vst v14;
	v14 =	vld.idx.msk [tilespmem:v9+s3+$0x0], $0xffff  }
0x75: {  	s31 =	sand.u32 $0x60, s11;
	v13 =	vadd.s32 $0x2E98, v21;
	v19 =	vld.idx.msk [tilespmem:v12+s3+$0x0], $0xffff;
	[tilespmem:s21+$0x0] =	vst v17  }
0x76: {  	v26 =	vsub.s32 v3, v1;
	s10 =	sor.u32 $0x10, s31;
	s5 =	sand.u32 $0x380, s11;
	v17 =	vld.idx.msk [tilespmem:v18+s3+$0x0], $0xffff;
	[tilespmem:s7+$0x180] =	vst v16  }
0x77: {  	v20 =	vadd.s32 $0xF88, v9;
	s2 =	sor.u32 s10, s5;
	v16 =	vld.idx.msk [tilespmem:v10+s3+$0x0], $0xffff  }
0x78: {  	s8 =	sor.u32 s26, s16;
	v12 =	vsub.s32 v4, v6;
	v10 =	vld [tilespmem:s2+$0x3E80]  }
0x79: {  	s13 =	sor.u32 s22, s12;
	v21 =	vadd.s32 $0xF88, v18;
	[tilespmem:s8+$0x0] =	vst v11  }
0x7a: {  	v23 =	vadd.s32 $0x1F10, v24;
	s14 =	sadd.s32 $0xAA80, s30;
	v22 =	vld.idx.msk [tilespmem:v13+s3+$0x0], $0xffff;
	[tilespmem:s13+$0x0] =	vst v15  }
0x7b: {  	s15 =	sor.u32 s25, s14;
	v13 =	vsub.s32 v4, v5;
	v25 =	vld.idx.msk [tilespmem:v26+s3+$0x0], $0xffff;
	[tilespmem:s4+$0x180] =	vst v14  }
0x7c: {  	v27 =	vadd.s32 $0xF88, v26;
	s16 =	sadd.s32 $0x6C00, s17;
	[tilespmem:s15+$0x0] =	vst v19;
	v14 =	vld.idx.msk [tilespmem:v20+s3+$0x0], $0xffff  }
0x7d: {  	s21 =	sor.u32 s9, s16;
	v20 =	vld.idx.msk [tilespmem:v12+s3+$0x0], $0xffff;
	[tilespmem:s29+$0x100] =	vst v17;
	v15 =	vsub.s32 v7, v10  }
0x7e: {  	s2 =	sor.u32 s26, s14;
	v17 =	vld.idx.msk [tilespmem:v21+s3+$0x0], $0xffff;
	[tilespmem:s21+$0x0] =	vst v16;
	v16 =	vadd.s32 $0xF88, v12  }
0x7f: {  	v21 =	vld.idx.msk [tilespmem:v23+s3+$0x0], $0xffff;
	[tilespmem:s2+$0x0] =	vst v22;
	v22 =	vadd.s32 $0x1F10, v18  }
0x80: {  	v11 =	vsub.s32 v7, v8;
	s4 =	sor.u32 s6, s16;
	v23 =	vld.idx.msk [tilespmem:v13+s3+$0x0], $0xffff;
	[tilespmem:s28+$0x100] =	vst v25  }
0x81: {  	v24 =	vadd.s32 $0x2E98, v24;
	s7 =	sadd.s32 $0x6B80, s24;
	v25 =	vld.idx.msk [tilespmem:v27+s3+$0x0], $0xffff;
	[tilespmem:s4+$0x0] =	vst v14  }
0x82: {  	s12 =	sadd.s32 $0x8C00, s17;
	s8 =	sor.u32 s23, s7;
	v27 =	vadd.s32 $0x1F10, v9;
	[tilespmem:s1+$0x80] =	vst v20;
	v28 =	vld.idx.msk [tilespmem:v15+s3+$0x0], $0xffff  }
0x83: {  	s18 =	sor.u32 s9, s12;
	s15 =	simm.s32 $0x300;
	v20 =	vadd.s32 $0xF88, v13;
	v16 =	vld.idx.msk [tilespmem:v16+s3+$0x0], $0xffff;
	[tilespmem:s8+$0x0] =	vst v17  }
0x84: {  	s4 =	sand.u32 $0x1C00, s15;
	v17 =	vadd.s32 $0x1F10, v26;
	[tilespmem:s18+$0x0] =	vst v21;
	v22 =	vld.idx.msk [tilespmem:v22+s3+$0x0], $0xffff  }
0x85: {  	v19 =	vld.idx.msk [tilespmem:v11+s3+$0x0], $0xffff;
	v29 =	vadd.s32 $0xF88, v15;
	s2 =	sor.u32 s22, s7;
	s5 =	sadd.s32 $0x4A80, s4;
	[tilespmem:s0+$0x80] =	vst v23  }
0x86: {  	v30 =	vadd.s32 $0x1F10, v12;
	s13 =	sadd.s32 $0x6B00, s30;
	s7 =	sor.u32 s10, s5;
	v31 =	vld.idx.msk [tilespmem:v24+s3+$0x0], $0xffff;
	[tilespmem:s2+$0x0] =	vst v25  }
0x87: {  	s14 =	sadd.s32 $0x8B80, s24;
	s21 =	sor.u32 s25, s13;
	v18 =	vadd.s32 $0x2E98, v18;
	v14 =	vld.idx.msk [tilespmem:v27+s3+$0x0], $0xffff;
	[tilespmem:s7+$0x0] =	vst v28  }
0x88: {  	s8 =	sor.u32 s23, s14;
	v21 =	vld.idx.msk [tilespmem:v20+s3+$0x0], $0xffff;
	[tilespmem:s21+$0x0] =	vst v16  }
0x89: {  	v25 =	vadd.s32 $0xF88, v11;
	v17 =	vld.idx.msk [tilespmem:v17+s3+$0x0], $0xffff;
	s21 =	sshll.u32 s19, $0x4;
	[tilespmem:s8+$0x0] =	vst v22  }
0x8a: {  	s12 =	sor.u32 s6, s12;
	s16 =	sadd.s32 $0xAC00, s17;
	v23 =	vld.idx.msk [tilespmem:v29+s3+$0x0], $0xffff;
	v22 =	vadd.s32 $0x1F10, v13;
	[dreg:$0xa] =	wrdreg s21  }
0x8b: {  	s17 =	sor.u32 s6, s16;
	s6 =	sor.u32 s31, s5;
	s18 =	sor.u32 s9, s16;
	v16 =	vadd.s32 $0x2E98, v26;
	v20 =	vld.idx.msk [tilespmem:v30+s3+$0x0], $0xffff  }
0x8c: {  	s14 =	sor.u32 s22, s14;
	s16 =	sor.u32 s26, s13;
	s9 =	simm.s32 $0x3F00;
	v24 =	vadd.s32 $0x1F10, v15;
	[tilespmem:s18+$0x0] =	vst v31;
	v18 =	vld.idx.msk [tilespmem:v18+s3+$0x0], $0xffff  }
.LBB2_3:
0x8d: {  	v26 =	vld [tilespmem:s9+$0x0];
	[tilespmem:s6+$0x0] =	vst v19;
	v12 =	vadd.s32 $0x2E98, v12;
	s2 =	smov.u32 s23;
	s23 =	smov.u32 s25;
	s25 =	smov.u32 s10  }
0x8e: {  	s5 =	sadd.s32 $0x6A80, s4;
	s13 =	smov.u32 s24;
	s24 =	smov.u32 s30;
	v19 =	vld.idx.msk [tilespmem:v25+s3+$0x0], $0xffff;
	[tilespmem:s16+$0x0] =	vst v21;
	v21 =	vsub.s32 v0, v2;
	v2 =	vmov v6;
	v6 =	vmov v10  }
0x8f: {  	s8 =	sor.u32 s31, s5;
	s5 =	sor.u32 s25, s5;
	s10 =	sadd.s32 $0x8B00, s24;
	v10 =	vld.idx.msk [tilespmem:v22+s3+$0x0], $0xffff;
	[tilespmem:s14+$0x0] =	vst v17;
	v17 =	vadd.s32 $0x2E98, v9  }
0x90: {  	v22 =	vadd.s32 $0x1F10, v11;
	s14 =	sadd.s32 $0xAB80, s13;
	[tilespmem:s5+$0x0] =	vst v23;
	s5 =	sor.u32 s26, s10;
	s10 =	sor.u32 s23, s10;
	v16 =	vld.idx.msk [tilespmem:v16+s3+$0x0], $0xffff  }
0x91: {  	v13 =	vadd.s32 $0x2E98, v13;
	s30 =	smov.u32 s4;
	v23 =	vld.idx.msk [tilespmem:v24+s3+$0x0], $0xffff;
	[tilespmem:s10+$0x0] =	vst v20;
	s10 =	sor.u32 s22, s14;
	s14 =	sor.u32 s2, s14  }
0x92: {  	v9 =	vsub.s32 v0, v1;
	v1 =	vmovc v5;
	v5 =	vmov v8;
	v12 =	vld.idx.msk [tilespmem:v12+s3+$0x0], $0xffff;
	[tilespmem:s14+$0x0] =	vst v18;
	v8 =	vmov v26  }
0x93: {  	v15 =	vadd.s32 $0x2E98, v15;
	v18 =	vld.idx.msk [tilespmem:v21+s3+$0x0], $0xffff;
	[tilespmem:s12+$0x0] =	vst v14  }
0x94: {  	v14 =	vsub.s32 v3, v2;
	[tilespmem:s8+$0x0] =	vst v19;
	v17 =	vld.idx.msk [tilespmem:v17+s3+$0x0], $0xffff  }
0x95: {  	s4 =	sadd.s32 $0x8A80, s30;
	v19 =	vld.idx.msk [tilespmem:v22+s3+$0x0], $0xffff;
	[tilespmem:s5+$0x0] =	vst v10;
	v10 =	vadd.s32 $0xF88, v21  }
0x96: {  	s8 =	sor.u32 s31, s4;
	s4 =	sor.u32 s25, s4;
	s5 =	sadd.s32 $0xAB00, s24;
	v13 =	vld.idx.msk [tilespmem:v13+s3+$0x0], $0xffff;
	[tilespmem:s10+$0x0] =	vst v16  }
0x97: {  	s11 =	sadd.s32 $0x20, s11;
	v11 =	vadd.s32 $0x2E98, v11;
	s10 =	sor.u32 s23, s5;
	[tilespmem:s4+$0x0] =	vst v23;
	s4 =	sor.u32 s26, s5;
	v16 =	vld.idx.msk [tilespmem:v9+s3+$0x0], $0xffff  }
0x98: {  	p1 =	slt.u32 s11, $0x3E0;
	v24 =	vsub.s32 v3, v1;
	s5 =	sand.u32 $0x60, s11;
	v15 =	vld.idx.msk [tilespmem:v15+s3+$0x0], $0xffff;
	[tilespmem:s10+$0x0] =	vst v12  }
0x99: {  	s12 =	sand.u32 $0x380, s11;
	v22 =	vadd.s32 $0xF88, v9;
	s10 =	sor.u32 $0x10, s5;
	v20 =	vld.idx.msk [tilespmem:v14+s3+$0x0], $0xffff;
	[tilespmem:s29+$0x180] =	vst v18;
	s29 =	smov.u32 s1  }
0x9a: {  	v12 =	vsub.s32 v4, v6;
	s12 =	sor.u32 s10, s12;
	s1 =	smov.u32 s7;
	v18 =	vld.idx.msk [tilespmem:v10+s3+$0x0], $0xffff;
	[tilespmem:s17+$0x0] =	vst v17  }
0x9b: {  	v17 =	vadd.s32 $0xF88, v14;
	v10 =	vld [tilespmem:s12+$0x3E80];
	[tilespmem:s8+$0x0] =	vst v19  }
0x9c: {  	s7 =	sadd.s32 $0xAA80, s30;
	v19 =	vadd.s32 $0x1F10, v21;
	v23 =	vld.idx.msk [tilespmem:v11+s3+$0x0], $0xffff;
	[tilespmem:s4+$0x0] =	vst v13  }
0x9d: {  	v11 =	vsub.s32 v7, v8;
	s4 =	sor.u32 s31, s7;
	s7 =	sor.u32 s25, s7;
	v25 =	vld.idx.msk [tilespmem:v24+s3+$0x0], $0xffff;
	[tilespmem:s28+$0x180] =	vst v16;
	s28 =	smov.u32 s0  }
0x9e: {  	v13 =	vsub.s32 v4, v5;
	s0 =	smov.u32 s6;
	[tilespmem:s7+$0x0] =	vst v15;
	v16 =	vld.idx.msk [tilespmem:v22+s3+$0x0], $0xffff;
	s7 =	sadd.s32 $0x6C00, s13  }
0x9f: {  	v26 =	vadd.s32 $0xF88, v24;
	v22 =	vld.idx.msk [tilespmem:v12+s3+$0x0], $0xffff;
	[tilespmem:s29+$0x100] =	vst v20;
	s6 =	sor.u32 s22, s7;
	s7 =	sor.u32 s2, s7  }
0xa0: {  	v15 =	vsub.s32 v7, v10;
	v17 =	vld.idx.msk [tilespmem:v17+s3+$0x0], $0xffff;
	[tilespmem:s7+$0x0] =	vst v18  }
0xa1: {  	v18 =	vadd.s32 $0xF88, v12;
	v20 =	vld.idx.msk [tilespmem:v19+s3+$0x0], $0xffff  }
0xa2: {  	v19 =	vld.idx.msk [tilespmem:v11+s3+$0x0], $0xffff;
	[tilespmem:s4+$0x0] =	vst v23;
	v23 =	vadd.s32 $0x1F10, v14  }
0xa3: {  	v21 =	vadd.s32 $0x2E98, v21;
	v27 =	vld.idx.msk [tilespmem:v13+s3+$0x0], $0xffff;
	[tilespmem:s28+$0x100] =	vst v25  }
0xa4: {  	s4 =	sadd.s32 $0x6B80, s24;
	v25 =	vld.idx.msk [tilespmem:v26+s3+$0x0], $0xffff;
	[tilespmem:s6+$0x0] =	vst v16;
	v16 =	vadd.s32 $0x1F10, v9  }
0xa5: {  	v28 =	vadd.s32 $0xF88, v13;
	s8 =	sor.u32 s26, s4;
	s4 =	sor.u32 s23, s4;
	s6 =	sadd.s32 $0x8C00, s13;
	v26 =	vld.idx.msk [tilespmem:v15+s3+$0x0], $0xffff;
	[tilespmem:s1+$0x80] =	vst v22  }
0xa6: {  	v22 =	vadd.s32 $0x1F10, v24;
	s12 =	sor.u32 s22, s6;
	v18 =	vld.idx.msk [tilespmem:v18+s3+$0x0], $0xffff;
	[tilespmem:s4+$0x0] =	vst v17;
	s4 =	sor.u32 s2, s6  }
0xa7: {  	s15 =	sadd.s32 $0x100, s15;
	v29 =	vadd.s32 $0xF88, v15;
	v30 =	vld.idx.msk [tilespmem:v23+s3+$0x0], $0xffff;
	[tilespmem:s4+$0x0] =	vst v20  }
0xa8: {  	s4 =	sand.u32 $0x1C00, s15;
	v20 =	vadd.s32 $0x1F10, v12;
	v31 =	vld.idx.msk [tilespmem:v21+s3+$0x0], $0xffff  }
0xa9: {  	s14 =	sadd.s32 $0x6B00, s30;
	s7 =	sadd.s32 $0x4A80, s4;
	[tilespmem:s0+$0x80] =	vst v27;
	v27 =	vadd.s32 $0x2E98, v14;
	v14 =	vld.idx.msk [tilespmem:v16+s3+$0x0], $0xffff  }
.Ltmp0:
0xaa: {  	s6 =	sor.u32 s5, s7;
	s7 =	sor.u32 s10, s7;
	v21 =	vld.idx.msk [tilespmem:v28+s3+$0x0], $0xffff;
	[tilespmem:s8+$0x0] =	vst v25;
	(pc) =	sbr.rel @p1 .LBB2_3-.Ltmp0, $4  }
0xab: {  	s16 =	sor.u32 s31, s14;
	s17 =	sadd.s32 $0x8B80, s24;
	v25 =	vadd.s32 $0xF88, v11;
	s8 =	sor.u32 s25, s14;
	[tilespmem:s7+$0x0] =	vst v26;
	v17 =	vld.idx.msk [tilespmem:v22+s3+$0x0], $0xffff  }
0xac: {  	s13 =	sadd.s32 $0xAC00, s13;
	s14 =	sor.u32 s26, s17;
	v22 =	vadd.s32 $0x1F10, v13;
	v23 =	vld.idx.msk [tilespmem:v29+s3+$0x0], $0xffff;
	[tilespmem:s8+$0x0] =	vst v18;
	s8 =	sor.u32 s23, s17  }
0xad: {  	s2 =	sor.u32 s2, s13;
	v16 =	vadd.s32 $0x2E98, v24;
	s17 =	sor.u32 s22, s13;
	s22 =	smov.u32 s26;
	v20 =	vld.idx.msk [tilespmem:v20+s3+$0x0], $0xffff;
	[tilespmem:s8+$0x0] =	vst v30  }
0xae: {  	s9 =	sadd.s32 $0x20, s9;
	v24 =	vadd.s32 $0x1F10, v15;
	s26 =	smov.u32 s31;
	s31 =	smov.u32 s5;
	v18 =	vld.idx.msk [tilespmem:v27+s3+$0x0], $0xffff;
	[tilespmem:s2+$0x0] =	vst v31  }
0xaf: {  	_ =	sdelay $0x2  }
0xb0: {  	[tilespmem:s6+$0x0] =	vst v19  }
0xb1: {  	v7 =	vld.idx.msk [tilespmem:v25+s3+$0x0], $0xffff  }
0xb2: {  	v19 =	vadd.s32 $0x1F10, v11  }
0xb3: {  	s2 =	sadd.s32 $0x6A80, s4  }
0xb4: {  	s5 =	sor.u32 s10, s2  }
0xb5: {  	s2 =	sor.u32 s31, s2;
	[tilespmem:s5+$0x0] =	vst v23  }
0xb6: {  	v23 =	vld.idx.msk [tilespmem:v24+s3+$0x0], $0xffff;
	[tilespmem:s2+$0x0] =	vst v7  }
0xb7: {  	v7 =	vadd.s32 $0x2E98, v15;
	v15 =	vld.idx.msk [tilespmem:v19+s3+$0x0], $0xffff  }
0xb8: {  	v11 =	vadd.s32 $0x2E98, v11  }
0xb9: {  	s13 =	sadd.s32 $0x8A80, s4  }
0xba: {  	s15 =	sor.u32 s10, s13  }
0xbb: {  	s2 =	sor.u32 s31, s13;
	[tilespmem:s15+$0x0] =	vst v23  }
0xbc: {  	v7 =	vld.idx.msk [tilespmem:v7+s3+$0x0], $0xffff;
	[tilespmem:s2+$0x0] =	vst v15  }
0xbd: {  	v15 =	vsub.s32 v4, v10;
	v11 =	vld.idx.msk [tilespmem:v11+s3+$0x0], $0xffff  }
0xbe: {  	v4 =	vsub.s32 v4, v8  }
0xbf: {  	s18 =	sadd.s32 $0xAA80, s4  }
0xc0: {  	s21 =	sor.u32 s10, s18  }
0xc1: {  	s2 =	sor.u32 s31, s18;
	[tilespmem:s21+$0x0] =	vst v7  }
0xc2: {  	v7 =	vld.idx.msk [tilespmem:v15+s3+$0x0], $0xffff;
	[tilespmem:s2+$0x0] =	vst v11  }
0xc3: {  	v11 =	vadd.s32 $0xF88, v15;
	v19 =	vld.idx.msk [tilespmem:v4+s3+$0x0], $0xffff  }
0xc4: {  	v23 =	vadd.s32 $0xF88, v4;
	_ =	sdelay $0x2  }
0xc5: {  	[tilespmem:s7+$0x80] =	vst v7  }
0xc6: {  	v7 =	vld.idx.msk [tilespmem:v11+s3+$0x0], $0xffff;
	[tilespmem:s6+$0x80] =	vst v19  }
0xc7: {  	v11 =	vadd.s32 $0x1F10, v15;
	v19 =	vld.idx.msk [tilespmem:v23+s3+$0x0], $0xffff  }
0xc8: {  	v23 =	vadd.s32 $0x1F10, v4  }
0xc9: {  	s5 =	sadd.s32 $0x6B00, s4  }
0xca: {  	[tilespmem:s16+$0x0] =	vst v21;
	s8 =	sor.u32 s10, s5  }
0xcb: {  	v12 =	vadd.s32 $0x2E98, v12;
	v21 =	vld.idx.msk [tilespmem:v22+s3+$0x0], $0xffff;
	s2 =	sor.u32 s31, s5;
	[tilespmem:s8+$0x0] =	vst v7  }
0xcc: {  	v7 =	vadd.s32 $0x2E98, v13;
	v11 =	vld.idx.msk [tilespmem:v11+s3+$0x0], $0xffff;
	[tilespmem:s2+$0x0] =	vst v19  }
0xcd: {  	s9 =	sadd.s32 $0x8B00, s30;
	v13 =	vadd.s32 $0x2E98, v15;
	v15 =	vld.idx.msk [tilespmem:v23+s3+$0x0], $0xffff  }
0xce: {  	s11 =	sor.u32 s25, s9;
	v4 =	vadd.s32 $0x2E98, v4  }
0xcf: {  	[tilespmem:s11+$0x0] =	vst v20;
	s13 =	sadd.s32 $0x8B00, s4;
	s2 =	sor.u32 s26, s9  }
0xd0: {  	v12 =	vld.idx.msk [tilespmem:v12+s3+$0x0], $0xffff;
	s15 =	sor.u32 s10, s13;
	[tilespmem:s2+$0x0] =	vst v21  }
0xd1: {  	s5 =	sor.u32 s31, s13;
	v19 =	vsub.s32 v3, v6;
	v7 =	vld.idx.msk [tilespmem:v7+s3+$0x0], $0xffff;
	[tilespmem:s15+$0x0] =	vst v11  }
0xd2: {  	v11 =	vsub.s32 v3, v5;
	v13 =	vld.idx.msk [tilespmem:v13+s3+$0x0], $0xffff;
	[tilespmem:s5+$0x0] =	vst v15  }
0xd3: {  	s16 =	sadd.s32 $0xAB00, s30;
	v15 =	vsub.s32 v3, v10;
	v4 =	vld.idx.msk [tilespmem:v4+s3+$0x0], $0xffff  }
0xd4: {  	s18 =	sor.u32 s25, s16;
	v3 =	vsub.s32 v3, v8  }
0xd5: {  	[tilespmem:s18+$0x0] =	vst v12;
	s21 =	sadd.s32 $0xAB00, s4;
	s2 =	sor.u32 s26, s16  }
0xd6: {  	s8 =	sor.u32 s10, s21;
	v12 =	vld.idx.msk [tilespmem:v19+s3+$0x0], $0xffff;
	[tilespmem:s2+$0x0] =	vst v7  }
0xd7: {  	s5 =	sor.u32 s31, s21;
	v7 =	vadd.s32 $0xF88, v19;
	v20 =	vld.idx.msk [tilespmem:v11+s3+$0x0], $0xffff;
	[tilespmem:s8+$0x0] =	vst v13  }
0xd8: {  	v13 =	vadd.s32 $0xF88, v11;
	v21 =	vld.idx.msk [tilespmem:v15+s3+$0x0], $0xffff;
	[tilespmem:s5+$0x0] =	vst v4  }
0xd9: {  	v4 =	vadd.s32 $0xF88, v15;
	v22 =	vld.idx.msk [tilespmem:v3+s3+$0x0], $0xffff  }
0xda: {  	v23 =	vadd.s32 $0xF88, v3  }
0xdb: {  	v9 =	vadd.s32 $0x2E98, v9;
	[tilespmem:s1+$0x100] =	vst v12  }
0xdc: {  	v7 =	vld.idx.msk [tilespmem:v7+s3+$0x0], $0xffff;
	[tilespmem:s0+$0x100] =	vst v20  }
0xdd: {  	v12 =	vadd.s32 $0x1F10, v19;
	v13 =	vld.idx.msk [tilespmem:v13+s3+$0x0], $0xffff;
	[tilespmem:s7+$0x100] =	vst v21  }
0xde: {  	v20 =	vadd.s32 $0x1F10, v11;
	v4 =	vld.idx.msk [tilespmem:v4+s3+$0x0], $0xffff;
	[tilespmem:s6+$0x100] =	vst v22  }
0xdf: {  	[tilespmem:s12+$0x0] =	vst v14;
	s9 =	sadd.s32 $0x6B80, s30;
	v21 =	vadd.s32 $0x1F10, v15;
	v22 =	vld.idx.msk [tilespmem:v23+s3+$0x0], $0xffff  }
0xe0: {  	[tilespmem:s14+$0x0] =	vst v17;
	v9 =	vld.idx.msk [tilespmem:v9+s3+$0x0], $0xffff;
	s11 =	sor.u32 s25, s9;
	v17 =	vadd.s32 $0x1F10, v3  }
0xe1: {  	s13 =	sadd.s32 $0x6B80, s4;
	s2 =	sor.u32 s26, s9;
	[tilespmem:s11+$0x0] =	vst v7  }
0xe2: {  	v2 =	vsub.s32 v0, v2;
	s14 =	sor.u32 s10, s13;
	v7 =	vld.idx.msk [tilespmem:v12+s3+$0x0], $0xffff;
	[tilespmem:s2+$0x0] =	vst v13  }
0xe3: {  	s5 =	sor.u32 s31, s13;
	v12 =	vadd.s32 $0x2E98, v19;
	v13 =	vld.idx.msk [tilespmem:v20+s3+$0x0], $0xffff;
	[tilespmem:s14+$0x0] =	vst v4  }
0xe4: {  	s8 =	sadd.s32 $0xAB80, s24;
	v4 =	vadd.s32 $0x2E98, v11;
	v11 =	vld.idx.msk [tilespmem:v21+s3+$0x0], $0xffff;
	[tilespmem:s5+$0x0] =	vst v22  }
0xe5: {  	[tilespmem:s17+$0x0] =	vst v9;
	s16 =	sadd.s32 $0x8B80, s30;
	s15 =	sor.u32 s23, s8;
	v15 =	vadd.s32 $0x2E98, v15;
	v17 =	vld.idx.msk [tilespmem:v17+s3+$0x0], $0xffff  }
0xe6: {  	v1 =	vsub.s32 v0, v1;
	v16 =	vld.idx.msk [tilespmem:v16+s3+$0x0], $0xffff;
	s18 =	sor.u32 s25, s16;
	[tilespmem:s15+$0x0] =	vst v18;
	v3 =	vadd.s32 $0x2E98, v3  }
0xe7: {  	v6 =	vsub.s32 v0, v6;
	v5 =	vsub.s32 v0, v5;
	s21 =	sadd.s32 $0x8B80, s4;
	v14 =	vld.idx.msk [tilespmem:v2+s3+$0x0], $0xffff;
	s2 =	sor.u32 s26, s16;
	[tilespmem:s18+$0x0] =	vst v7  }
0xe8: {  	v10 =	vsub.s32 v0, v10;
	v0 =	vsub.s32 v0, v8;
	v8 =	vadd.s32 $0xF88, v2;
	s9 =	sor.u32 s10, s21;
	v7 =	vld.idx.msk [tilespmem:v12+s3+$0x0], $0xffff;
	[tilespmem:s2+$0x0] =	vst v13  }
0xe9: {  	s5 =	sor.u32 s31, s21;
	v4 =	vld.idx.msk [tilespmem:v4+s3+$0x0], $0xffff;
	[tilespmem:s9+$0x0] =	vst v11  }
0xea: {  	s11 =	sor.u32 s22, s8;
	v11 =	vld.idx.msk [tilespmem:v15+s3+$0x0], $0xffff;
	[tilespmem:s5+$0x0] =	vst v17  }
0xeb: {  	s12 =	sadd.s32 $0xAB80, s30;
	[tilespmem:s11+$0x0] =	vst v16;
	v3 =	vld.idx.msk [tilespmem:v3+s3+$0x0], $0xffff  }
0xec: {  	s13 =	sor.u32 s25, s12;
	[tilespmem:s29+$0x180] =	vst v14;
	v12 =	vld.idx.msk [tilespmem:v1+s3+$0x0], $0xffff  }
0xed: {  	v8 =	vld.idx.msk [tilespmem:v8+s3+$0x0], $0xffff;
	s14 =	sadd.s32 $0xAB80, s4;
	s2 =	sor.u32 s26, s12;
	[tilespmem:s13+$0x0] =	vst v7;
	v7 =	vadd.s32 $0xF88, v1  }
0xee: {  	s15 =	sor.u32 s10, s14;
	v13 =	vld.idx.msk [tilespmem:v6+s3+$0x0], $0xffff;
	[tilespmem:s2+$0x0] =	vst v4  }
0xef: {  	s5 =	sor.u32 s31, s14;
	v4 =	vadd.s32 $0xF88, v6;
	v14 =	vld.idx.msk [tilespmem:v5+s3+$0x0], $0xffff;
	[tilespmem:s15+$0x0] =	vst v11  }
0xf0: {  	s16 =	sadd.s32 $0x6C00, s24;
	v11 =	vadd.s32 $0xF88, v5;
	v15 =	vld.idx.msk [tilespmem:v10+s3+$0x0], $0xffff;
	[tilespmem:s5+$0x0] =	vst v3  }
0xf1: {  	s17 =	sor.u32 s23, s16;
	[tilespmem:s28+$0x180] =	vst v12;
	v3 =	vadd.s32 $0xF88, v10;
	v9 =	vld.idx.msk [tilespmem:v0+s3+$0x0], $0xffff  }
0xf2: {  	[tilespmem:s17+$0x0] =	vst v8;
	v12 =	vadd.s32 $0xF88, v0;
	v7 =	vld.idx.msk [tilespmem:v7+s3+$0x0], $0xffff  }
0xf3: {  	[tilespmem:s1+$0x180] =	vst v13;
	v13 =	vadd.s32 $0x1F10, v1  }
0xf4: {  	v16 =	vadd.s32 $0x1F10, v2;
	v4 =	vld.idx.msk [tilespmem:v4+s3+$0x0], $0xffff;
	[tilespmem:s0+$0x180] =	vst v14  }
0xf5: {  	v14 =	vadd.s32 $0x1F10, v6;
	v11 =	vld.idx.msk [tilespmem:v11+s3+$0x0], $0xffff;
	[tilespmem:s7+$0x180] =	vst v15  }
0xf6: {  	s0 =	sor.u32 s22, s16;
	v15 =	vadd.s32 $0x1F10, v5;
	v3 =	vld.idx.msk [tilespmem:v3+s3+$0x0], $0xffff;
	[tilespmem:s6+$0x180] =	vst v9  }
0xf7: {  	s18 =	sadd.s32 $0x6C00, s30;
	v8 =	vadd.s32 $0x1F10, v10;
	[tilespmem:s0+$0x0] =	vst v7;
	v9 =	vld.idx.msk [tilespmem:v12+s3+$0x0], $0xffff  }
0xf8: {  	s21 =	sor.u32 s25, s18;
	v7 =	vadd.s32 $0x1F10, v0;
	v13 =	vld.idx.msk [tilespmem:v13+s3+$0x0], $0xffff  }
0xf9: {  	s2 =	sadd.s32 $0x6C00, s4;
	s1 =	sor.u32 s26, s18;
	v1 =	vadd.s32 $0x2E98, v1;
	[tilespmem:s21+$0x0] =	vst v4;
	v12 =	vld.idx.msk [tilespmem:v16+s3+$0x0], $0xffff  }
0xfa: {  	v2 =	vadd.s32 $0x2E98, v2;
	s5 =	sor.u32 s10, s2;
	v4 =	vld.idx.msk [tilespmem:v14+s3+$0x0], $0xffff;
	[tilespmem:s1+$0x0] =	vst v11  }
0xfb: {  	v6 =	vadd.s32 $0x2E98, v6;
	s0 =	sor.u32 s31, s2;
	s6 =	sadd.s32 $0x8C00, s24;
	v11 =	vld.idx.msk [tilespmem:v15+s3+$0x0], $0xffff;
	[tilespmem:s5+$0x0] =	vst v3  }
0xfc: {  	s8 =	sor.u32 s22, s6;
	v3 =	vadd.s32 $0x2E98, v5;
	v5 =	vld.idx.msk [tilespmem:v8+s3+$0x0], $0xffff;
	[tilespmem:s0+$0x0] =	vst v9  }
0xfd: {  	s9 =	sadd.s32 $0x8C00, s30;
	s7 =	sor.u32 s23, s6;
	[tilespmem:s8+$0x0] =	vst v13;
	v8 =	vadd.s32 $0x2E98, v10;
	v7 =	vld.idx.msk [tilespmem:v7+s3+$0x0], $0xffff  }
0xfe: {  	s11 =	sor.u32 s25, s9;
	v0 =	vadd.s32 $0x2E98, v0;
	v1 =	vld.idx.msk [tilespmem:v1+s3+$0x0], $0xffff;
	[tilespmem:s7+$0x0] =	vst v12  }
0xff: {  	s12 =	sadd.s32 $0x8C00, s4;
	s1 =	sor.u32 s26, s9;
	[tilespmem:s11+$0x0] =	vst v4;
	v2 =	vld.idx.msk [tilespmem:v2+s3+$0x0], $0xffff  }
0x100: {  	s13 =	sor.u32 s10, s12;
	v4 =	vld.idx.msk [tilespmem:v6+s3+$0x0], $0xffff;
	[tilespmem:s1+$0x0] =	vst v11  }
0x101: {  	s14 =	sadd.s32 $0xAC00, s24;
	s0 =	sor.u32 s31, s12;
	v3 =	vld.idx.msk [tilespmem:v3+s3+$0x0], $0xffff;
	[tilespmem:s13+$0x0] =	vst v5  }
0x102: {  	s16 =	sor.u32 s22, s14;
	v5 =	vld.idx.msk [tilespmem:v8+s3+$0x0], $0xffff;
	[tilespmem:s0+$0x0] =	vst v7  }
0x103: {  	s17 =	sadd.s32 $0xAC00, s30;
	s15 =	sor.u32 s23, s14;
	[tilespmem:s16+$0x0] =	vst v1;
	v0 =	vld.idx.msk [tilespmem:v0+s3+$0x0], $0xffff  }
0x104: {  	s18 =	sor.u32 s25, s17;
	[tilespmem:s15+$0x0] =	vst v2  }
0x105: {  	s21 =	sadd.s32 $0xAC00, s4;
	s1 =	sor.u32 s26, s17;
	[tilespmem:s18+$0x0] =	vst v4  }
0x106: {  	s22 =	sor.u32 s10, s21;
	s7 =	simm.s32 $0x0;
	[tilespmem:s1+$0x0] =	vst v3  }
0x107: {  	s6 =	sand.u32 $0x60, s7;
	s0 =	sor.u32 s31, s21;
	[tilespmem:s22+$0x0] =	vst v5  }
0x108: {  	s23 =	sand.u32 $0x380, s7;
	s31 =	sor.u32 $0x10, s6;
	[tilespmem:s0+$0x0] =	vst v0  }
0x109: {  	s0 =	sor.u32 s31, s23;
	v7 =	vld [tilespmem:s20+$0x42C0]  }
0x10a: {  	s24 =	simm.s32 $0x3E80;
	v10 =	vld [tilespmem:s0+$0x3E80]  }
0x10b: {  	v9 =	vld [tilespmem:s24+$0x0];
	_ =	sdelay $0x3  }
0x10c: {  	v1 =	vsub.s32 v7, v10  }
0x10d: {  	v2 =	vsub.s32 v7, v9;
	_ =	sdelay $0x3  }
0x10e: {  	v4 =	vld.idx.msk [tilespmem:v1+s3+$0x0], $0xffff  }
0x10f: {  	s10 =	simm.s32 $0x0;
	v5 =	vadd.s32 $0xF88, v1;
	v8 =	vld.idx.msk [tilespmem:v2+s3+$0x0], $0xffff  }
0x110: {  	s17 =	sand.u32 $0x1C00, s10;
	v11 =	vadd.s32 $0xF88, v2  }
0x111: {  	s25 =	sadd.s32 $0x4A80, s17;
	v6 =	vld [tilespmem:s20+$0x42D0]  }
0x112: {  	s26 =	sor.u32 s31, s25;
	v3 =	vld [tilespmem:s20+$0x42E0]  }
0x113: {  	v0 =	vld [tilespmem:s20+$0x42F0];
	s0 =	sor.u32 s6, s25;
	[tilespmem:s26+$0x200] =	vst v4  }
0x114: {  	[tilespmem:s0+$0x200] =	vst v8;
	v4 =	vld.idx.msk [tilespmem:v5+s3+$0x0], $0xffff  }
0x115: {  	v5 =	vadd.s32 $0x1F10, v1;
	v8 =	vld.idx.msk [tilespmem:v11+s3+$0x0], $0xffff  }
0x116: {  	v11 =	vadd.s32 $0x1F10, v2  }
0x117: {  	s9 =	sadd.s32 $0x6C80, s17  }
0x118: {  	s11 =	sor.u32 s31, s9  }
0x119: {  	s2 =	sor.u32 s6, s9;
	[tilespmem:s11+$0x0] =	vst v4  }
0x11a: {  	[tilespmem:s2+$0x0] =	vst v8;
	v4 =	vld.idx.msk [tilespmem:v5+s3+$0x0], $0xffff  }
0x11b: {  	s4 =	simm.s32 $0x20;
	v1 =	vadd.s32 $0x2E98, v1;
	v5 =	vld.idx.msk [tilespmem:v11+s3+$0x0], $0xffff  }
0x11c: {  	s22 =	sand.u32 $0x60, s4;
	v8 =	vadd.s32 $0x2E98, v2  }
0x11d: {  	s14 =	sand.u32 $0x380, s4;
	s12 =	sadd.s32 $0x8C80, s17;
	s23 =	sor.u32 $0x10, s22  }
0x11e: {  	s13 =	sor.u32 s31, s12;
	s5 =	sor.u32 s23, s14  }
0x11f: {  	v2 =	vld [tilespmem:s5+$0x3E80];
	s2 =	sor.u32 s6, s12;
	[tilespmem:s13+$0x0] =	vst v4  }
0x120: {  	[tilespmem:s2+$0x0] =	vst v5;
	v4 =	vld.idx.msk [tilespmem:v1+s3+$0x0], $0xffff  }
0x121: {  	v11 =	vsub.s32 v6, v10;
	v5 =	vld.idx.msk [tilespmem:v8+s3+$0x0], $0xffff  }
0x122: {  	v8 =	vsub.s32 v6, v9  }
0x123: {  	s16 =	simm.s32 $0x3EA0;
	s15 =	sadd.s32 $0xAC80, s17  }
0x124: {  	s18 =	sor.u32 s31, s15;
	v12 =	vsub.s32 v7, v2;
	v1 =	vld [tilespmem:s16+$0x0]  }
0x125: {  	s2 =	sor.u32 s6, s15;
	[tilespmem:s18+$0x0] =	vst v4  }
0x126: {  	[tilespmem:s2+$0x0] =	vst v5;
	v4 =	vld.idx.msk [tilespmem:v11+s3+$0x0], $0xffff  }
0x127: {  	v13 =	vadd.s32 $0xF88, v11;
	v14 =	vld.idx.msk [tilespmem:v8+s3+$0x0], $0xffff  }
0x128: {  	v16 =	vadd.s32 $0xF88, v8  }
0x129: {  	v15 =	vld.idx.msk [tilespmem:v12+s3+$0x0], $0xffff;
	v5 =	vsub.s32 v7, v1  }
0x12a: {  	s12 =	simm.s32 $0x100  }
0x12b: {  	s24 =	sand.u32 $0x1C00, s12;
	[tilespmem:s26+$0x280] =	vst v4  }
0x12c: {  	s21 =	sadd.s32 $0x4A80, s24;
	[tilespmem:s0+$0x280] =	vst v14;
	v4 =	vld.idx.msk [tilespmem:v13+s3+$0x0], $0xffff;
	v13 =	vadd.s32 $0xF88, v12  }
0x12d: {  	v17 =	vadd.s32 $0x1F10, v11;
	s1 =	sor.u32 s23, s21;
	v14 =	vld.idx.msk [tilespmem:v16+s3+$0x0], $0xffff  }
0x12e: {  	[tilespmem:s1+$0x200] =	vst v15;
	v15 =	vadd.s32 $0x1F10, v8;
	v18 =	vld.idx.msk [tilespmem:v5+s3+$0x0], $0xffff  }
0x12f: {  	s25 =	sadd.s32 $0x6D00, s17;
	v16 =	vadd.s32 $0xF88, v5  }
0x130: {  	s26 =	sor.u32 s31, s25  }
0x131: {  	s0 =	sor.u32 s6, s25;
	v13 =	vld.idx.msk [tilespmem:v13+s3+$0x0], $0xffff;
	[tilespmem:s26+$0x0] =	vst v4  }
0x132: {  	s2 =	sor.u32 s22, s21;
	[tilespmem:s0+$0x0] =	vst v14;
	v4 =	vld.idx.msk [tilespmem:v17+s3+$0x0], $0xffff;
	v17 =	vadd.s32 $0x1F10, v12  }
0x133: {  	v11 =	vadd.s32 $0x2E98, v11;
	[tilespmem:s2+$0x200] =	vst v18;
	v14 =	vld.idx.msk [tilespmem:v15+s3+$0x0], $0xffff  }
0x134: {  	s8 =	sadd.s32 $0x6C80, s24;
	v16 =	vld.idx.msk [tilespmem:v16+s3+$0x0], $0xffff  }
0x135: {  	s11 =	sadd.s32 $0x8D00, s17;
	s9 =	sor.u32 s23, s8;
	v15 =	vadd.s32 $0x1F10, v5  }
0x136: {  	s13 =	sor.u32 s31, s11;
	v8 =	vadd.s32 $0x2E98, v8;
	[tilespmem:s9+$0x0] =	vst v13  }
0x137: {  	s15 =	sor.u32 s6, s11;
	v13 =	vld.idx.msk [tilespmem:v17+s3+$0x0], $0xffff;
	[tilespmem:s13+$0x0] =	vst v4  }
0x138: {  	s14 =	sor.u32 s22, s8;
	[tilespmem:s15+$0x0] =	vst v14;
	s15 =	simm.s32 $0x40;
	v4 =	vld.idx.msk [tilespmem:v11+s3+$0x0], $0xffff;
	v11 =	vadd.s32 $0x2E98, v12  }
0x139: {  	[tilespmem:s14+$0x0] =	vst v16;
	v12 =	vsub.s32 v3, v10;
	s25 =	sand.u32 $0x60, s15  }
0x13a: {  	s16 =	sadd.s32 $0x8C80, s24;
	v15 =	vld.idx.msk [tilespmem:v15+s3+$0x0], $0xffff;
	s11 =	sand.u32 $0x380, s15;
	s26 =	sor.u32 $0x10, s25  }
0x13b: {  	s18 =	sor.u32 s23, s16;
	s21 =	sadd.s32 $0xAD00, s17;
	v14 =	vadd.s32 $0x2E98, v5;
	v8 =	vld.idx.msk [tilespmem:v8+s3+$0x0], $0xffff;
	s5 =	sor.u32 s26, s11  }
0x13c: {  	s9 =	sor.u32 s31, s21;
	v5 =	vld [tilespmem:s5+$0x3E80];
	[tilespmem:s18+$0x0] =	vst v13;
	v13 =	vsub.s32 v3, v9  }
0x13d: {  	v11 =	vld.idx.msk [tilespmem:v11+s3+$0x0], $0xffff;
	[tilespmem:s9+$0x0] =	vst v4  }
0x13e: {  	s0 =	sor.u32 s22, s16;
	v17 =	vsub.s32 v6, v2;
	s11 =	sand.u32 $0x3, s10;
	s9 =	simm.s32 $0x3EC0;
	v16 =	vld.idx.msk [tilespmem:v12+s3+$0x0], $0xffff  }
0x13f: {  	s13 =	sor.u32 s6, s21;
	s14 =	sshll.u32 s11, $0x5;
	[tilespmem:s0+$0x0] =	vst v15;
	v4 =	vld [tilespmem:s9+$0x0]  }
0x140: {  	s16 =	sadd.s32 $0xAC80, s24;
	v15 =	vadd.s32 $0xF88, v12;
	s18 =	sadd.s32 $0x0, s14;
	v14 =	vld.idx.msk [tilespmem:v14+s3+$0x0], $0xffff;
	[tilespmem:s13+$0x0] =	vst v8  }
0x141: {  	v18 =	vsub.s32 v6, v1;
	s21 =	sor.u32 s23, s16;
	s0 =	sadd.s32 $0x10, s18;
	v8 =	vld.idx.msk [tilespmem:v13+s3+$0x0], $0xffff  }
0x142: {  	s11 =	sor.u32 $0x300, s0;
	[tilespmem:s21+$0x0] =	vst v11;
	v11 =	vadd.s32 $0xF88, v13  }
0x143: {  	v19 =	vld.idx.msk [tilespmem:v17+s3+$0x0], $0xffff;
	[tilespmem:s11+$0x4A80] =	vst v16;
	v16 =	vsub.s32 v7, v5  }
0x144: {  	s8 =	sor.u32 s22, s16;
	v21 =	vsub.s32 v7, v4  }
0x145: {  	v20 =	vadd.s32 $0xF88, v17;
	s5 =	sor.u32 $0x300, s18;
	[tilespmem:s8+$0x0] =	vst v14;
	v15 =	vld.idx.msk [tilespmem:v15+s3+$0x0], $0xffff  }
0x146: {  	v14 =	vadd.s32 $0x1F10, v12;
	v22 =	vld.idx.msk [tilespmem:v18+s3+$0x0], $0xffff;
	[tilespmem:s5+$0x4A80] =	vst v8  }
0x147: {  	v8 =	vld.idx.msk [tilespmem:v11+s3+$0x0], $0xffff;
	v11 =	vadd.s32 $0xF88, v18  }
0x148: {  	s13 =	sadd.s32 $0x6D80, s17;
	v23 =	vld.idx.msk [tilespmem:v16+s3+$0x0], $0xffff;
	[tilespmem:s1+$0x280] =	vst v19;
	v19 =	vadd.s32 $0x1F10, v13  }
0x149: {  	s14 =	sor.u32 s31, s13;
	v25 =	vld.idx.msk [tilespmem:v21+s3+$0x0], $0xffff  }
0x14a: {  	s1 =	simm.s32 $0x200;
	v20 =	vld.idx.msk [tilespmem:v20+s3+$0x0], $0xffff;
	[tilespmem:s14+$0x0] =	vst v15;
	v15 =	vadd.s32 $0xF88, v16  }
0x14b: {  	v24 =	vadd.s32 $0x1F10, v17;
	s16 =	sor.u32 s6, s13;
	[tilespmem:s2+$0x280] =	vst v22;
	s28 =	sand.u32 $0x1C00, s1;
	v14 =	vld.idx.msk [tilespmem:v14+s3+$0x0], $0xffff  }
0x14c: {  	v12 =	vadd.s32 $0x2E98, v12;
	s18 =	sadd.s32 $0x4A80, s28;
	v11 =	vld.idx.msk [tilespmem:v11+s3+$0x0], $0xffff;
	[tilespmem:s16+$0x0] =	vst v8  }
0x14d: {  	s21 =	sadd.s32 $0x6D00, s24;
	v22 =	vadd.s32 $0xF88, v21;
	s5 =	sor.u32 s26, s18;
	s16 =	simm.s32 $0x3EE0;
	v19 =	vld.idx.msk [tilespmem:v19+s3+$0x0], $0xffff  }
0x14e: {  	s13 =	sadd.s32 $0x8D80, s17;
	s8 =	sor.u32 s23, s21;
	[tilespmem:s5+$0x200] =	vst v23;
	v23 =	vadd.s32 $0x1F10, v18;
	v8 =	vld [tilespmem:s16+$0x0]  }
0x14f: {  	v13 =	vadd.s32 $0x2E98, v13;
	s14 =	sor.u32 s31, s13;
	v15 =	vld.idx.msk [tilespmem:v15+s3+$0x0], $0xffff;
	[tilespmem:s8+$0x0] =	vst v20  }
0x150: {  	s2 =	sor.u32 s25, s18;
	v20 =	vld.idx.msk [tilespmem:v24+s3+$0x0], $0xffff;
	[tilespmem:s14+$0x0] =	vst v14;
	v14 =	vadd.s32 $0x1F10, v16  }
0x151: {  	s11 =	sor.u32 s22, s21;
	v17 =	vadd.s32 $0x2E98, v17;
	[tilespmem:s2+$0x200] =	vst v25;
	v12 =	vld.idx.msk [tilespmem:v12+s3+$0x0], $0xffff  }
0x152: {  	s18 =	sadd.s32 $0x6C80, s28;
	s8 =	sor.u32 s6, s13;
	v22 =	vld.idx.msk [tilespmem:v22+s3+$0x0], $0xffff;
	v24 =	vsub.s32 v0, v10;
	[tilespmem:s11+$0x0] =	vst v11  }
0x153: {  	s21 =	sor.u32 s26, s18;
	s13 =	sadd.s32 $0x8D00, s24;
	v11 =	vadd.s32 $0x1F10, v21;
	v10 =	vld.idx.msk [tilespmem:v23+s3+$0x0], $0xffff;
	[tilespmem:s8+$0x0] =	vst v19  }
0x154: {  	s14 =	sadd.s32 $0xAD80, s17;
	s11 =	sor.u32 s23, s13;
	[tilespmem:s21+$0x0] =	vst v15;
	v13 =	vld.idx.msk [tilespmem:v13+s3+$0x0], $0xffff;
	v15 =	vadd.s32 $0x2E98, v18  }
0x155: {  	v9 =	vsub.s32 v0, v9;
	s16 =	sor.u32 s31, s14;
	v14 =	vld.idx.msk [tilespmem:v14+s3+$0x0], $0xffff;
	[tilespmem:s11+$0x0] =	vst v20  }
0x156: {  	s9 =	sor.u32 s25, s18;
	v17 =	vld.idx.msk [tilespmem:v17+s3+$0x0], $0xffff;
	[tilespmem:s16+$0x0] =	vst v12;
	v12 =	vadd.s32 $0x2E98, v16  }
0x157: {  	s18 =	sor.u32 s22, s13;
	[tilespmem:s9+$0x0] =	vst v22;
	v18 =	vsub.s32 v3, v2;
	v16 =	vld.idx.msk [tilespmem:v24+s3+$0x0], $0xffff  }
0x158: {  	s13 =	sadd.s32 $0x8C80, s28;
	s21 =	sor.u32 s6, s14;
	v11 =	vld.idx.msk [tilespmem:v11+s3+$0x0], $0xffff;
	[tilespmem:s18+$0x0] =	vst v10;
	v10 =	vadd.s32 $0xF88, v24  }
0x159: {  	s14 =	sadd.s32 $0xAD00, s24;
	s11 =	sor.u32 s26, s13;
	v15 =	vld.idx.msk [tilespmem:v15+s3+$0x0], $0xffff;
	[tilespmem:s21+$0x0] =	vst v13  }
0x15a: {  	s9 =	simm.s32 $0x60;
	s16 =	sor.u32 s23, s14;
	v13 =	vadd.s32 $0x2E98, v21;
	[tilespmem:s11+$0x0] =	vst v14;
	v14 =	vld.idx.msk [tilespmem:v9+s3+$0x0], $0xffff  }
0x15b: {  	v26 =	vsub.s32 v3, v1;
	s29 =	sand.u32 $0x60, s9;
	s18 =	sor.u32 $0x380, s0;
	v19 =	vld.idx.msk [tilespmem:v12+s3+$0x0], $0xffff;
	[tilespmem:s16+$0x0] =	vst v17  }
0x15c: {  	v20 =	vadd.s32 $0xF88, v9;
	s0 =	sor.u32 $0x10, s29;
	s21 =	sand.u32 $0x380, s9;
	v17 =	vld.idx.msk [tilespmem:v18+s3+$0x0], $0xffff;
	[tilespmem:s18+$0x4A80] =	vst v16  }
0x15d: {  	s8 =	sor.u32 s25, s13;
	s11 =	simm.s32 $0x1;
	v12 =	vsub.s32 v6, v5;
	s18 =	sor.u32 s0, s21;
	v16 =	vld.idx.msk [tilespmem:v10+s3+$0x0], $0xffff  }
0x15e: {  	s7 =	sor.u32 s10, s7;
	s14 =	sor.u32 s22, s14;
	s21 =	sand.u32 $0x3, s11;
	[tilespmem:s8+$0x0] =	vst v11;
	v11 =	vsub.s32 v7, v8;
	v10 =	vld [tilespmem:s18+$0x3E80]  }
0x15f: {  	s7 =	sor.u32 $0x380, s7;
	v21 =	vadd.s32 $0xF88, v18;
	s16 =	sshll.u32 s21, $0x5;
	s18 =	sadd.s32 $0xAC80, s28;
	v22 =	vld.idx.msk [tilespmem:v13+s3+$0x0], $0xffff;
	[tilespmem:s14+$0x0] =	vst v15  }
0x160: {  	v23 =	vadd.s32 $0x1F10, v24;
	s8 =	sadd.s32 $0x100, s16;
	s21 =	sor.u32 s26, s18;
	v25 =	vld.idx.msk [tilespmem:v26+s3+$0x0], $0xffff;
	[tilespmem:s7+$0x4A80] =	vst v14  }
0x161: {  	v13 =	vsub.s32 v6, v4;
	s30 =	sadd.s32 $0x10, s8;
	[tilespmem:s21+$0x0] =	vst v19;
	v14 =	vld.idx.msk [tilespmem:v20+s3+$0x0], $0xffff  }
0x162: {  	v27 =	vadd.s32 $0xF88, v26;
	s10 =	sadd.s32 $0x6E00, s17;
	s14 =	sor.u32 $0x300, s30;
	v20 =	vld.idx.msk [tilespmem:v12+s3+$0x0], $0xffff  }
0x163: {  	s16 =	sor.u32 s31, s10;
	[tilespmem:s14+$0x4A80] =	vst v17;
	v19 =	vld.idx.msk [tilespmem:v11+s3+$0x0], $0xffff;
	v15 =	vsub.s32 v7, v10  }
0x164: {  	s18 =	sor.u32 s25, s18;
	v17 =	vld.idx.msk [tilespmem:v21+s3+$0x0], $0xffff;
	[tilespmem:s16+$0x0] =	vst v16;
	v16 =	vadd.s32 $0xF88, v12  }
0x165: {  	s8 =	sor.u32 $0x300, s8;
	v21 =	vld.idx.msk [tilespmem:v23+s3+$0x0], $0xffff;
	[tilespmem:s18+$0x0] =	vst v22;
	v22 =	vadd.s32 $0x1F10, v18  }
0x166: {  	v24 =	vadd.s32 $0x2E98, v24;
	s18 =	sor.u32 s6, s10;
	v23 =	vld.idx.msk [tilespmem:v13+s3+$0x0], $0xffff;
	[tilespmem:s8+$0x4A80] =	vst v25  }
0x167: {  	s21 =	sadd.s32 $0x6D80, s24;
	v25 =	vld.idx.msk [tilespmem:v27+s3+$0x0], $0xffff;
	v27 =	vadd.s32 $0x1F10, v9;
	[tilespmem:s18+$0x0] =	vst v14  }
0x168: {  	s13 =	sor.u32 s23, s21;
	s14 =	sadd.s32 $0x8E00, s17;
	[tilespmem:s5+$0x280] =	vst v20;
	v20 =	vadd.s32 $0xF88, v13;
	v28 =	vld.idx.msk [tilespmem:v15+s3+$0x0], $0xffff  }
0x169: {  	s4 =	sor.u32 s12, s4;
	s7 =	simm.s32 $0x300;
	s16 =	sor.u32 s31, s14;
	v16 =	vld.idx.msk [tilespmem:v16+s3+$0x0], $0xffff;
	[tilespmem:s13+$0x0] =	vst v17;
	v17 =	vadd.s32 $0x1F10, v26  }
0x16a: {  	v29 =	vadd.s32 $0xF88, v15;
	s10 =	sor.u32 $0x380, s4;
	s4 =	sand.u32 $0x1C00, s7;
	[tilespmem:s16+$0x0] =	vst v21;
	v22 =	vld.idx.msk [tilespmem:v22+s3+$0x0], $0xffff  }
0x16b: {  	v30 =	vadd.s32 $0x1F10, v12;
	s12 =	sor.u32 s6, s14;
	s8 =	sor.u32 s22, s21;
	s13 =	sadd.s32 $0x4A80, s4;
	v31 =	vld.idx.msk [tilespmem:v24+s3+$0x0], $0xffff;
	[tilespmem:s2+$0x280] =	vst v23  }
0x16c: {  	s14 =	sadd.s32 $0x6D00, s28;
	v18 =	vadd.s32 $0x2E98, v18;
	s5 =	sor.u32 s1, s15;
	s15 =	sor.u32 s0, s13;
	v14 =	vld.idx.msk [tilespmem:v27+s3+$0x0], $0xffff;
	[tilespmem:s8+$0x0] =	vst v25  }
0x16d: {  	s21 =	sor.u32 s26, s14;
	s18 =	sadd.s32 $0xAE00, s17;
	s16 =	sadd.s32 $0x8D80, s24;
	v21 =	vld.idx.msk [tilespmem:v20+s3+$0x0], $0xffff;
	[tilespmem:s15+$0x200] =	vst v28  }
0x16e: {  	s17 =	sor.u32 s6, s18;
	v25 =	vadd.s32 $0xF88, v11;
	v17 =	vld.idx.msk [tilespmem:v17+s3+$0x0], $0xffff;
	[tilespmem:s21+$0x0] =	vst v16;
	s21 =	sor.u32 s31, s18;
	s18 =	sor.u32 s23, s16  }
0x16f: {  	s2 =	sor.u32 s7, s9;
	v23 =	vld.idx.msk [tilespmem:v29+s3+$0x0], $0xffff;
	[tilespmem:s18+$0x0] =	vst v22;
	v22 =	vadd.s32 $0x1F10, v13  }
0x170: {  	s6 =	sor.u32 $0x380, s2;
	s8 =	sor.u32 s25, s14;
	s14 =	sor.u32 s22, s16;
	v16 =	vadd.s32 $0x2E98, v26;
	v20 =	vld.idx.msk [tilespmem:v30+s3+$0x0], $0xffff  }
0x171: {  	v24 =	vadd.s32 $0x1F10, v15;
	s31 =	sor.u32 $0x380, s5;
	s16 =	simm.s32 $0x3F00;
	s18 =	sor.u32 s29, s13;
	[tilespmem:s21+$0x0] =	vst v31;
	v18 =	vld.idx.msk [tilespmem:v18+s3+$0x0], $0xffff  }
.LBB2_5:
0x172: {  	v26 =	vld [tilespmem:s16+$0x0];
	[tilespmem:s18+$0x200] =	vst v19;
	v12 =	vadd.s32 $0x2E98, v12;
	s2 =	smov.u32 s23;
	s23 =	smov.u32 s26;
	s26 =	smov.u32 s0  }
0x173: {  	s0 =	sadd.s32 $0x6C80, s4;
	s13 =	smov.u32 s24;
	s24 =	smov.u32 s28;
	v19 =	vld.idx.msk [tilespmem:v25+s3+$0x0], $0xffff;
	[tilespmem:s8+$0x0] =	vst v21;
	v21 =	vsub.s32 v0, v2;
	v2 =	vmov v5;
	v5 =	vmov v10  }
0x174: {  	s5 =	sor.u32 s29, s0;
	s0 =	sor.u32 s26, s0;
	s8 =	sadd.s32 $0x8D00, s24;
	v10 =	vld.idx.msk [tilespmem:v22+s3+$0x0], $0xffff;
	[tilespmem:s14+$0x0] =	vst v17;
	v17 =	vadd.s32 $0x2E98, v9  }
0x175: {  	v22 =	vadd.s32 $0x1F10, v11;
	s14 =	sadd.s32 $0xAD80, s13;
	[tilespmem:s0+$0x0] =	vst v23;
	s0 =	sor.u32 s25, s8;
	s8 =	sor.u32 s23, s8;
	v16 =	vld.idx.msk [tilespmem:v16+s3+$0x0], $0xffff  }
0x176: {  	v13 =	vadd.s32 $0x2E98, v13;
	s28 =	smov.u32 s4;
	v23 =	vld.idx.msk [tilespmem:v24+s3+$0x0], $0xffff;
	[tilespmem:s8+$0x0] =	vst v20;
	s8 =	sor.u32 s22, s14;
	s14 =	sor.u32 s2, s14  }
0x177: {  	v9 =	vsub.s32 v0, v1;
	v1 =	vmovc v4;
	v4 =	vmov v8;
	v12 =	vld.idx.msk [tilespmem:v12+s3+$0x0], $0xffff;
	[tilespmem:s14+$0x0] =	vst v18;
	v8 =	vmov v26  }
0x178: {  	v15 =	vadd.s32 $0x2E98, v15;
	v18 =	vld.idx.msk [tilespmem:v21+s3+$0x0], $0xffff;
	[tilespmem:s12+$0x0] =	vst v14  }
0x179: {  	v14 =	vsub.s32 v3, v2;
	[tilespmem:s5+$0x0] =	vst v19;
	v17 =	vld.idx.msk [tilespmem:v17+s3+$0x0], $0xffff  }
0x17a: {  	s4 =	sadd.s32 $0x8C80, s28;
	v19 =	vld.idx.msk [tilespmem:v22+s3+$0x0], $0xffff;
	[tilespmem:s0+$0x0] =	vst v10;
	v10 =	vadd.s32 $0xF88, v21  }
0x17b: {  	s12 =	sor.u32 s29, s4;
	s0 =	sor.u32 s26, s4;
	s4 =	sadd.s32 $0xAD00, s24;
	v13 =	vld.idx.msk [tilespmem:v13+s3+$0x0], $0xffff;
	[tilespmem:s8+$0x0] =	vst v16  }
0x17c: {  	s9 =	sadd.s32 $0x20, s9;
	v11 =	vadd.s32 $0x2E98, v11;
	s8 =	sor.u32 s25, s4;
	[tilespmem:s0+$0x0] =	vst v23;
	s0 =	sor.u32 s23, s4;
	v16 =	vld.idx.msk [tilespmem:v9+s3+$0x0], $0xffff  }
0x17d: {  	p1 =	slt.u32 s9, $0x3E0;
	v24 =	vsub.s32 v3, v1;
	s5 =	sand.u32 $0x60, s9;
	s4 =	sor.u32 $0x380, s30;
	v15 =	vld.idx.msk [tilespmem:v15+s3+$0x0], $0xffff;
	[tilespmem:s0+$0x0] =	vst v12  }
0x17e: {  	s11 =	sadd.s32 $0x1, s11;
	s14 =	sand.u32 $0x380, s9;
	v22 =	vadd.s32 $0xF88, v9;
	s0 =	sor.u32 $0x10, s5;
	v20 =	vld.idx.msk [tilespmem:v14+s3+$0x0], $0xffff;
	[tilespmem:s4+$0x4A80] =	vst v18  }
0x17f: {  	v12 =	vsub.s32 v6, v5;
	s4 =	sor.u32 s0, s14;
	s14 =	sand.u32 $0x3, s11;
	v18 =	vld.idx.msk [tilespmem:v10+s3+$0x0], $0xffff;
	[tilespmem:s17+$0x0] =	vst v17  }
0x180: {  	v17 =	vadd.s32 $0xF88, v14;
	v10 =	vld [tilespmem:s4+$0x3E80];
	[tilespmem:s12+$0x0] =	vst v19;
	s4 =	sshll.u32 s14, $0x5  }
0x181: {  	s12 =	sadd.s32 $0xAC80, s28;
	v19 =	vadd.s32 $0x1F10, v21;
	v23 =	vld.idx.msk [tilespmem:v11+s3+$0x0], $0xffff;
	[tilespmem:s8+$0x0] =	vst v13;
	s4 =	sadd.s32 s4, s1;
	s1 =	smov.u32 s7  }
0x182: {  	v11 =	vsub.s32 v7, v8;
	s8 =	sor.u32 s29, s12;
	s12 =	sor.u32 s26, s12;
	v25 =	vld.idx.msk [tilespmem:v24+s3+$0x0], $0xffff;
	s30 =	sadd.s32 $0x10, s4;
	[tilespmem:s10+$0x4A80] =	vst v16  }
0x183: {  	v13 =	vsub.s32 v6, v4;
	s4 =	sor.u32 $0x300, s4;
	[tilespmem:s12+$0x0] =	vst v15;
	s10 =	sor.u32 $0x300, s30;
	v16 =	vld.idx.msk [tilespmem:v22+s3+$0x0], $0xffff;
	s12 =	sadd.s32 $0x6E00, s13  }
0x184: {  	v26 =	vadd.s32 $0xF88, v24;
	v22 =	vld.idx.msk [tilespmem:v12+s3+$0x0], $0xffff;
	[tilespmem:s10+$0x4A80] =	vst v20;
	s14 =	sor.u32 s22, s12;
	s12 =	sor.u32 s2, s12;
	s10 =	smov.u32 s31  }
0x185: {  	s31 =	smov.u32 s6;
	v15 =	vsub.s32 v7, v10;
	v17 =	vld.idx.msk [tilespmem:v17+s3+$0x0], $0xffff;
	[tilespmem:s12+$0x0] =	vst v18  }
0x186: {  	v18 =	vadd.s32 $0xF88, v12;
	v20 =	vld.idx.msk [tilespmem:v19+s3+$0x0], $0xffff  }
0x187: {  	v19 =	vld.idx.msk [tilespmem:v11+s3+$0x0], $0xffff;
	[tilespmem:s8+$0x0] =	vst v23;
	v23 =	vadd.s32 $0x1F10, v14  }
0x188: {  	v21 =	vadd.s32 $0x2E98, v21;
	v27 =	vld.idx.msk [tilespmem:v13+s3+$0x0], $0xffff;
	[tilespmem:s4+$0x4A80] =	vst v25  }
0x189: {  	s4 =	sadd.s32 $0x6D80, s24;
	v25 =	vld.idx.msk [tilespmem:v26+s3+$0x0], $0xffff;
	[tilespmem:s14+$0x0] =	vst v16;
	v16 =	vadd.s32 $0x1F10, v9  }
0x18a: {  	v28 =	vadd.s32 $0xF88, v13;
	s6 =	sadd.s32 $0x8E00, s13;
	s8 =	sor.u32 s25, s4;
	s4 =	sor.u32 s23, s4;
	v26 =	vld.idx.msk [tilespmem:v15+s3+$0x0], $0xffff;
	[tilespmem:s15+$0x280] =	vst v22  }
0x18b: {  	s7 =	sadd.s32 $0x100, s7;
	s12 =	sor.u32 s22, s6;
	v22 =	vadd.s32 $0x1F10, v24;
	v18 =	vld.idx.msk [tilespmem:v18+s3+$0x0], $0xffff;
	[tilespmem:s4+$0x0] =	vst v17;
	s4 =	sor.u32 s2, s6  }
0x18c: {  	v29 =	vadd.s32 $0xF88, v15;
	v30 =	vld.idx.msk [tilespmem:v23+s3+$0x0], $0xffff;
	[tilespmem:s4+$0x0] =	vst v20;
	s4 =	sand.u32 $0x1C00, s7  }
0x18d: {  	s6 =	sor.u32 s7, s9;
	v20 =	vadd.s32 $0x1F10, v12;
	v31 =	vld.idx.msk [tilespmem:v21+s3+$0x0], $0xffff;
	s14 =	sadd.s32 $0x4A80, s4  }
0x18e: {  	s6 =	sor.u32 $0x380, s6;
	[tilespmem:s18+$0x280] =	vst v27;
	v27 =	vadd.s32 $0x2E98, v14;
	v14 =	vld.idx.msk [tilespmem:v16+s3+$0x0], $0xffff;
	s18 =	sor.u32 s5, s14  }
.Ltmp1:
0x18f: {  	s15 =	sor.u32 s0, s14;
	s14 =	sadd.s32 $0x6D00, s28;
	v21 =	vld.idx.msk [tilespmem:v28+s3+$0x0], $0xffff;
	[tilespmem:s8+$0x0] =	vst v25;
	(pc) =	sbr.rel @p1 .LBB2_5-.Ltmp1, $4  }
0x190: {  	s17 =	sadd.s32 $0x8D80, s24;
	v25 =	vadd.s32 $0xF88, v11;
	s8 =	sor.u32 s29, s14;
	s14 =	sor.u32 s26, s14;
	[tilespmem:s15+$0x200] =	vst v26;
	v17 =	vld.idx.msk [tilespmem:v22+s3+$0x0], $0xffff  }
0x191: {  	s13 =	sadd.s32 $0xAE00, s13;
	v22 =	vadd.s32 $0x1F10, v13;
	v23 =	vld.idx.msk [tilespmem:v29+s3+$0x0], $0xffff;
	[tilespmem:s14+$0x0] =	vst v18;
	s14 =	sor.u32 s25, s17;
	s17 =	sor.u32 s23, s17  }
0x192: {  	s2 =	sor.u32 s2, s13;
	v16 =	vadd.s32 $0x2E98, v24;
	v20 =	vld.idx.msk [tilespmem:v20+s3+$0x0], $0xffff;
	[tilespmem:s17+$0x0] =	vst v30;
	s17 =	sor.u32 s22, s13;
	s22 =	smov.u32 s25  }
0x193: {  	s16 =	sadd.s32 $0x20, s16;
	v24 =	vadd.s32 $0x1F10, v15;
	s25 =	smov.u32 s29;
	s29 =	smov.u32 s5;
	v18 =	vld.idx.msk [tilespmem:v27+s3+$0x0], $0xffff;
	[tilespmem:s2+$0x0] =	vst v31  }
0x194: {  	_ =	sdelay $0x2  }
0x195: {  	[tilespmem:s18+$0x200] =	vst v19  }
0x196: {  	v7 =	vld.idx.msk [tilespmem:v25+s3+$0x0], $0xffff  }
0x197: {  	v19 =	vadd.s32 $0x1F10, v11;
	s2 =	sadd.s32 $0x6C80, s4  }
0x198: {  	s5 =	sor.u32 s0, s2  }
0x199: {  	[tilespmem:s5+$0x0] =	vst v23  }
0x19a: {  	s2 =	sor.u32 s29, s2;
	v23 =	vld.idx.msk [tilespmem:v24+s3+$0x0], $0xffff  }
0x19b: {  	[tilespmem:s2+$0x0] =	vst v7;
	v7 =	vadd.s32 $0x2E98, v15  }
0x19c: {  	v15 =	vld.idx.msk [tilespmem:v19+s3+$0x0], $0xffff  }
0x19d: {  	v11 =	vadd.s32 $0x2E98, v11;
	s5 =	sadd.s32 $0x8C80, s4  }
0x19e: {  	s9 =	sor.u32 s0, s5  }
0x19f: {  	[tilespmem:s9+$0x0] =	vst v23  }
0x1a0: {  	s2 =	sor.u32 s29, s5;
	v7 =	vld.idx.msk [tilespmem:v7+s3+$0x0], $0xffff  }
0x1a1: {  	[tilespmem:s2+$0x0] =	vst v15;
	v15 =	vsub.s32 v6, v10  }
0x1a2: {  	v11 =	vld.idx.msk [tilespmem:v11+s3+$0x0], $0xffff  }
0x1a3: {  	s13 =	sadd.s32 $0xAC80, s4;
	v6 =	vsub.s32 v6, v8  }
0x1a4: {  	s16 =	sor.u32 s0, s13  }
0x1a5: {  	[tilespmem:s16+$0x0] =	vst v7  }
0x1a6: {  	s2 =	sor.u32 s29, s13;
	v7 =	vld.idx.msk [tilespmem:v15+s3+$0x0], $0xffff  }
0x1a7: {  	[tilespmem:s2+$0x0] =	vst v11;
	v11 =	vadd.s32 $0xF88, v15  }
0x1a8: {  	v19 =	vld.idx.msk [tilespmem:v6+s3+$0x0], $0xffff  }
0x1a9: {  	v23 =	vadd.s32 $0xF88, v6;
	_ =	sdelay $0x1  }
0x1aa: {  	[tilespmem:s15+$0x280] =	vst v7  }
0x1ab: {  	v7 =	vld.idx.msk [tilespmem:v11+s3+$0x0], $0xffff  }
0x1ac: {  	v11 =	vadd.s32 $0x1F10, v15;
	[tilespmem:s18+$0x280] =	vst v19  }
0x1ad: {  	v19 =	vld.idx.msk [tilespmem:v23+s3+$0x0], $0xffff  }
0x1ae: {  	s18 =	sadd.s32 $0x6D00, s4;
	v23 =	vadd.s32 $0x1F10, v6  }
0x1af: {  	[tilespmem:s8+$0x0] =	vst v21;
	v12 =	vadd.s32 $0x2E98, v12;
	s21 =	sor.u32 s0, s18  }
0x1b0: {  	v21 =	vld.idx.msk [tilespmem:v22+s3+$0x0], $0xffff;
	[tilespmem:s21+$0x0] =	vst v7  }
0x1b1: {  	s8 =	sadd.s32 $0x8D00, s28;
	s2 =	sor.u32 s29, s18;
	v7 =	vadd.s32 $0x2E98, v13;
	v11 =	vld.idx.msk [tilespmem:v11+s3+$0x0], $0xffff  }
0x1b2: {  	s9 =	sor.u32 s26, s8;
	v13 =	vadd.s32 $0x2E98, v15;
	[tilespmem:s2+$0x0] =	vst v19  }
0x1b3: {  	[tilespmem:s9+$0x0] =	vst v20;
	v15 =	vld.idx.msk [tilespmem:v23+s3+$0x0], $0xffff  }
0x1b4: {  	v12 =	vld.idx.msk [tilespmem:v12+s3+$0x0], $0xffff;
	s13 =	sadd.s32 $0x8D00, s4;
	v6 =	vadd.s32 $0x2E98, v6;
	s2 =	sor.u32 s25, s8  }
0x1b5: {  	s15 =	sor.u32 s0, s13;
	v19 =	vsub.s32 v3, v5;
	[tilespmem:s2+$0x0] =	vst v21  }
0x1b6: {  	v7 =	vld.idx.msk [tilespmem:v7+s3+$0x0], $0xffff;
	[tilespmem:s15+$0x0] =	vst v11  }
0x1b7: {  	s5 =	sor.u32 s29, s13;
	s16 =	sadd.s32 $0xAD00, s28;
	v11 =	vsub.s32 v3, v4;
	v13 =	vld.idx.msk [tilespmem:v13+s3+$0x0], $0xffff  }
0x1b8: {  	s18 =	sor.u32 s26, s16;
	[tilespmem:s5+$0x0] =	vst v15;
	v15 =	vsub.s32 v3, v10  }
0x1b9: {  	[tilespmem:s18+$0x0] =	vst v12;
	s21 =	sadd.s32 $0x1, s11;
	v6 =	vld.idx.msk [tilespmem:v6+s3+$0x0], $0xffff  }
0x1ba: {  	s11 =	sadd.s32 $0xAD00, s4;
	s9 =	sand.u32 $0x3, s21;
	s2 =	sor.u32 s25, s16;
	v12 =	vld.idx.msk [tilespmem:v19+s3+$0x0], $0xffff;
	v3 =	vsub.s32 v3, v8  }
0x1bb: {  	s13 =	sor.u32 s0, s11;
	s9 =	sshll.u32 s9, $0x5;
	[tilespmem:s2+$0x0] =	vst v7;
	v7 =	vadd.s32 $0xF88, v19  }
0x1bc: {  	s16 =	sadd.s32 s9, s1;
	s15 =	sadd.s32 $0x1, s21;
	v20 =	vld.idx.msk [tilespmem:v11+s3+$0x0], $0xffff;
	[tilespmem:s13+$0x0] =	vst v13  }
0x1bd: {  	s8 =	sor.u32 s29, s11;
	s1 =	sadd.s32 $0x10, s16;
	s2 =	sand.u32 $0x3, s15;
	v13 =	vadd.s32 $0xF88, v11;
	v21 =	vld.idx.msk [tilespmem:v15+s3+$0x0], $0xffff  }
0x1be: {  	s18 =	sor.u32 $0x300, s1;
	s2 =	sshll.u32 s2, $0x5;
	[tilespmem:s8+$0x0] =	vst v6;
	v6 =	vadd.s32 $0xF88, v15  }
0x1bf: {  	v9 =	vadd.s32 $0x2E98, v9;
	s7 =	sadd.s32 s2, s7;
	[tilespmem:s18+$0x4A80] =	vst v12;
	v22 =	vld.idx.msk [tilespmem:v3+s3+$0x0], $0xffff  }
0x1c0: {  	s5 =	sor.u32 $0x300, s16;
	v23 =	vadd.s32 $0xF88, v3;
	s2 =	sadd.s32 $0x10, s7;
	v7 =	vld.idx.msk [tilespmem:v7+s3+$0x0], $0xffff  }
0x1c1: {  	v12 =	vadd.s32 $0x1F10, v19;
	s21 =	sor.u32 $0x300, s2;
	[tilespmem:s5+$0x4A80] =	vst v20  }
0x1c2: {  	v13 =	vld.idx.msk [tilespmem:v13+s3+$0x0], $0xffff;
	[tilespmem:s21+$0x4A80] =	vst v21  }
0x1c3: {  	[tilespmem:s12+$0x0] =	vst v14;
	s7 =	sor.u32 $0x300, s7;
	s8 =	sadd.s32 $0x6D80, s28;
	v20 =	vadd.s32 $0x1F10, v11;
	v6 =	vld.idx.msk [tilespmem:v6+s3+$0x0], $0xffff  }
0x1c4: {  	v9 =	vld.idx.msk [tilespmem:v9+s3+$0x0], $0xffff;
	s9 =	sor.u32 s26, s8;
	v21 =	vadd.s32 $0x1F10, v15;
	[tilespmem:s7+$0x4A80] =	vst v22  }
0x1c5: {  	[tilespmem:s9+$0x0] =	vst v7;
	v22 =	vld.idx.msk [tilespmem:v23+s3+$0x0], $0xffff  }
0x1c6: {  	[tilespmem:s14+$0x0] =	vst v17;
	s11 =	sadd.s32 $0x6D80, s4;
	v17 =	vadd.s32 $0x1F10, v3;
	s5 =	sor.u32 s25, s8;
	v7 =	vld.idx.msk [tilespmem:v12+s3+$0x0], $0xffff  }
0x1c7: {  	s13 =	sor.u32 s0, s11;
	v12 =	vadd.s32 $0x2E98, v19;
	[tilespmem:s5+$0x0] =	vst v13  }
0x1c8: {  	v2 =	vsub.s32 v0, v2;
	v13 =	vld.idx.msk [tilespmem:v20+s3+$0x0], $0xffff;
	[tilespmem:s13+$0x0] =	vst v6  }
0x1c9: {  	[tilespmem:s17+$0x0] =	vst v9;
	s16 =	sadd.s32 $0x8D80, s28;
	s7 =	sor.u32 s29, s11;
	v6 =	vadd.s32 $0x2E98, v11;
	v11 =	vld.idx.msk [tilespmem:v21+s3+$0x0], $0xffff  }
0x1ca: {  	s14 =	sadd.s32 $0xAD80, s24;
	v16 =	vld.idx.msk [tilespmem:v16+s3+$0x0], $0xffff;
	s18 =	sor.u32 s26, s16;
	v15 =	vadd.s32 $0x2E98, v15;
	[tilespmem:s7+$0x0] =	vst v22  }
0x1cb: {  	v1 =	vsub.s32 v0, v1;
	s15 =	sor.u32 s23, s14;
	[tilespmem:s18+$0x0] =	vst v7;
	v17 =	vld.idx.msk [tilespmem:v17+s3+$0x0], $0xffff  }
0x1cc: {  	[tilespmem:s15+$0x0] =	vst v18;
	v3 =	vadd.s32 $0x2E98, v3;
	s21 =	sadd.s32 $0x8D80, s4;
	s5 =	sor.u32 s25, s16;
	v7 =	vld.idx.msk [tilespmem:v12+s3+$0x0], $0xffff  }
0x1cd: {  	v5 =	vsub.s32 v0, v5;
	v4 =	vsub.s32 v0, v4;
	v14 =	vld.idx.msk [tilespmem:v2+s3+$0x0], $0xffff;
	s9 =	sor.u32 s0, s21;
	[tilespmem:s5+$0x0] =	vst v13  }
0x1ce: {  	v10 =	vsub.s32 v0, v10;
	v0 =	vsub.s32 v0, v8;
	v8 =	vadd.s32 $0xF88, v2;
	s11 =	sor.u32 s22, s14;
	v6 =	vld.idx.msk [tilespmem:v6+s3+$0x0], $0xffff;
	[tilespmem:s9+$0x0] =	vst v11  }
0x1cf: {  	[tilespmem:s11+$0x0] =	vst v16;
	s13 =	sadd.s32 $0xAD80, s28;
	s7 =	sor.u32 s29, s21;
	v11 =	vld.idx.msk [tilespmem:v15+s3+$0x0], $0xffff  }
0x1d0: {  	s14 =	sor.u32 s26, s13;
	v12 =	vld.idx.msk [tilespmem:v1+s3+$0x0], $0xffff;
	[tilespmem:s7+$0x0] =	vst v17  }
0x1d1: {  	s12 =	sor.u32 $0x380, s30;
	[tilespmem:s14+$0x0] =	vst v7;
	v7 =	vadd.s32 $0xF88, v1;
	v3 =	vld.idx.msk [tilespmem:v3+s3+$0x0], $0xffff  }
0x1d2: {  	s15 =	sadd.s32 $0xAD80, s4;
	[tilespmem:s12+$0x4A80] =	vst v14;
	s7 =	sor.u32 s25, s13;
	v13 =	vld.idx.msk [tilespmem:v5+s3+$0x0], $0xffff  }
0x1d3: {  	v8 =	vld.idx.msk [tilespmem:v8+s3+$0x0], $0xffff;
	s16 =	sor.u32 s0, s15;
	[tilespmem:s7+$0x0] =	vst v6  }
0x1d4: {  	v6 =	vadd.s32 $0xF88, v5;
	v14 =	vld.idx.msk [tilespmem:v4+s3+$0x0], $0xffff;
	[tilespmem:s16+$0x0] =	vst v11  }
0x1d5: {  	s5 =	sor.u32 s29, s15;
	[tilespmem:s10+$0x4A80] =	vst v12;
	v11 =	vadd.s32 $0xF88, v4;
	v15 =	vld.idx.msk [tilespmem:v10+s3+$0x0], $0xffff  }
0x1d6: {  	s1 =	sor.u32 $0x380, s1;
	s21 =	sadd.s32 $0x6E00, s24;
	v7 =	vld.idx.msk [tilespmem:v7+s3+$0x0], $0xffff;
	[tilespmem:s5+$0x0] =	vst v3;
	v3 =	vadd.s32 $0xF88, v10  }
0x1d7: {  	[tilespmem:s1+$0x4A80] =	vst v13;
	v13 =	vadd.s32 $0x1F10, v1;
	s5 =	sor.u32 s23, s21;
	v9 =	vld.idx.msk [tilespmem:v0+s3+$0x0], $0xffff  }
0x1d8: {  	v12 =	vadd.s32 $0xF88, v0;
	[tilespmem:s5+$0x0] =	vst v8  }
0x1d9: {  	v16 =	vadd.s32 $0x1F10, v2;
	s18 =	sor.u32 $0x380, s2;
	v6 =	vld.idx.msk [tilespmem:v6+s3+$0x0], $0xffff;
	[tilespmem:s31+$0x4A80] =	vst v14  }
0x1da: {  	s2 =	sor.u32 s22, s21;
	v14 =	vadd.s32 $0x1F10, v5;
	v11 =	vld.idx.msk [tilespmem:v11+s3+$0x0], $0xffff;
	[tilespmem:s18+$0x4A80] =	vst v15  }
0x1db: {  	v15 =	vadd.s32 $0x1F10, v4;
	[tilespmem:s2+$0x0] =	vst v7;
	v3 =	vld.idx.msk [tilespmem:v3+s3+$0x0], $0xffff  }
0x1dc: {  	s7 =	sadd.s32 $0x6E00, s28;
	v8 =	vadd.s32 $0x1F10, v10;
	v13 =	vld.idx.msk [tilespmem:v13+s3+$0x0], $0xffff;
	[tilespmem:s6+$0x4A80] =	vst v9  }
0x1dd: {  	s8 =	sor.u32 s26, s7;
	v1 =	vadd.s32 $0x2E98, v1;
	v9 =	vld.idx.msk [tilespmem:v12+s3+$0x0], $0xffff  }
0x1de: {  	s9 =	sadd.s32 $0x6E00, s4;
	s1 =	sor.u32 s25, s7;
	v7 =	vadd.s32 $0x1F10, v0;
	[tilespmem:s8+$0x0] =	vst v6;
	v12 =	vld.idx.msk [tilespmem:v16+s3+$0x0], $0xffff  }
0x1df: {  	v2 =	vadd.s32 $0x2E98, v2;
	s11 =	sadd.s32 $0x8E00, s24;
	s10 =	sor.u32 s0, s9;
	v6 =	vld.idx.msk [tilespmem:v14+s3+$0x0], $0xffff;
	[tilespmem:s1+$0x0] =	vst v11  }
0x1e0: {  	s13 =	sor.u32 s22, s11;
	v11 =	vld.idx.msk [tilespmem:v15+s3+$0x0], $0xffff;
	[tilespmem:s10+$0x0] =	vst v3  }
0x1e1: {  	v5 =	vadd.s32 $0x2E98, v5;
	s2 =	sor.u32 s29, s9;
	v3 =	vadd.s32 $0x2E98, v4;
	[tilespmem:s13+$0x0] =	vst v13;
	v4 =	vld.idx.msk [tilespmem:v8+s3+$0x0], $0xffff  }
0x1e2: {  	s12 =	sor.u32 s23, s11;
	s14 =	sadd.s32 $0x8E00, s28;
	v1 =	vld.idx.msk [tilespmem:v1+s3+$0x0], $0xffff;
	[tilespmem:s2+$0x0] =	vst v9  }
0x1e3: {  	s15 =	sor.u32 s26, s14;
	[tilespmem:s12+$0x0] =	vst v12;
	v7 =	vld.idx.msk [tilespmem:v7+s3+$0x0], $0xffff  }
0x1e4: {  	s16 =	sadd.s32 $0x8E00, s4;
	s1 =	sor.u32 s25, s14;
	[tilespmem:s15+$0x0] =	vst v6;
	v2 =	vld.idx.msk [tilespmem:v2+s3+$0x0], $0xffff  }
0x1e5: {  	s17 =	sor.u32 s0, s16;
	s18 =	sadd.s32 $0xAE00, s24;
	v8 =	vadd.s32 $0x2E98, v10;
	[tilespmem:s1+$0x0] =	vst v11  }
0x1e6: {  	v0 =	vadd.s32 $0x2E98, v0;
	s21 =	sor.u32 s23, s18;
	s23 =	sor.u32 s22, s18;
	v5 =	vld.idx.msk [tilespmem:v5+s3+$0x0], $0xffff;
	[tilespmem:s17+$0x0] =	vst v4  }
0x1e7: {  	s2 =	sor.u32 s29, s16;
	v3 =	vld.idx.msk [tilespmem:v3+s3+$0x0], $0xffff;
	[tilespmem:s23+$0x0] =	vst v1  }
0x1e8: {  	[tilespmem:s2+$0x0] =	vst v7  }
0x1e9: {  	s24 =	sadd.s32 $0xAE00, s28;
	[tilespmem:s21+$0x0] =	vst v2  }
0x1ea: {  	s26 =	sor.u32 s26, s24;
	v4 =	vld.idx.msk [tilespmem:v8+s3+$0x0], $0xffff;
	s7 =	rddreg [dreg:$0x4]  }
0x1eb: {  	s1 =	sor.u32 s25, s24;
	v0 =	vld.idx.msk [tilespmem:v0+s3+$0x0], $0xffff;
	s6 =	rddreg [dreg:$0xa];
	[tilespmem:s26+$0x0] =	vst v5  }
0x1ec: {  	s5 =	sadd.s32 s7, s6;
	[tilespmem:s1+$0x0] =	vst v3  }
0x1ed: {  	s8 =	sadd.s32 $0xAE00, s4;
	s9 =	sshll.u32 s5, $0xA;
	s1 =	rddreg [dreg:$0x7]  }
0x1ee: {  	s14 =	simm.s32 $0x100000;
	s10 =	sor.u32 s0, s8;
	s1 =	sadd.s32 s1, s9  }
0x1ef: {  	s12 =	rddreg [dreg:$0x1];
	s2 =	sor.u32 s29, s8;
	[tilespmem:s10+$0x0] =	vst v4;
	s11 =	sshrl.u32 s1, $0x3  }
0x1f0: {  	s13 =	simm.s32 $0x2000;
	s15 =	simm.s32 $0x4A80;
	[tilespmem:s2+$0x0] =	vst v0;
	s0 =	sadd.s32 s12, s11  }
0x1f1: {  	[hbm4b:s0+s13] =	stream.strided.scatter [tilespmem:s15], [sflag:$0x1], $0x8000, s14, s13, $0x38;
	[tilespmem:$0x14A80] =	vst v63  }
0x1f2: {  	s16 =	simm.s32 $0x0;
	s0 =	simm.s32 @!p0 $0x2  }
0x1f3: {  	s21 =	sor.u32 $0x8, s6;
	s6 =	sand.u32 $0x60, s16;
	_ =	swait.ge @!p0 [sflag:s0], $0x8000  }
0x1f4: {  	s17 =	sshll.u32 s21, $0x4;
	s9 =	sor.u32 $0x10, s6;
	[sflag:s0] =	ssyncset.done @!p0 $0x0  }
0x1f5: {  	s1 =	sand.u32 $0x380, s16;
	[sflag:s0] =	ssyncadd.s32 @!p0 $0xFFFF8000;
	s0 =	sand.u32 $0x3FFFFFF0, s17  }
0x1f6: {  	s18 =	sor.u32 s9, s1;
	v7 =	vld [tilespmem:s0+$0x4280]  }
0x1f7: {  	v10 =	vld [tilespmem:s18+$0x3E80];
	_ =	sdelay $0x1  }
0x1f8: {  	s22 =	simm.s32 $0x3E80  }
0x1f9: {  	v9 =	vld [tilespmem:s22+$0x0];
	_ =	sdelay $0x1  }
0x1fa: {  	v1 =	vsub.s32 v7, v10;
	_ =	sdelay $0x2  }
0x1fb: {  	v2 =	vsub.s32 v7, v9;
	_ =	sdelay $0x1  }
0x1fc: {  	v5 =	vld.idx.msk [tilespmem:v1+s3+$0x0], $0xffff  }
0x1fd: {  	s23 =	simm.s32 $0x0;
	v6 =	vadd.s32 $0xF88, v1  }
0x1fe: {  	s11 =	sand.u32 $0x1C00, s23;
	v4 =	vld [tilespmem:s20+$0x4310]  }
0x1ff: {  	s0 =	sadd.s32 $0xCA80, s11;
	v8 =	vld.idx.msk [tilespmem:v2+s3+$0x0], $0xffff  }
0x200: {  	v3 =	vld [tilespmem:s20+$0x4320];
	s7 =	sor.u32 s9, s0;
	v11 =	vadd.s32 $0xF88, v2  }
0x201: {  	v0 =	vld [tilespmem:s20+$0x4330];
	[tilespmem:s7+$0x0] =	vst v5  }
0x202: {  	v5 =	vld.idx.msk [tilespmem:v6+s3+$0x0], $0xffff  }
0x203: {  	s4 =	sor.u32 s6, s0;
	v6 =	vadd.s32 $0x1F10, v1  }
0x204: {  	[tilespmem:s4+$0x0] =	vst v8  }
0x205: {  	s24 =	sadd.s32 $0xEA80, s11;
	v8 =	vld.idx.msk [tilespmem:v11+s3+$0x0], $0xffff  }
0x206: {  	s25 =	sor.u32 s9, s24;
	v11 =	vadd.s32 $0x1F10, v2  }
0x207: {  	[tilespmem:s25+$0x0] =	vst v5  }
0x208: {  	v5 =	vld.idx.msk [tilespmem:v6+s3+$0x0], $0xffff  }
0x209: {  	s0 =	sor.u32 s6, s24;
	v1 =	vadd.s32 $0x2E98, v1  }
0x20a: {  	[tilespmem:s0+$0x0] =	vst v8  }
0x20b: {  	s5 =	simm.s32 $0x20;
	s26 =	sadd.s32 $0x10A80, s11;
	v6 =	vld.idx.msk [tilespmem:v11+s3+$0x0], $0xffff  }
0x20c: {  	s8 =	sor.u32 s9, s26;
	s22 =	sand.u32 $0x60, s5;
	v8 =	vadd.s32 $0x2E98, v2  }
0x20d: {  	s1 =	sand.u32 $0x380, s5;
	s23 =	sor.u32 $0x10, s22;
	[tilespmem:s8+$0x0] =	vst v5  }
0x20e: {  	s1 =	sor.u32 s23, s1;
	v5 =	vld.idx.msk [tilespmem:v1+s3+$0x0], $0xffff  }
0x20f: {  	v2 =	vld [tilespmem:s1+$0x3E80];
	s0 =	sor.u32 s6, s26;
	v11 =	vsub.s32 v4, v10  }
0x210: {  	[tilespmem:s0+$0x0] =	vst v6  }
0x211: {  	s12 =	simm.s32 $0x3EA0;
	s10 =	sadd.s32 $0x12A80, s11;
	v6 =	vld.idx.msk [tilespmem:v8+s3+$0x0], $0xffff  }
0x212: {  	s13 =	sor.u32 s9, s10;
	v1 =	vld [tilespmem:s12+$0x0];
	v8 =	vsub.s32 v4, v9  }
0x213: {  	[tilespmem:s13+$0x0] =	vst v5  }
0x214: {  	v12 =	vsub.s32 v7, v2;
	v5 =	vld.idx.msk [tilespmem:v11+s3+$0x0], $0xffff  }
0x215: {  	v13 =	vadd.s32 $0xF88, v11;
	s0 =	sor.u32 s6, s10  }
0x216: {  	[tilespmem:s0+$0x0] =	vst v6  }
0x217: {  	v6 =	vsub.s32 v7, v1;
	v14 =	vld.idx.msk [tilespmem:v8+s3+$0x0], $0xffff  }
0x218: {  	v16 =	vadd.s32 $0xF88, v8  }
0x219: {  	v15 =	vld.idx.msk [tilespmem:v12+s3+$0x0], $0xffff;
	[tilespmem:s7+$0x80] =	vst v5  }
0x21a: {  	s14 =	simm.s32 $0x100;
	v5 =	vld.idx.msk [tilespmem:v13+s3+$0x0], $0xffff;
	v13 =	vadd.s32 $0xF88, v12  }
0x21b: {  	s24 =	sand.u32 $0x1C00, s14;
	v17 =	vadd.s32 $0x1F10, v11  }
0x21c: {  	s0 =	sadd.s32 $0xCA80, s24;
	v18 =	vld.idx.msk [tilespmem:v6+s3+$0x0], $0xffff;
	[tilespmem:s4+$0x80] =	vst v14  }
0x21d: {  	s15 =	sadd.s32 $0xEB00, s11;
	s29 =	sor.u32 s23, s0;
	v14 =	vld.idx.msk [tilespmem:v16+s3+$0x0], $0xffff;
	v16 =	vadd.s32 $0xF88, v6  }
0x21e: {  	s16 =	sor.u32 s9, s15;
	[tilespmem:s29+$0x0] =	vst v15;
	v15 =	vadd.s32 $0x1F10, v8  }
0x21f: {  	v13 =	vld.idx.msk [tilespmem:v13+s3+$0x0], $0xffff;
	[tilespmem:s16+$0x0] =	vst v5  }
0x220: {  	s28 =	sor.u32 s22, s0;
	v5 =	vld.idx.msk [tilespmem:v17+s3+$0x0], $0xffff;
	v17 =	vadd.s32 $0x1F10, v12  }
0x221: {  	s17 =	sor.u32 s6, s15;
	v11 =	vadd.s32 $0x2E98, v11;
	[tilespmem:s28+$0x0] =	vst v18  }
0x222: {  	s18 =	sadd.s32 $0xEA80, s24;
	v16 =	vld.idx.msk [tilespmem:v16+s3+$0x0], $0xffff;
	[tilespmem:s17+$0x0] =	vst v14  }
0x223: {  	s25 =	sor.u32 s23, s18;
	s26 =	sadd.s32 $0x10B00, s11;
	v14 =	vld.idx.msk [tilespmem:v15+s3+$0x0], $0xffff;
	v15 =	vadd.s32 $0x1F10, v6  }
0x224: {  	s5 =	sor.u32 s9, s26;
	v8 =	vadd.s32 $0x2E98, v8;
	[tilespmem:s25+$0x0] =	vst v13  }
0x225: {  	v13 =	vld.idx.msk [tilespmem:v17+s3+$0x0], $0xffff;
	[tilespmem:s5+$0x0] =	vst v5  }
0x226: {  	s15 =	simm.s32 $0x40;
	s8 =	sor.u32 s22, s18;
	v5 =	vld.idx.msk [tilespmem:v11+s3+$0x0], $0xffff;
	v11 =	vadd.s32 $0x2E98, v12  }
0x227: {  	s10 =	sor.u32 s6, s26;
	s26 =	sand.u32 $0x60, s15;
	[tilespmem:s8+$0x0] =	vst v16  }
0x228: {  	s12 =	sadd.s32 $0x10A80, s24;
	s17 =	sand.u32 $0x380, s15;
	s25 =	sor.u32 $0x10, s26;
	v15 =	vld.idx.msk [tilespmem:v15+s3+$0x0], $0xffff;
	[tilespmem:s10+$0x0] =	vst v14;
	v12 =	vsub.s32 v3, v10  }
0x229: {  	s13 =	sor.u32 s23, s12;
	v14 =	vadd.s32 $0x2E98, v6;
	s1 =	sor.u32 s25, s17;
	v8 =	vld.idx.msk [tilespmem:v8+s3+$0x0], $0xffff  }
0x22a: {  	s14 =	sadd.s32 $0x12B00, s11;
	v6 =	vld [tilespmem:s1+$0x3E80];
	[tilespmem:s13+$0x0] =	vst v13;
	v13 =	vsub.s32 v3, v9  }
0x22b: {  	s18 =	simm.s32 $0x3EC0;
	s16 =	sor.u32 s9, s14;
	v11 =	vld.idx.msk [tilespmem:v11+s3+$0x0], $0xffff  }
0x22c: {  	s0 =	sor.u32 s22, s12;
	[tilespmem:s16+$0x0] =	vst v5;
	v5 =	vld [tilespmem:s18+$0x0]  }
0x22d: {  	v17 =	vsub.s32 v4, v2;
	s5 =	sor.u32 s6, s14;
	[tilespmem:s0+$0x0] =	vst v15;
	v16 =	vld.idx.msk [tilespmem:v12+s3+$0x0], $0xffff  }
0x22e: {  	s8 =	sadd.s32 $0x12A80, s24;
	v15 =	vadd.s32 $0xF88, v12;
	v14 =	vld.idx.msk [tilespmem:v14+s3+$0x0], $0xffff;
	[tilespmem:s5+$0x0] =	vst v8  }
0x22f: {  	v18 =	vsub.s32 v4, v1;
	s10 =	sor.u32 s23, s8;
	v8 =	vld.idx.msk [tilespmem:v13+s3+$0x0], $0xffff  }
0x230: {  	[tilespmem:s10+$0x0] =	vst v11;
	v11 =	vadd.s32 $0xF88, v13  }
0x231: {  	v21 =	vsub.s32 v7, v5  }
0x232: {  	s0 =	sor.u32 s22, s8;
	v19 =	vld.idx.msk [tilespmem:v17+s3+$0x0], $0xffff;
	[tilespmem:s7+$0x100] =	vst v16;
	v16 =	vsub.s32 v7, v6  }
0x233: {  	v20 =	vadd.s32 $0xF88, v17;
	[tilespmem:s0+$0x0] =	vst v14;
	v15 =	vld.idx.msk [tilespmem:v15+s3+$0x0], $0xffff  }
0x234: {  	v14 =	vadd.s32 $0x1F10, v12;
	v22 =	vld.idx.msk [tilespmem:v18+s3+$0x0], $0xffff;
	[tilespmem:s4+$0x100] =	vst v8  }
0x235: {  	v8 =	vld.idx.msk [tilespmem:v11+s3+$0x0], $0xffff;
	v11 =	vadd.s32 $0xF88, v18  }
0x236: {  	s12 =	sadd.s32 $0xEB80, s11;
	v25 =	vld.idx.msk [tilespmem:v21+s3+$0x0], $0xffff  }
0x237: {  	s13 =	sor.u32 s9, s12;
	v23 =	vld.idx.msk [tilespmem:v16+s3+$0x0], $0xffff;
	[tilespmem:s29+$0x80] =	vst v19;
	v19 =	vadd.s32 $0x1F10, v13  }
0x238: {  	s14 =	simm.s32 $0x200;
	v20 =	vld.idx.msk [tilespmem:v20+s3+$0x0], $0xffff;
	[tilespmem:s13+$0x0] =	vst v15;
	v15 =	vadd.s32 $0xF88, v16  }
0x239: {  	s30 =	sand.u32 $0x1C00, s14;
	v24 =	vadd.s32 $0x1F10, v17;
	[tilespmem:s28+$0x80] =	vst v22;
	v14 =	vld.idx.msk [tilespmem:v14+s3+$0x0], $0xffff  }
0x23a: {  	s15 =	sadd.s32 $0xCA80, s30;
	s0 =	sor.u32 s6, s12;
	v12 =	vadd.s32 $0x2E98, v12;
	s12 =	simm.s32 $0x3EE0;
	v11 =	vld.idx.msk [tilespmem:v11+s3+$0x0], $0xffff  }
0x23b: {  	s1 =	sor.u32 s25, s15;
	s16 =	sadd.s32 $0xEB00, s24;
	v22 =	vadd.s32 $0xF88, v21;
	[tilespmem:s0+$0x0] =	vst v8;
	v8 =	vld [tilespmem:s12+$0x0]  }
0x23c: {  	s18 =	sadd.s32 $0x10B80, s11;
	s17 =	sor.u32 s23, s16;
	[tilespmem:s1+$0x0] =	vst v23;
	v19 =	vld.idx.msk [tilespmem:v19+s3+$0x0], $0xffff;
	v23 =	vadd.s32 $0x1F10, v18  }
0x23d: {  	s10 =	sor.u32 s9, s18;
	v13 =	vadd.s32 $0x2E98, v13;
	v15 =	vld.idx.msk [tilespmem:v15+s3+$0x0], $0xffff;
	[tilespmem:s17+$0x0] =	vst v20  }
0x23e: {  	s0 =	sor.u32 s26, s15;
	v20 =	vld.idx.msk [tilespmem:v24+s3+$0x0], $0xffff;
	[tilespmem:s10+$0x0] =	vst v14;
	v14 =	vadd.s32 $0x1F10, v16  }
0x23f: {  	s5 =	sor.u32 s22, s16;
	v17 =	vadd.s32 $0x2E98, v17;
	[tilespmem:s0+$0x0] =	vst v25;
	v12 =	vld.idx.msk [tilespmem:v12+s3+$0x0], $0xffff  }
0x240: {  	s14 =	sadd.s32 $0xEA80, s30;
	s13 =	sor.u32 s6, s18;
	v22 =	vld.idx.msk [tilespmem:v22+s3+$0x0], $0xffff;
	v24 =	vsub.s32 v0, v10;
	[tilespmem:s5+$0x0] =	vst v11  }
0x241: {  	s16 =	sadd.s32 $0x10B00, s24;
	s15 =	sor.u32 s25, s14;
	v11 =	vadd.s32 $0x1F10, v21;
	v10 =	vld.idx.msk [tilespmem:v23+s3+$0x0], $0xffff;
	[tilespmem:s13+$0x0] =	vst v19  }
0x242: {  	s18 =	sadd.s32 $0x12B80, s11;
	s17 =	sor.u32 s23, s16;
	[tilespmem:s15+$0x0] =	vst v15;
	v13 =	vld.idx.msk [tilespmem:v13+s3+$0x0], $0xffff;
	v15 =	vadd.s32 $0x2E98, v18  }
0x243: {  	v9 =	vsub.s32 v0, v9;
	s12 =	sor.u32 s9, s18;
	v14 =	vld.idx.msk [tilespmem:v14+s3+$0x0], $0xffff;
	[tilespmem:s17+$0x0] =	vst v20  }
0x244: {  	s8 =	sor.u32 s26, s14;
	v17 =	vld.idx.msk [tilespmem:v17+s3+$0x0], $0xffff;
	[tilespmem:s12+$0x0] =	vst v12;
	v12 =	vadd.s32 $0x2E98, v16  }
0x245: {  	s13 =	sor.u32 s22, s16;
	[tilespmem:s8+$0x0] =	vst v22;
	v18 =	vsub.s32 v3, v2;
	v16 =	vld.idx.msk [tilespmem:v24+s3+$0x0], $0xffff  }
0x246: {  	s14 =	sadd.s32 $0x10A80, s30;
	s5 =	sor.u32 s6, s18;
	v11 =	vld.idx.msk [tilespmem:v11+s3+$0x0], $0xffff;
	[tilespmem:s13+$0x0] =	vst v10;
	v10 =	vadd.s32 $0xF88, v24  }
0x247: {  	s16 =	sadd.s32 $0x12B00, s24;
	s15 =	sor.u32 s25, s14;
	v15 =	vld.idx.msk [tilespmem:v15+s3+$0x0], $0xffff;
	[tilespmem:s5+$0x0] =	vst v13  }
0x248: {  	s18 =	sor.u32 s23, s16;
	s17 =	simm.s32 $0x60;
	v13 =	vadd.s32 $0x2E98, v21;
	[tilespmem:s15+$0x0] =	vst v14;
	v14 =	vld.idx.msk [tilespmem:v9+s3+$0x0], $0xffff  }
0x249: {  	v26 =	vsub.s32 v3, v1;
	s31 =	sand.u32 $0x60, s17;
	v19 =	vld.idx.msk [tilespmem:v12+s3+$0x0], $0xffff;
	[tilespmem:s18+$0x0] =	vst v17  }
0x24a: {  	v20 =	vadd.s32 $0xF88, v9;
	s10 =	sor.u32 $0x10, s31;
	s5 =	sand.u32 $0x380, s17;
	v17 =	vld.idx.msk [tilespmem:v18+s3+$0x0], $0xffff;
	[tilespmem:s7+$0x180] =	vst v16  }
0x24b: {  	s8 =	sor.u32 s26, s14;
	s2 =	sor.u32 s10, s5;
	v12 =	vsub.s32 v4, v6;
	v16 =	vld.idx.msk [tilespmem:v10+s3+$0x0], $0xffff  }
0x24c: {  	s12 =	sor.u32 s22, s16;
	[tilespmem:s8+$0x0] =	vst v11;
	v11 =	vsub.s32 v7, v8;
	v10 =	vld [tilespmem:s2+$0x3E80]  }
0x24d: {  	s13 =	sadd.s32 $0x12A80, s30;
	v21 =	vadd.s32 $0xF88, v18;
	v22 =	vld.idx.msk [tilespmem:v13+s3+$0x0], $0xffff;
	[tilespmem:s12+$0x0] =	vst v15  }
0x24e: {  	v23 =	vadd.s32 $0x1F10, v24;
	s14 =	sor.u32 s25, s13;
	v25 =	vld.idx.msk [tilespmem:v26+s3+$0x0], $0xffff;
	[tilespmem:s4+$0x180] =	vst v14  }
0x24f: {  	v13 =	vsub.s32 v4, v5;
	[tilespmem:s14+$0x0] =	vst v19;
	v14 =	vld.idx.msk [tilespmem:v20+s3+$0x0], $0xffff  }
0x250: {  	v27 =	vadd.s32 $0xF88, v26;
	s15 =	sadd.s32 $0xEC00, s11;
	v20 =	vld.idx.msk [tilespmem:v12+s3+$0x0], $0xffff  }
0x251: {  	s18 =	sor.u32 s9, s15;
	[tilespmem:s29+$0x100] =	vst v17;
	v19 =	vld.idx.msk [tilespmem:v11+s3+$0x0], $0xffff;
	v15 =	vsub.s32 v7, v10  }
0x252: {  	s2 =	sor.u32 s26, s13;
	v17 =	vld.idx.msk [tilespmem:v21+s3+$0x0], $0xffff;
	[tilespmem:s18+$0x0] =	vst v16;
	v16 =	vadd.s32 $0xF88, v12  }
0x253: {  	v21 =	vld.idx.msk [tilespmem:v23+s3+$0x0], $0xffff;
	[tilespmem:s2+$0x0] =	vst v22;
	v22 =	vadd.s32 $0x1F10, v18  }
0x254: {  	v24 =	vadd.s32 $0x2E98, v24;
	s4 =	sor.u32 s6, s15;
	v23 =	vld.idx.msk [tilespmem:v13+s3+$0x0], $0xffff;
	[tilespmem:s28+$0x100] =	vst v25  }
0x255: {  	s7 =	sadd.s32 $0xEB80, s24;
	v25 =	vld.idx.msk [tilespmem:v27+s3+$0x0], $0xffff;
	v27 =	vadd.s32 $0x1F10, v9;
	[tilespmem:s4+$0x0] =	vst v14  }
0x256: {  	s8 =	sor.u32 s23, s7;
	s12 =	sadd.s32 $0x10C00, s11;
	[tilespmem:s1+$0x80] =	vst v20;
	v20 =	vadd.s32 $0xF88, v13;
	v28 =	vld.idx.msk [tilespmem:v15+s3+$0x0], $0xffff  }
0x257: {  	s16 =	sor.u32 s9, s12;
	s15 =	simm.s32 $0x300;
	v16 =	vld.idx.msk [tilespmem:v16+s3+$0x0], $0xffff;
	[tilespmem:s8+$0x0] =	vst v17;
	v17 =	vadd.s32 $0x1F10, v26  }
0x258: {  	v29 =	vadd.s32 $0xF88, v15;
	s4 =	sand.u32 $0x1C00, s15;
	[tilespmem:s16+$0x0] =	vst v21;
	v22 =	vld.idx.msk [tilespmem:v22+s3+$0x0], $0xffff  }
0x259: {  	v30 =	vadd.s32 $0x1F10, v12;
	s2 =	sor.u32 s22, s7;
	s5 =	sadd.s32 $0xCA80, s4;
	v31 =	vld.idx.msk [tilespmem:v24+s3+$0x0], $0xffff;
	[tilespmem:s0+$0x80] =	vst v23  }
0x25a: {  	s13 =	sadd.s32 $0xEB00, s30;
	v18 =	vadd.s32 $0x2E98, v18;
	s7 =	sor.u32 s10, s5;
	v14 =	vld.idx.msk [tilespmem:v27+s3+$0x0], $0xffff;
	[tilespmem:s2+$0x0] =	vst v25  }
0x25b: {  	s14 =	sadd.s32 $0x10B80, s24;
	s18 =	sor.u32 s25, s13;
	v21 =	vld.idx.msk [tilespmem:v20+s3+$0x0], $0xffff;
	[tilespmem:s7+$0x0] =	vst v28  }
0x25c: {  	s8 =	sor.u32 s23, s14;
	v25 =	vadd.s32 $0xF88, v11;
	v17 =	vld.idx.msk [tilespmem:v17+s3+$0x0], $0xffff;
	[tilespmem:s18+$0x0] =	vst v16  }
0x25d: {  	s12 =	sor.u32 s6, s12;
	s16 =	sadd.s32 $0x12C00, s11;
	v23 =	vld.idx.msk [tilespmem:v29+s3+$0x0], $0xffff;
	[tilespmem:s8+$0x0] =	vst v22;
	v22 =	vadd.s32 $0x1F10, v13  }
0x25e: {  	s14 =	sor.u32 s22, s14;
	s11 =	sor.u32 s6, s16;
	s18 =	sor.u32 s9, s16;
	v16 =	vadd.s32 $0x2E98, v26;
	v20 =	vld.idx.msk [tilespmem:v30+s3+$0x0], $0xffff  }
0x25f: {  	s6 =	sor.u32 s31, s5;
	v24 =	vadd.s32 $0x1F10, v15;
	s9 =	simm.s32 $0x3F00;
	s8 =	sor.u32 s26, s13;
	[tilespmem:s18+$0x0] =	vst v31;
	v18 =	vld.idx.msk [tilespmem:v18+s3+$0x0], $0xffff  }
.LBB2_7:
0x260: {  	v26 =	vld [tilespmem:s9+$0x0];
	[tilespmem:s6+$0x0] =	vst v19;
	v12 =	vadd.s32 $0x2E98, v12;
	s2 =	smov.u32 s23;
	s23 =	smov.u32 s25;
	s25 =	smov.u32 s10  }
0x261: {  	s5 =	sadd.s32 $0xEA80, s4;
	s13 =	smov.u32 s24;
	s24 =	smov.u32 s30;
	v19 =	vld.idx.msk [tilespmem:v25+s3+$0x0], $0xffff;
	[tilespmem:s8+$0x0] =	vst v21;
	v21 =	vsub.s32 v0, v2;
	v2 =	vmov v6;
	v6 =	vmov v10  }
0x262: {  	s8 =	sor.u32 s31, s5;
	s5 =	sor.u32 s25, s5;
	s10 =	sadd.s32 $0x10B00, s24;
	v10 =	vld.idx.msk [tilespmem:v22+s3+$0x0], $0xffff;
	[tilespmem:s14+$0x0] =	vst v17;
	v17 =	vadd.s32 $0x2E98, v9  }
0x263: {  	v22 =	vadd.s32 $0x1F10, v11;
	s14 =	sadd.s32 $0x12B80, s13;
	[tilespmem:s5+$0x0] =	vst v23;
	s5 =	sor.u32 s26, s10;
	s10 =	sor.u32 s23, s10;
	v16 =	vld.idx.msk [tilespmem:v16+s3+$0x0], $0xffff  }
0x264: {  	v13 =	vadd.s32 $0x2E98, v13;
	s30 =	smov.u32 s4;
	v23 =	vld.idx.msk [tilespmem:v24+s3+$0x0], $0xffff;
	[tilespmem:s10+$0x0] =	vst v20;
	s10 =	sor.u32 s22, s14;
	s14 =	sor.u32 s2, s14  }
0x265: {  	v9 =	vsub.s32 v0, v1;
	v1 =	vmovc v5;
	v5 =	vmov v8;
	v12 =	vld.idx.msk [tilespmem:v12+s3+$0x0], $0xffff;
	[tilespmem:s14+$0x0] =	vst v18;
	v8 =	vmov v26  }
0x266: {  	v15 =	vadd.s32 $0x2E98, v15;
	v18 =	vld.idx.msk [tilespmem:v21+s3+$0x0], $0xffff;
	[tilespmem:s12+$0x0] =	vst v14  }
0x267: {  	v14 =	vsub.s32 v3, v2;
	[tilespmem:s8+$0x0] =	vst v19;
	v17 =	vld.idx.msk [tilespmem:v17+s3+$0x0], $0xffff  }
0x268: {  	s4 =	sadd.s32 $0x10A80, s30;
	v19 =	vld.idx.msk [tilespmem:v22+s3+$0x0], $0xffff;
	[tilespmem:s5+$0x0] =	vst v10;
	v10 =	vadd.s32 $0xF88, v21  }
0x269: {  	s8 =	sor.u32 s31, s4;
	s4 =	sor.u32 s25, s4;
	s5 =	sadd.s32 $0x12B00, s24;
	v13 =	vld.idx.msk [tilespmem:v13+s3+$0x0], $0xffff;
	[tilespmem:s10+$0x0] =	vst v16  }
0x26a: {  	s17 =	sadd.s32 $0x20, s17;
	v11 =	vadd.s32 $0x2E98, v11;
	s10 =	sor.u32 s23, s5;
	[tilespmem:s4+$0x0] =	vst v23;
	s4 =	sor.u32 s26, s5;
	v16 =	vld.idx.msk [tilespmem:v9+s3+$0x0], $0xffff  }
0x26b: {  	p0 =	slt.u32 s17, $0x3E0;
	v24 =	vsub.s32 v3, v1;
	s5 =	sand.u32 $0x60, s17;
	v15 =	vld.idx.msk [tilespmem:v15+s3+$0x0], $0xffff;
	[tilespmem:s10+$0x0] =	vst v12  }
0x26c: {  	s12 =	sand.u32 $0x380, s17;
	v22 =	vadd.s32 $0xF88, v9;
	s10 =	sor.u32 $0x10, s5;
	v20 =	vld.idx.msk [tilespmem:v14+s3+$0x0], $0xffff;
	[tilespmem:s29+$0x180] =	vst v18;
	s29 =	smov.u32 s1  }
0x26d: {  	v12 =	vsub.s32 v4, v6;
	s12 =	sor.u32 s10, s12;
	s1 =	smov.u32 s7;
	v18 =	vld.idx.msk [tilespmem:v10+s3+$0x0], $0xffff;
	[tilespmem:s11+$0x0] =	vst v17  }
0x26e: {  	v17 =	vadd.s32 $0xF88, v14;
	v10 =	vld [tilespmem:s12+$0x3E80];
	[tilespmem:s8+$0x0] =	vst v19  }
0x26f: {  	s7 =	sadd.s32 $0x12A80, s30;
	v19 =	vadd.s32 $0x1F10, v21;
	v23 =	vld.idx.msk [tilespmem:v11+s3+$0x0], $0xffff;
	[tilespmem:s4+$0x0] =	vst v13  }
0x270: {  	v11 =	vsub.s32 v7, v8;
	s4 =	sor.u32 s31, s7;
	s7 =	sor.u32 s25, s7;
	v25 =	vld.idx.msk [tilespmem:v24+s3+$0x0], $0xffff;
	[tilespmem:s28+$0x180] =	vst v16;
	s28 =	smov.u32 s0  }
0x271: {  	v13 =	vsub.s32 v4, v5;
	s0 =	smov.u32 s6;
	[tilespmem:s7+$0x0] =	vst v15;
	v16 =	vld.idx.msk [tilespmem:v22+s3+$0x0], $0xffff;
	s7 =	sadd.s32 $0xEC00, s13  }
0x272: {  	v26 =	vadd.s32 $0xF88, v24;
	v22 =	vld.idx.msk [tilespmem:v12+s3+$0x0], $0xffff;
	[tilespmem:s29+$0x100] =	vst v20;
	s6 =	sor.u32 s22, s7;
	s7 =	sor.u32 s2, s7  }
0x273: {  	v15 =	vsub.s32 v7, v10;
	v17 =	vld.idx.msk [tilespmem:v17+s3+$0x0], $0xffff;
	[tilespmem:s7+$0x0] =	vst v18  }
0x274: {  	v18 =	vadd.s32 $0xF88, v12;
	v20 =	vld.idx.msk [tilespmem:v19+s3+$0x0], $0xffff  }
0x275: {  	v19 =	vld.idx.msk [tilespmem:v11+s3+$0x0], $0xffff;
	[tilespmem:s4+$0x0] =	vst v23;
	v23 =	vadd.s32 $0x1F10, v14  }
0x276: {  	v21 =	vadd.s32 $0x2E98, v21;
	v27 =	vld.idx.msk [tilespmem:v13+s3+$0x0], $0xffff;
	[tilespmem:s28+$0x100] =	vst v25  }
0x277: {  	s4 =	sadd.s32 $0xEB80, s24;
	v25 =	vld.idx.msk [tilespmem:v26+s3+$0x0], $0xffff;
	[tilespmem:s6+$0x0] =	vst v16;
	v16 =	vadd.s32 $0x1F10, v9  }
0x278: {  	v28 =	vadd.s32 $0xF88, v13;
	s8 =	sor.u32 s26, s4;
	s4 =	sor.u32 s23, s4;
	s6 =	sadd.s32 $0x10C00, s13;
	v26 =	vld.idx.msk [tilespmem:v15+s3+$0x0], $0xffff;
	[tilespmem:s1+$0x80] =	vst v22  }
0x279: {  	v22 =	vadd.s32 $0x1F10, v24;
	s12 =	sor.u32 s22, s6;
	v18 =	vld.idx.msk [tilespmem:v18+s3+$0x0], $0xffff;
	[tilespmem:s4+$0x0] =	vst v17;
	s4 =	sor.u32 s2, s6  }
0x27a: {  	s15 =	sadd.s32 $0x100, s15;
	v29 =	vadd.s32 $0xF88, v15;
	v30 =	vld.idx.msk [tilespmem:v23+s3+$0x0], $0xffff;
	[tilespmem:s4+$0x0] =	vst v20  }
0x27b: {  	s4 =	sand.u32 $0x1C00, s15;
	v20 =	vadd.s32 $0x1F10, v12;
	v31 =	vld.idx.msk [tilespmem:v21+s3+$0x0], $0xffff  }
0x27c: {  	s11 =	sadd.s32 $0xEB00, s30;
	s7 =	sadd.s32 $0xCA80, s4;
	[tilespmem:s0+$0x80] =	vst v27;
	v27 =	vadd.s32 $0x2E98, v14;
	v14 =	vld.idx.msk [tilespmem:v16+s3+$0x0], $0xffff  }
.Ltmp2:
0x27d: {  	s6 =	sor.u32 s5, s7;
	s7 =	sor.u32 s10, s7;
	v21 =	vld.idx.msk [tilespmem:v28+s3+$0x0], $0xffff;
	[tilespmem:s8+$0x0] =	vst v25;
	(pc) =	sbr.rel @p0 .LBB2_7-.Ltmp2, $4  }
0x27e: {  	s16 =	sadd.s32 $0x10B80, s24;
	v25 =	vadd.s32 $0xF88, v11;
	s8 =	sor.u32 s31, s11;
	s11 =	sor.u32 s25, s11;
	[tilespmem:s7+$0x0] =	vst v26;
	v17 =	vld.idx.msk [tilespmem:v22+s3+$0x0], $0xffff  }
0x27f: {  	s14 =	sor.u32 s26, s16;
	s13 =	sadd.s32 $0x12C00, s13;
	v22 =	vadd.s32 $0x1F10, v13;
	v23 =	vld.idx.msk [tilespmem:v29+s3+$0x0], $0xffff;
	[tilespmem:s11+$0x0] =	vst v18;
	s11 =	sor.u32 s23, s16  }
0x280: {  	s2 =	sor.u32 s2, s13;
	v16 =	vadd.s32 $0x2E98, v24;
	v20 =	vld.idx.msk [tilespmem:v20+s3+$0x0], $0xffff;
	[tilespmem:s11+$0x0] =	vst v30;
	s11 =	sor.u32 s22, s13;
	s22 =	smov.u32 s26  }
0x281: {  	s9 =	sadd.s32 $0x20, s9;
	v24 =	vadd.s32 $0x1F10, v15;
	s26 =	smov.u32 s31;
	s31 =	smov.u32 s5;
	v18 =	vld.idx.msk [tilespmem:v27+s3+$0x0], $0xffff;
	[tilespmem:s2+$0x0] =	vst v31  }
0x282: {  	_ =	sdelay $0x2  }
0x283: {  	[tilespmem:s6+$0x0] =	vst v19  }
0x284: {  	v7 =	vld.idx.msk [tilespmem:v25+s3+$0x0], $0xffff  }
0x285: {  	v19 =	vadd.s32 $0x1F10, v11  }
0x286: {  	s2 =	sadd.s32 $0xEA80, s4  }
0x287: {  	s5 =	sor.u32 s10, s2  }
0x288: {  	s2 =	sor.u32 s31, s2;
	[tilespmem:s5+$0x0] =	vst v23  }
0x289: {  	v23 =	vld.idx.msk [tilespmem:v24+s3+$0x0], $0xffff;
	[tilespmem:s2+$0x0] =	vst v7  }
0x28a: {  	v7 =	vadd.s32 $0x2E98, v15;
	v15 =	vld.idx.msk [tilespmem:v19+s3+$0x0], $0xffff  }
0x28b: {  	v11 =	vadd.s32 $0x2E98, v11  }
0x28c: {  	s17 =	sadd.s32 $0x10A80, s4  }
0x28d: {  	s18 =	sor.u32 s10, s17  }
0x28e: {  	s2 =	sor.u32 s31, s17;
	[tilespmem:s18+$0x0] =	vst v23  }
0x28f: {  	v7 =	vld.idx.msk [tilespmem:v7+s3+$0x0], $0xffff;
	[tilespmem:s2+$0x0] =	vst v15  }
0x290: {  	v15 =	vsub.s32 v4, v10;
	v11 =	vld.idx.msk [tilespmem:v11+s3+$0x0], $0xffff  }
0x291: {  	v4 =	vsub.s32 v4, v8  }
0x292: {  	s5 =	sadd.s32 $0x12A80, s4  }
0x293: {  	s9 =	sor.u32 s10, s5  }
0x294: {  	s2 =	sor.u32 s31, s5;
	[tilespmem:s9+$0x0] =	vst v7  }
0x295: {  	v7 =	vld.idx.msk [tilespmem:v15+s3+$0x0], $0xffff;
	[tilespmem:s2+$0x0] =	vst v11  }
0x296: {  	v11 =	vadd.s32 $0xF88, v15;
	v19 =	vld.idx.msk [tilespmem:v4+s3+$0x0], $0xffff  }
0x297: {  	v23 =	vadd.s32 $0xF88, v4;
	_ =	sdelay $0x2  }
0x298: {  	[tilespmem:s7+$0x80] =	vst v7  }
0x299: {  	v7 =	vld.idx.msk [tilespmem:v11+s3+$0x0], $0xffff;
	[tilespmem:s6+$0x80] =	vst v19  }
0x29a: {  	v11 =	vadd.s32 $0x1F10, v15;
	v19 =	vld.idx.msk [tilespmem:v23+s3+$0x0], $0xffff  }
0x29b: {  	v23 =	vadd.s32 $0x1F10, v4  }
0x29c: {  	s13 =	sadd.s32 $0xEB00, s4  }
0x29d: {  	[tilespmem:s8+$0x0] =	vst v21;
	s15 =	sor.u32 s10, s13  }
0x29e: {  	v12 =	vadd.s32 $0x2E98, v12;
	v21 =	vld.idx.msk [tilespmem:v22+s3+$0x0], $0xffff;
	s2 =	sor.u32 s31, s13;
	[tilespmem:s15+$0x0] =	vst v7  }
0x29f: {  	v7 =	vadd.s32 $0x2E98, v13;
	v11 =	vld.idx.msk [tilespmem:v11+s3+$0x0], $0xffff;
	[tilespmem:s2+$0x0] =	vst v19  }
0x2a0: {  	s16 =	sadd.s32 $0x10B00, s30;
	v13 =	vadd.s32 $0x2E98, v15;
	v15 =	vld.idx.msk [tilespmem:v23+s3+$0x0], $0xffff  }
0x2a1: {  	s17 =	sor.u32 s25, s16;
	v4 =	vadd.s32 $0x2E98, v4  }
0x2a2: {  	[tilespmem:s17+$0x0] =	vst v20;
	s18 =	sadd.s32 $0x10B00, s4;
	s2 =	sor.u32 s26, s16  }
0x2a3: {  	v12 =	vld.idx.msk [tilespmem:v12+s3+$0x0], $0xffff;
	s8 =	sor.u32 s10, s18;
	[tilespmem:s2+$0x0] =	vst v21  }
0x2a4: {  	s5 =	sor.u32 s31, s18;
	v19 =	vsub.s32 v3, v6;
	v7 =	vld.idx.msk [tilespmem:v7+s3+$0x0], $0xffff;
	[tilespmem:s8+$0x0] =	vst v11  }
0x2a5: {  	v11 =	vsub.s32 v3, v5;
	v13 =	vld.idx.msk [tilespmem:v13+s3+$0x0], $0xffff;
	[tilespmem:s5+$0x0] =	vst v15  }
0x2a6: {  	s9 =	sadd.s32 $0x12B00, s30;
	v15 =	vsub.s32 v3, v10;
	v4 =	vld.idx.msk [tilespmem:v4+s3+$0x0], $0xffff  }
0x2a7: {  	s13 =	sor.u32 s25, s9;
	v3 =	vsub.s32 v3, v8  }
0x2a8: {  	[tilespmem:s13+$0x0] =	vst v12;
	s15 =	sadd.s32 $0x12B00, s4;
	s2 =	sor.u32 s26, s9  }
0x2a9: {  	s16 =	sor.u32 s10, s15;
	v12 =	vld.idx.msk [tilespmem:v19+s3+$0x0], $0xffff;
	[tilespmem:s2+$0x0] =	vst v7  }
0x2aa: {  	s5 =	sor.u32 s31, s15;
	v7 =	vadd.s32 $0xF88, v19;
	v20 =	vld.idx.msk [tilespmem:v11+s3+$0x0], $0xffff;
	[tilespmem:s16+$0x0] =	vst v13  }
0x2ab: {  	v13 =	vadd.s32 $0xF88, v11;
	v21 =	vld.idx.msk [tilespmem:v15+s3+$0x0], $0xffff;
	[tilespmem:s5+$0x0] =	vst v4  }
0x2ac: {  	v4 =	vadd.s32 $0xF88, v15;
	v22 =	vld.idx.msk [tilespmem:v3+s3+$0x0], $0xffff  }
0x2ad: {  	v23 =	vadd.s32 $0xF88, v3  }
0x2ae: {  	v9 =	vadd.s32 $0x2E98, v9;
	[tilespmem:s1+$0x100] =	vst v12  }
0x2af: {  	v7 =	vld.idx.msk [tilespmem:v7+s3+$0x0], $0xffff;
	[tilespmem:s0+$0x100] =	vst v20  }
0x2b0: {  	v12 =	vadd.s32 $0x1F10, v19;
	v13 =	vld.idx.msk [tilespmem:v13+s3+$0x0], $0xffff;
	[tilespmem:s7+$0x100] =	vst v21  }
0x2b1: {  	v20 =	vadd.s32 $0x1F10, v11;
	v4 =	vld.idx.msk [tilespmem:v4+s3+$0x0], $0xffff;
	[tilespmem:s6+$0x100] =	vst v22  }
0x2b2: {  	[tilespmem:s12+$0x0] =	vst v14;
	s17 =	sadd.s32 $0xEB80, s30;
	v21 =	vadd.s32 $0x1F10, v15;
	v22 =	vld.idx.msk [tilespmem:v23+s3+$0x0], $0xffff  }
0x2b3: {  	[tilespmem:s14+$0x0] =	vst v17;
	v9 =	vld.idx.msk [tilespmem:v9+s3+$0x0], $0xffff;
	s18 =	sor.u32 s25, s17;
	v17 =	vadd.s32 $0x1F10, v3  }
0x2b4: {  	s8 =	sadd.s32 $0xEB80, s4;
	s2 =	sor.u32 s26, s17;
	[tilespmem:s18+$0x0] =	vst v7  }
0x2b5: {  	v2 =	vsub.s32 v0, v2;
	s9 =	sor.u32 s10, s8;
	v7 =	vld.idx.msk [tilespmem:v12+s3+$0x0], $0xffff;
	[tilespmem:s2+$0x0] =	vst v13  }
0x2b6: {  	s5 =	sor.u32 s31, s8;
	v12 =	vadd.s32 $0x2E98, v19;
	v13 =	vld.idx.msk [tilespmem:v20+s3+$0x0], $0xffff;
	[tilespmem:s9+$0x0] =	vst v4  }
0x2b7: {  	s13 =	sadd.s32 $0x12B80, s24;
	v4 =	vadd.s32 $0x2E98, v11;
	v11 =	vld.idx.msk [tilespmem:v21+s3+$0x0], $0xffff;
	[tilespmem:s5+$0x0] =	vst v22  }
0x2b8: {  	[tilespmem:s11+$0x0] =	vst v9;
	s14 =	sor.u32 s23, s13;
	s15 =	sadd.s32 $0x10B80, s30;
	v15 =	vadd.s32 $0x2E98, v15;
	v17 =	vld.idx.msk [tilespmem:v17+s3+$0x0], $0xffff  }
0x2b9: {  	v1 =	vsub.s32 v0, v1;
	v16 =	vld.idx.msk [tilespmem:v16+s3+$0x0], $0xffff;
	[tilespmem:s14+$0x0] =	vst v18;
	s16 =	sor.u32 s25, s15;
	v3 =	vadd.s32 $0x2E98, v3  }
0x2ba: {  	v14 =	vld.idx.msk [tilespmem:v2+s3+$0x0], $0xffff;
	v6 =	vsub.s32 v0, v6;
	v5 =	vsub.s32 v0, v5;
	s17 =	sadd.s32 $0x10B80, s4;
	s2 =	sor.u32 s26, s15;
	[tilespmem:s16+$0x0] =	vst v7  }
0x2bb: {  	v10 =	vsub.s32 v0, v10;
	v0 =	vsub.s32 v0, v8;
	v8 =	vadd.s32 $0xF88, v2;
	s18 =	sor.u32 s10, s17;
	v7 =	vld.idx.msk [tilespmem:v12+s3+$0x0], $0xffff;
	[tilespmem:s2+$0x0] =	vst v13  }
0x2bc: {  	s5 =	sor.u32 s31, s17;
	v4 =	vld.idx.msk [tilespmem:v4+s3+$0x0], $0xffff;
	[tilespmem:s18+$0x0] =	vst v11  }
0x2bd: {  	s8 =	sor.u32 s22, s13;
	v11 =	vld.idx.msk [tilespmem:v15+s3+$0x0], $0xffff;
	[tilespmem:s5+$0x0] =	vst v17  }
0x2be: {  	[tilespmem:s8+$0x0] =	vst v16;
	s9 =	sadd.s32 $0x12B80, s30;
	v3 =	vld.idx.msk [tilespmem:v3+s3+$0x0], $0xffff  }
0x2bf: {  	[tilespmem:s29+$0x180] =	vst v14;
	s12 =	sor.u32 s25, s9;
	v12 =	vld.idx.msk [tilespmem:v1+s3+$0x0], $0xffff  }
0x2c0: {  	v8 =	vld.idx.msk [tilespmem:v8+s3+$0x0], $0xffff;
	s13 =	sadd.s32 $0x12B80, s4;
	s2 =	sor.u32 s26, s9;
	[tilespmem:s12+$0x0] =	vst v7;
	v7 =	vadd.s32 $0xF88, v1  }
0x2c1: {  	s14 =	sor.u32 s10, s13;
	v13 =	vld.idx.msk [tilespmem:v6+s3+$0x0], $0xffff;
	[tilespmem:s2+$0x0] =	vst v4  }
0x2c2: {  	s5 =	sor.u32 s31, s13;
	v4 =	vadd.s32 $0xF88, v6;
	v14 =	vld.idx.msk [tilespmem:v5+s3+$0x0], $0xffff;
	[tilespmem:s14+$0x0] =	vst v11  }
0x2c3: {  	s15 =	sadd.s32 $0xEC00, s24;
	v11 =	vadd.s32 $0xF88, v5;
	v15 =	vld.idx.msk [tilespmem:v10+s3+$0x0], $0xffff;
	[tilespmem:s5+$0x0] =	vst v3  }
0x2c4: {  	s16 =	sor.u32 s23, s15;
	[tilespmem:s28+$0x180] =	vst v12;
	v3 =	vadd.s32 $0xF88, v10;
	v9 =	vld.idx.msk [tilespmem:v0+s3+$0x0], $0xffff  }
0x2c5: {  	[tilespmem:s16+$0x0] =	vst v8;
	v12 =	vadd.s32 $0xF88, v0;
	v7 =	vld.idx.msk [tilespmem:v7+s3+$0x0], $0xffff  }
0x2c6: {  	[tilespmem:s1+$0x180] =	vst v13;
	v13 =	vadd.s32 $0x1F10, v1  }
0x2c7: {  	v16 =	vadd.s32 $0x1F10, v2;
	v4 =	vld.idx.msk [tilespmem:v4+s3+$0x0], $0xffff;
	[tilespmem:s0+$0x180] =	vst v14  }
0x2c8: {  	v14 =	vadd.s32 $0x1F10, v6;
	v11 =	vld.idx.msk [tilespmem:v11+s3+$0x0], $0xffff;
	[tilespmem:s7+$0x180] =	vst v15  }
0x2c9: {  	s0 =	sor.u32 s22, s15;
	v15 =	vadd.s32 $0x1F10, v5;
	v3 =	vld.idx.msk [tilespmem:v3+s3+$0x0], $0xffff;
	[tilespmem:s6+$0x180] =	vst v9  }
0x2ca: {  	s17 =	sadd.s32 $0xEC00, s30;
	v8 =	vadd.s32 $0x1F10, v10;
	[tilespmem:s0+$0x0] =	vst v7;
	v9 =	vld.idx.msk [tilespmem:v12+s3+$0x0], $0xffff  }
0x2cb: {  	s18 =	sor.u32 s25, s17;
	v7 =	vadd.s32 $0x1F10, v0;
	v13 =	vld.idx.msk [tilespmem:v13+s3+$0x0], $0xffff  }
0x2cc: {  	s2 =	sadd.s32 $0xEC00, s4;
	s1 =	sor.u32 s26, s17;
	v1 =	vadd.s32 $0x2E98, v1;
	[tilespmem:s18+$0x0] =	vst v4;
	v12 =	vld.idx.msk [tilespmem:v16+s3+$0x0], $0xffff  }
0x2cd: {  	v2 =	vadd.s32 $0x2E98, v2;
	s5 =	sor.u32 s10, s2;
	v4 =	vld.idx.msk [tilespmem:v14+s3+$0x0], $0xffff;
	[tilespmem:s1+$0x0] =	vst v11  }
0x2ce: {  	v6 =	vadd.s32 $0x2E98, v6;
	s0 =	sor.u32 s31, s2;
	s6 =	sadd.s32 $0x10C00, s24;
	v11 =	vld.idx.msk [tilespmem:v15+s3+$0x0], $0xffff;
	[tilespmem:s5+$0x0] =	vst v3  }
0x2cf: {  	s8 =	sor.u32 s22, s6;
	v3 =	vadd.s32 $0x2E98, v5;
	v5 =	vld.idx.msk [tilespmem:v8+s3+$0x0], $0xffff;
	[tilespmem:s0+$0x0] =	vst v9  }
0x2d0: {  	s9 =	sadd.s32 $0x10C00, s30;
	s7 =	sor.u32 s23, s6;
	[tilespmem:s8+$0x0] =	vst v13;
	v8 =	vadd.s32 $0x2E98, v10;
	v7 =	vld.idx.msk [tilespmem:v7+s3+$0x0], $0xffff  }
0x2d1: {  	s11 =	sor.u32 s25, s9;
	v0 =	vadd.s32 $0x2E98, v0;
	v1 =	vld.idx.msk [tilespmem:v1+s3+$0x0], $0xffff;
	[tilespmem:s7+$0x0] =	vst v12  }
0x2d2: {  	s12 =	sadd.s32 $0x10C00, s4;
	s1 =	sor.u32 s26, s9;
	[tilespmem:s11+$0x0] =	vst v4;
	v2 =	vld.idx.msk [tilespmem:v2+s3+$0x0], $0xffff  }
0x2d3: {  	s13 =	sor.u32 s10, s12;
	v4 =	vld.idx.msk [tilespmem:v6+s3+$0x0], $0xffff;
	[tilespmem:s1+$0x0] =	vst v11  }
0x2d4: {  	s14 =	sadd.s32 $0x12C00, s24;
	s0 =	sor.u32 s31, s12;
	v3 =	vld.idx.msk [tilespmem:v3+s3+$0x0], $0xffff;
	[tilespmem:s13+$0x0] =	vst v5  }
0x2d5: {  	s16 =	sor.u32 s22, s14;
	v5 =	vld.idx.msk [tilespmem:v8+s3+$0x0], $0xffff;
	[tilespmem:s0+$0x0] =	vst v7  }
0x2d6: {  	s17 =	sadd.s32 $0x12C00, s30;
	s15 =	sor.u32 s23, s14;
	[tilespmem:s16+$0x0] =	vst v1;
	v0 =	vld.idx.msk [tilespmem:v0+s3+$0x0], $0xffff  }
0x2d7: {  	s18 =	sor.u32 s25, s17;
	[tilespmem:s15+$0x0] =	vst v2  }
0x2d8: {  	s22 =	sadd.s32 $0x12C00, s4;
	s1 =	sor.u32 s26, s17;
	[tilespmem:s18+$0x0] =	vst v4  }
0x2d9: {  	s23 =	sor.u32 s10, s22;
	s7 =	simm.s32 $0x0;
	[tilespmem:s1+$0x0] =	vst v3  }
0x2da: {  	s6 =	sand.u32 $0x60, s7;
	s0 =	sor.u32 s31, s22;
	[tilespmem:s23+$0x0] =	vst v5  }
0x2db: {  	s24 =	sand.u32 $0x380, s7;
	s30 =	sor.u32 $0x10, s6;
	[tilespmem:s0+$0x0] =	vst v0  }
0x2dc: {  	s0 =	sor.u32 s30, s24;
	v7 =	vld [tilespmem:s20+$0x4340]  }
0x2dd: {  	v10 =	vld [tilespmem:s0+$0x3E80];
	_ =	sdelay $0x2  }
0x2de: {  	s25 =	simm.s32 $0x3E80  }
0x2df: {  	v9 =	vld [tilespmem:s25+$0x0]  }
0x2e0: {  	v1 =	vsub.s32 v7, v10;
	_ =	sdelay $0x3  }
0x2e1: {  	v2 =	vsub.s32 v7, v9  }
0x2e2: {  	v4 =	vld.idx.msk [tilespmem:v1+s3+$0x0], $0xffff  }
0x2e3: {  	s10 =	simm.s32 $0x0;
	v5 =	vadd.s32 $0xF88, v1  }
0x2e4: {  	s17 =	sand.u32 $0x1C00, s10;
	v6 =	vld [tilespmem:s20+$0x4350]  }
0x2e5: {  	s26 =	sadd.s32 $0xCA80, s17;
	v3 =	vld [tilespmem:s20+$0x4360]  }
0x2e6: {  	s31 =	sor.u32 s30, s26;
	v8 =	vld.idx.msk [tilespmem:v2+s3+$0x0], $0xffff  }
0x2e7: {  	v0 =	vld [tilespmem:s20+$0x4370];
	v11 =	vadd.s32 $0xF88, v2;
	[tilespmem:s31+$0x200] =	vst v4  }
0x2e8: {  	v4 =	vld.idx.msk [tilespmem:v5+s3+$0x0], $0xffff  }
0x2e9: {  	v5 =	vadd.s32 $0x1F10, v1  }
0x2ea: {  	s0 =	sor.u32 s6, s26  }
0x2eb: {  	s5 =	sadd.s32 $0xEC80, s17;
	[tilespmem:s0+$0x200] =	vst v8  }
0x2ec: {  	s8 =	sor.u32 s30, s5;
	v8 =	vld.idx.msk [tilespmem:v11+s3+$0x0], $0xffff  }
0x2ed: {  	v11 =	vadd.s32 $0x1F10, v2;
	[tilespmem:s8+$0x0] =	vst v4  }
0x2ee: {  	v4 =	vld.idx.msk [tilespmem:v5+s3+$0x0], $0xffff  }
0x2ef: {  	v1 =	vadd.s32 $0x2E98, v1  }
0x2f0: {  	s2 =	sor.u32 s6, s5  }
0x2f1: {  	s4 =	simm.s32 $0x20;
	s9 =	sadd.s32 $0x10C80, s17;
	[tilespmem:s2+$0x0] =	vst v8  }
0x2f2: {  	s11 =	sor.u32 s30, s9;
	s20 =	sand.u32 $0x60, s4;
	v5 =	vld.idx.msk [tilespmem:v11+s3+$0x0], $0xffff  }
0x2f3: {  	s12 =	sand.u32 $0x380, s4;
	s22 =	sor.u32 $0x10, s20;
	v8 =	vadd.s32 $0x2E98, v2;
	[tilespmem:s11+$0x0] =	vst v4  }
0x2f4: {  	s5 =	sor.u32 s22, s12;
	v4 =	vld.idx.msk [tilespmem:v1+s3+$0x0], $0xffff  }
0x2f5: {  	v2 =	vld [tilespmem:s5+$0x3E80];
	v11 =	vsub.s32 v6, v10  }
0x2f6: {  	s2 =	sor.u32 s6, s9  }
0x2f7: {  	s13 =	sadd.s32 $0x12C80, s17;
	[tilespmem:s2+$0x0] =	vst v5  }
0x2f8: {  	s14 =	simm.s32 $0x3EA0;
	s15 =	sor.u32 s30, s13;
	v5 =	vld.idx.msk [tilespmem:v8+s3+$0x0], $0xffff  }
0x2f9: {  	v1 =	vld [tilespmem:s14+$0x0];
	v8 =	vsub.s32 v6, v9;
	[tilespmem:s15+$0x0] =	vst v4  }
0x2fa: {  	v12 =	vsub.s32 v7, v2;
	v4 =	vld.idx.msk [tilespmem:v11+s3+$0x0], $0xffff  }
0x2fb: {  	v13 =	vadd.s32 $0xF88, v11  }
0x2fc: {  	s2 =	sor.u32 s6, s13  }
0x2fd: {  	[tilespmem:s2+$0x0] =	vst v5  }
0x2fe: {  	v5 =	vsub.s32 v7, v1;
	v14 =	vld.idx.msk [tilespmem:v8+s3+$0x0], $0xffff  }
0x2ff: {  	v16 =	vadd.s32 $0xF88, v8;
	v15 =	vld.idx.msk [tilespmem:v12+s3+$0x0], $0xffff;
	[tilespmem:s31+$0x280] =	vst v4  }
0x300: {  	s12 =	simm.s32 $0x100;
	v4 =	vld.idx.msk [tilespmem:v13+s3+$0x0], $0xffff;
	v13 =	vadd.s32 $0xF88, v12  }
0x301: {  	s23 =	sand.u32 $0x1C00, s12;
	v17 =	vadd.s32 $0x1F10, v11  }
0x302: {  	s16 =	sadd.s32 $0xCA80, s23  }
0x303: {  	s18 =	sadd.s32 $0xED00, s17;
	s1 =	sor.u32 s22, s16;
	v18 =	vld.idx.msk [tilespmem:v5+s3+$0x0], $0xffff;
	[tilespmem:s0+$0x280] =	vst v14  }
0x304: {  	s24 =	sor.u32 s30, s18;
	[tilespmem:s1+$0x200] =	vst v15;
	v14 =	vld.idx.msk [tilespmem:v16+s3+$0x0], $0xffff;
	v16 =	vadd.s32 $0xF88, v5  }
0x305: {  	v15 =	vadd.s32 $0x1F10, v8;
	v13 =	vld.idx.msk [tilespmem:v13+s3+$0x0], $0xffff;
	[tilespmem:s24+$0x0] =	vst v4  }
0x306: {  	v4 =	vld.idx.msk [tilespmem:v17+s3+$0x0], $0xffff;
	v17 =	vadd.s32 $0x1F10, v12  }
0x307: {  	s2 =	sor.u32 s20, s16;
	v11 =	vadd.s32 $0x2E98, v11  }
0x308: {  	s25 =	sadd.s32 $0xEC80, s23;
	s0 =	sor.u32 s6, s18;
	[tilespmem:s2+$0x200] =	vst v18  }
0x309: {  	s26 =	sor.u32 s22, s25;
	s31 =	sadd.s32 $0x10D00, s17;
	v16 =	vld.idx.msk [tilespmem:v16+s3+$0x0], $0xffff;
	[tilespmem:s0+$0x0] =	vst v14  }
0x30a: {  	s9 =	sor.u32 s30, s31;
	v14 =	vld.idx.msk [tilespmem:v15+s3+$0x0], $0xffff;
	v15 =	vadd.s32 $0x1F10, v5;
	[tilespmem:s26+$0x0] =	vst v13  }
0x30b: {  	v8 =	vadd.s32 $0x2E98, v8;
	v13 =	vld.idx.msk [tilespmem:v17+s3+$0x0], $0xffff;
	[tilespmem:s9+$0x0] =	vst v4  }
0x30c: {  	v4 =	vld.idx.msk [tilespmem:v11+s3+$0x0], $0xffff;
	v11 =	vadd.s32 $0x2E98, v12  }
0x30d: {  	s11 =	sor.u32 s20, s25  }
0x30e: {  	s14 =	sadd.s32 $0x10C80, s23;
	s13 =	sor.u32 s6, s31;
	[tilespmem:s11+$0x0] =	vst v16;
	v12 =	vsub.s32 v3, v10  }
0x30f: {  	s16 =	sor.u32 s22, s14;
	v15 =	vld.idx.msk [tilespmem:v15+s3+$0x0], $0xffff;
	[tilespmem:s13+$0x0] =	vst v14  }
0x310: {  	s15 =	simm.s32 $0x40;
	s18 =	sadd.s32 $0x12D00, s17;
	v14 =	vadd.s32 $0x2E98, v5;
	v8 =	vld.idx.msk [tilespmem:v8+s3+$0x0], $0xffff;
	[tilespmem:s16+$0x0] =	vst v13  }
0x311: {  	s25 =	sor.u32 s30, s18;
	s24 =	sand.u32 $0x60, s15;
	s9 =	simm.s32 $0x3EC0;
	v13 =	vsub.s32 v3, v9;
	v11 =	vld.idx.msk [tilespmem:v11+s3+$0x0], $0xffff  }
0x312: {  	s26 =	sand.u32 $0x380, s15;
	[tilespmem:s25+$0x0] =	vst v4;
	s25 =	sor.u32 $0x10, s24;
	v4 =	vld [tilespmem:s9+$0x0]  }
0x313: {  	s0 =	sor.u32 s20, s14;
	v16 =	vld.idx.msk [tilespmem:v12+s3+$0x0], $0xffff;
	s5 =	sor.u32 s25, s26  }
0x314: {  	s31 =	sand.u32 $0x3, s10;
	v17 =	vsub.s32 v6, v2;
	s13 =	sor.u32 s6, s18;
	[tilespmem:s0+$0x0] =	vst v15;
	v5 =	vld [tilespmem:s5+$0x3E80]  }
0x315: {  	s14 =	sshll.u32 s31, $0x5;
	v15 =	vadd.s32 $0xF88, v12;
	s16 =	sadd.s32 $0x12C80, s23;
	v14 =	vld.idx.msk [tilespmem:v14+s3+$0x0], $0xffff;
	[tilespmem:s13+$0x0] =	vst v8  }
0x316: {  	v18 =	vsub.s32 v6, v1;
	s18 =	sadd.s32 $0x0, s14;
	s26 =	sor.u32 s22, s16;
	v8 =	vld.idx.msk [tilespmem:v13+s3+$0x0], $0xffff  }
0x317: {  	s0 =	sadd.s32 $0x10, s18;
	[tilespmem:s26+$0x0] =	vst v11;
	v11 =	vadd.s32 $0xF88, v13  }
0x318: {  	s31 =	sor.u32 $0x300, s0;
	v21 =	vsub.s32 v7, v4  }
0x319: {  	s8 =	sor.u32 s20, s16;
	v19 =	vld.idx.msk [tilespmem:v17+s3+$0x0], $0xffff;
	[tilespmem:s31+$0xCA80] =	vst v16;
	v16 =	vsub.s32 v7, v5  }
0x31a: {  	v20 =	vadd.s32 $0xF88, v17;
	s5 =	sor.u32 $0x300, s18;
	[tilespmem:s8+$0x0] =	vst v14;
	v15 =	vld.idx.msk [tilespmem:v15+s3+$0x0], $0xffff  }
0x31b: {  	v14 =	vadd.s32 $0x1F10, v12;
	v22 =	vld.idx.msk [tilespmem:v18+s3+$0x0], $0xffff;
	[tilespmem:s5+$0xCA80] =	vst v8  }
0x31c: {  	v8 =	vld.idx.msk [tilespmem:v11+s3+$0x0], $0xffff;
	v11 =	vadd.s32 $0xF88, v18  }
0x31d: {  	s8 =	sadd.s32 $0xED80, s17;
	v25 =	vld.idx.msk [tilespmem:v21+s3+$0x0], $0xffff  }
0x31e: {  	s9 =	sor.u32 s30, s8;
	[tilespmem:s1+$0x280] =	vst v19;
	v19 =	vadd.s32 $0x1F10, v13;
	s1 =	simm.s32 $0x200;
	v23 =	vld.idx.msk [tilespmem:v16+s3+$0x0], $0xffff  }
0x31f: {  	v20 =	vld.idx.msk [tilespmem:v20+s3+$0x0], $0xffff;
	[tilespmem:s9+$0x0] =	vst v15;
	v15 =	vadd.s32 $0xF88, v16;
	s26 =	sand.u32 $0x1C00, s1  }
0x320: {  	v24 =	vadd.s32 $0x1F10, v17;
	s11 =	sor.u32 s6, s8;
	[tilespmem:s2+$0x280] =	vst v22;
	v14 =	vld.idx.msk [tilespmem:v14+s3+$0x0], $0xffff;
	s13 =	sadd.s32 $0xCA80, s26  }
0x321: {  	v12 =	vadd.s32 $0x2E98, v12;
	s5 =	sor.u32 s25, s13;
	s2 =	sor.u32 s24, s13;
	s13 =	simm.s32 $0x3EE0;
	v11 =	vld.idx.msk [tilespmem:v11+s3+$0x0], $0xffff  }
0x322: {  	s14 =	sadd.s32 $0xED00, s23;
	v22 =	vadd.s32 $0xF88, v21;
	[tilespmem:s11+$0x0] =	vst v8;
	v8 =	vld [tilespmem:s13+$0x0]  }
0x323: {  	s16 =	sor.u32 s22, s14;
	s18 =	sadd.s32 $0x10D80, s17;
	v19 =	vld.idx.msk [tilespmem:v19+s3+$0x0], $0xffff;
	[tilespmem:s5+$0x200] =	vst v23;
	v23 =	vadd.s32 $0x1F10, v18  }
0x324: {  	s31 =	sor.u32 s30, s18;
	v13 =	vadd.s32 $0x2E98, v13;
	[tilespmem:s16+$0x0] =	vst v20;
	v15 =	vld.idx.msk [tilespmem:v15+s3+$0x0], $0xffff  }
0x325: {  	v20 =	vld.idx.msk [tilespmem:v24+s3+$0x0], $0xffff;
	[tilespmem:s31+$0x0] =	vst v14;
	v14 =	vadd.s32 $0x1F10, v16  }
0x326: {  	v17 =	vadd.s32 $0x2E98, v17;
	s11 =	sor.u32 s20, s14;
	[tilespmem:s2+$0x200] =	vst v25;
	v12 =	vld.idx.msk [tilespmem:v12+s3+$0x0], $0xffff  }
0x327: {  	s8 =	sor.u32 s6, s18;
	s9 =	sadd.s32 $0xEC80, s26;
	v22 =	vld.idx.msk [tilespmem:v22+s3+$0x0], $0xffff;
	v24 =	vsub.s32 v0, v10;
	[tilespmem:s11+$0x0] =	vst v11  }
0x328: {  	s14 =	sor.u32 s25, s9;
	s13 =	sadd.s32 $0x10D00, s23;
	v11 =	vadd.s32 $0x1F10, v21;
	[tilespmem:s8+$0x0] =	vst v19;
	v10 =	vld.idx.msk [tilespmem:v23+s3+$0x0], $0xffff  }
0x329: {  	s18 =	sadd.s32 $0x12D80, s17;
	s16 =	sor.u32 s22, s13;
	v13 =	vld.idx.msk [tilespmem:v13+s3+$0x0], $0xffff;
	[tilespmem:s14+$0x0] =	vst v15;
	v15 =	vadd.s32 $0x2E98, v18  }
0x32a: {  	v9 =	vsub.s32 v0, v9;
	s31 =	sor.u32 s30, s18;
	[tilespmem:s16+$0x0] =	vst v20;
	v14 =	vld.idx.msk [tilespmem:v14+s3+$0x0], $0xffff  }
0x32b: {  	s9 =	sor.u32 s24, s9;
	v17 =	vld.idx.msk [tilespmem:v17+s3+$0x0], $0xffff;
	[tilespmem:s31+$0x0] =	vst v12;
	v12 =	vadd.s32 $0x2E98, v16  }
0x32c: {  	[tilespmem:s9+$0x0] =	vst v22;
	s14 =	sor.u32 s20, s13;
	v18 =	vsub.s32 v3, v2;
	v16 =	vld.idx.msk [tilespmem:v24+s3+$0x0], $0xffff  }
0x32d: {  	s16 =	sor.u32 s6, s18;
	s13 =	sadd.s32 $0x10C80, s26;
	v11 =	vld.idx.msk [tilespmem:v11+s3+$0x0], $0xffff;
	[tilespmem:s14+$0x0] =	vst v10;
	v10 =	vadd.s32 $0xF88, v24  }
0x32e: {  	s18 =	sor.u32 s25, s13;
	s14 =	sadd.s32 $0x12D00, s23;
	[tilespmem:s16+$0x0] =	vst v13;
	v15 =	vld.idx.msk [tilespmem:v15+s3+$0x0], $0xffff  }
0x32f: {  	s9 =	simm.s32 $0x60;
	v13 =	vadd.s32 $0x2E98, v21;
	s31 =	sor.u32 s22, s14;
	[tilespmem:s18+$0x0] =	vst v14;
	v14 =	vld.idx.msk [tilespmem:v9+s3+$0x0], $0xffff  }
0x330: {  	v26 =	vsub.s32 v3, v1;
	s11 =	sor.u32 $0x380, s0;
	s28 =	sand.u32 $0x60, s9;
	[tilespmem:s31+$0x0] =	vst v17;
	v19 =	vld.idx.msk [tilespmem:v12+s3+$0x0], $0xffff  }
0x331: {  	s0 =	sor.u32 $0x10, s28;
	v20 =	vadd.s32 $0xF88, v9;
	s8 =	sor.u32 s24, s13;
	s16 =	sand.u32 $0x380, s9;
	v17 =	vld.idx.msk [tilespmem:v18+s3+$0x0], $0xffff;
	[tilespmem:s11+$0xCA80] =	vst v16  }
0x332: {  	s18 =	sor.u32 s0, s16;
	s11 =	simm.s32 $0x1;
	[tilespmem:s8+$0x0] =	vst v11;
	v11 =	vsub.s32 v7, v8;
	v16 =	vld.idx.msk [tilespmem:v10+s3+$0x0], $0xffff  }
0x333: {  	s7 =	sor.u32 s10, s7;
	s14 =	sor.u32 s20, s14;
	v12 =	vsub.s32 v6, v5;
	s31 =	sand.u32 $0x3, s11;
	v10 =	vld [tilespmem:s18+$0x3E80]  }
0x334: {  	s7 =	sor.u32 $0x380, s7;
	v21 =	vadd.s32 $0xF88, v18;
	s16 =	sshll.u32 s31, $0x5;
	v22 =	vld.idx.msk [tilespmem:v13+s3+$0x0], $0xffff;
	[tilespmem:s14+$0x0] =	vst v15  }
0x335: {  	v23 =	vadd.s32 $0x1F10, v24;
	s18 =	sadd.s32 $0x12C80, s26;
	s8 =	sadd.s32 $0x100, s16;
	v25 =	vld.idx.msk [tilespmem:v26+s3+$0x0], $0xffff;
	[tilespmem:s7+$0xCA80] =	vst v14  }
0x336: {  	v13 =	vsub.s32 v6, v4;
	s31 =	sor.u32 s25, s18;
	s29 =	sadd.s32 $0x10, s8;
	v14 =	vld.idx.msk [tilespmem:v20+s3+$0x0], $0xffff  }
0x337: {  	v27 =	vadd.s32 $0xF88, v26;
	s10 =	sadd.s32 $0xEE00, s17;
	[tilespmem:s31+$0x0] =	vst v19;
	s14 =	sor.u32 $0x300, s29;
	v19 =	vld.idx.msk [tilespmem:v11+s3+$0x0], $0xffff  }
0x338: {  	s16 =	sor.u32 s30, s10;
	v20 =	vld.idx.msk [tilespmem:v12+s3+$0x0], $0xffff;
	[tilespmem:s14+$0xCA80] =	vst v17;
	v15 =	vsub.s32 v7, v10  }
0x339: {  	s18 =	sor.u32 s24, s18;
	v17 =	vld.idx.msk [tilespmem:v21+s3+$0x0], $0xffff;
	[tilespmem:s16+$0x0] =	vst v16;
	v16 =	vadd.s32 $0xF88, v12  }
0x33a: {  	s8 =	sor.u32 $0x300, s8;
	[tilespmem:s18+$0x0] =	vst v22;
	v22 =	vadd.s32 $0x1F10, v18;
	v21 =	vld.idx.msk [tilespmem:v23+s3+$0x0], $0xffff  }
0x33b: {  	v24 =	vadd.s32 $0x2E98, v24;
	s18 =	sor.u32 s6, s10;
	v23 =	vld.idx.msk [tilespmem:v13+s3+$0x0], $0xffff;
	[tilespmem:s8+$0xCA80] =	vst v25  }
0x33c: {  	s31 =	sadd.s32 $0xED80, s23;
	v25 =	vld.idx.msk [tilespmem:v27+s3+$0x0], $0xffff;
	v27 =	vadd.s32 $0x1F10, v9;
	[tilespmem:s18+$0x0] =	vst v14  }
0x33d: {  	s13 =	sor.u32 s22, s31;
	s14 =	sadd.s32 $0x10E00, s17;
	[tilespmem:s5+$0x280] =	vst v20;
	v20 =	vadd.s32 $0xF88, v13;
	v28 =	vld.idx.msk [tilespmem:v15+s3+$0x0], $0xffff  }
0x33e: {  	s4 =	sor.u32 s12, s4;
	s7 =	simm.s32 $0x300;
	s16 =	sor.u32 s30, s14;
	v16 =	vld.idx.msk [tilespmem:v16+s3+$0x0], $0xffff;
	[tilespmem:s13+$0x0] =	vst v17;
	v17 =	vadd.s32 $0x1F10, v26  }
0x33f: {  	s10 =	sor.u32 $0x380, s4;
	s4 =	sand.u32 $0x1C00, s7;
	v29 =	vadd.s32 $0xF88, v15;
	[tilespmem:s16+$0x0] =	vst v21;
	v22 =	vld.idx.msk [tilespmem:v22+s3+$0x0], $0xffff  }
0x340: {  	v30 =	vadd.s32 $0x1F10, v12;
	s12 =	sor.u32 s6, s14;
	s8 =	sor.u32 s20, s31;
	s13 =	sadd.s32 $0xCA80, s4;
	[tilespmem:s2+$0x280] =	vst v23;
	v31 =	vld.idx.msk [tilespmem:v24+s3+$0x0], $0xffff  }
0x341: {  	v18 =	vadd.s32 $0x2E98, v18;
	s14 =	sadd.s32 $0xED00, s26;
	s5 =	sor.u32 s1, s15;
	s15 =	sor.u32 s0, s13;
	v14 =	vld.idx.msk [tilespmem:v27+s3+$0x0], $0xffff;
	[tilespmem:s8+$0x0] =	vst v25  }
0x342: {  	s31 =	sor.u32 s25, s14;
	s18 =	sadd.s32 $0x12E00, s17;
	s16 =	sadd.s32 $0x10D80, s23;
	v21 =	vld.idx.msk [tilespmem:v20+s3+$0x0], $0xffff;
	[tilespmem:s15+$0x200] =	vst v28  }
0x343: {  	s17 =	sor.u32 s6, s18;
	v25 =	vadd.s32 $0xF88, v11;
	v17 =	vld.idx.msk [tilespmem:v17+s3+$0x0], $0xffff;
	[tilespmem:s31+$0x0] =	vst v16;
	s31 =	sor.u32 s30, s18;
	s18 =	sor.u32 s22, s16  }
0x344: {  	s2 =	sor.u32 s7, s9;
	v23 =	vld.idx.msk [tilespmem:v29+s3+$0x0], $0xffff;
	[tilespmem:s18+$0x0] =	vst v22;
	v22 =	vadd.s32 $0x1F10, v13  }
0x345: {  	s6 =	sor.u32 $0x380, s2;
	s8 =	sor.u32 s24, s14;
	s14 =	sor.u32 s20, s16;
	v16 =	vadd.s32 $0x2E98, v26;
	v20 =	vld.idx.msk [tilespmem:v30+s3+$0x0], $0xffff  }
0x346: {  	v24 =	vadd.s32 $0x1F10, v15;
	s30 =	sor.u32 $0x380, s5;
	s16 =	simm.s32 $0x3F00;
	s18 =	sor.u32 s28, s13;
	[tilespmem:s31+$0x0] =	vst v31;
	v18 =	vld.idx.msk [tilespmem:v18+s3+$0x0], $0xffff  }
.LBB2_9:
0x347: {  	v26 =	vld [tilespmem:s16+$0x0];
	[tilespmem:s18+$0x200] =	vst v19;
	v12 =	vadd.s32 $0x2E98, v12;
	s2 =	smov.u32 s22;
	s22 =	smov.u32 s25;
	s25 =	smov.u32 s0  }
0x348: {  	s0 =	sadd.s32 $0xEC80, s4;
	s13 =	smov.u32 s23;
	s23 =	smov.u32 s26;
	v19 =	vld.idx.msk [tilespmem:v25+s3+$0x0], $0xffff;
	[tilespmem:s8+$0x0] =	vst v21;
	v21 =	vsub.s32 v0, v2;
	v2 =	vmov v5;
	v5 =	vmov v10  }
0x349: {  	s5 =	sor.u32 s28, s0;
	s0 =	sor.u32 s25, s0;
	s8 =	sadd.s32 $0x10D00, s23;
	v10 =	vld.idx.msk [tilespmem:v22+s3+$0x0], $0xffff;
	[tilespmem:s14+$0x0] =	vst v17;
	v17 =	vadd.s32 $0x2E98, v9  }
0x34a: {  	v22 =	vadd.s32 $0x1F10, v11;
	s14 =	sadd.s32 $0x12D80, s13;
	[tilespmem:s0+$0x0] =	vst v23;
	s0 =	sor.u32 s24, s8;
	s8 =	sor.u32 s22, s8;
	v16 =	vld.idx.msk [tilespmem:v16+s3+$0x0], $0xffff  }
0x34b: {  	v13 =	vadd.s32 $0x2E98, v13;
	s26 =	smov.u32 s4;
	v23 =	vld.idx.msk [tilespmem:v24+s3+$0x0], $0xffff;
	[tilespmem:s8+$0x0] =	vst v20;
	s8 =	sor.u32 s20, s14;
	s14 =	sor.u32 s2, s14  }
0x34c: {  	v9 =	vsub.s32 v0, v1;
	v1 =	vmovc v4;
	v4 =	vmov v8;
	v12 =	vld.idx.msk [tilespmem:v12+s3+$0x0], $0xffff;
	[tilespmem:s14+$0x0] =	vst v18;
	v8 =	vmov v26  }
0x34d: {  	v15 =	vadd.s32 $0x2E98, v15;
	v18 =	vld.idx.msk [tilespmem:v21+s3+$0x0], $0xffff;
	[tilespmem:s12+$0x0] =	vst v14  }
0x34e: {  	v14 =	vsub.s32 v3, v2;
	[tilespmem:s5+$0x0] =	vst v19;
	v17 =	vld.idx.msk [tilespmem:v17+s3+$0x0], $0xffff  }
0x34f: {  	s4 =	sadd.s32 $0x10C80, s26;
	v19 =	vld.idx.msk [tilespmem:v22+s3+$0x0], $0xffff;
	[tilespmem:s0+$0x0] =	vst v10;
	v10 =	vadd.s32 $0xF88, v21  }
0x350: {  	s12 =	sor.u32 s28, s4;
	s0 =	sor.u32 s25, s4;
	s4 =	sadd.s32 $0x12D00, s23;
	v13 =	vld.idx.msk [tilespmem:v13+s3+$0x0], $0xffff;
	[tilespmem:s8+$0x0] =	vst v16  }
0x351: {  	s9 =	sadd.s32 $0x20, s9;
	v11 =	vadd.s32 $0x2E98, v11;
	s8 =	sor.u32 s24, s4;
	[tilespmem:s0+$0x0] =	vst v23;
	s0 =	sor.u32 s22, s4;
	v16 =	vld.idx.msk [tilespmem:v9+s3+$0x0], $0xffff  }
0x352: {  	p0 =	slt.u32 s9, $0x3E0;
	v24 =	vsub.s32 v3, v1;
	s5 =	sand.u32 $0x60, s9;
	s4 =	sor.u32 $0x380, s29;
	v15 =	vld.idx.msk [tilespmem:v15+s3+$0x0], $0xffff;
	[tilespmem:s0+$0x0] =	vst v12  }
0x353: {  	s11 =	sadd.s32 $0x1, s11;
	s14 =	sand.u32 $0x380, s9;
	v22 =	vadd.s32 $0xF88, v9;
	s0 =	sor.u32 $0x10, s5;
	v20 =	vld.idx.msk [tilespmem:v14+s3+$0x0], $0xffff;
	[tilespmem:s4+$0xCA80] =	vst v18  }
0x354: {  	v12 =	vsub.s32 v6, v5;
	s4 =	sor.u32 s0, s14;
	s14 =	sand.u32 $0x3, s11;
	v18 =	vld.idx.msk [tilespmem:v10+s3+$0x0], $0xffff;
	[tilespmem:s17+$0x0] =	vst v17  }
0x355: {  	v17 =	vadd.s32 $0xF88, v14;
	v10 =	vld [tilespmem:s4+$0x3E80];
	[tilespmem:s12+$0x0] =	vst v19;
	s4 =	sshll.u32 s14, $0x5  }
0x356: {  	s12 =	sadd.s32 $0x12C80, s26;
	v19 =	vadd.s32 $0x1F10, v21;
	v23 =	vld.idx.msk [tilespmem:v11+s3+$0x0], $0xffff;
	[tilespmem:s8+$0x0] =	vst v13;
	s4 =	sadd.s32 s4, s1;
	s1 =	smov.u32 s7  }
0x357: {  	v11 =	vsub.s32 v7, v8;
	s8 =	sor.u32 s28, s12;
	s12 =	sor.u32 s25, s12;
	v25 =	vld.idx.msk [tilespmem:v24+s3+$0x0], $0xffff;
	s29 =	sadd.s32 $0x10, s4;
	[tilespmem:s10+$0xCA80] =	vst v16  }
0x358: {  	v13 =	vsub.s32 v6, v4;
	s4 =	sor.u32 $0x300, s4;
	[tilespmem:s12+$0x0] =	vst v15;
	s10 =	sor.u32 $0x300, s29;
	v16 =	vld.idx.msk [tilespmem:v22+s3+$0x0], $0xffff;
	s12 =	sadd.s32 $0xEE00, s13  }
0x359: {  	v26 =	vadd.s32 $0xF88, v24;
	v22 =	vld.idx.msk [tilespmem:v12+s3+$0x0], $0xffff;
	[tilespmem:s10+$0xCA80] =	vst v20;
	s14 =	sor.u32 s20, s12;
	s12 =	sor.u32 s2, s12;
	s10 =	smov.u32 s30  }
0x35a: {  	s30 =	smov.u32 s6;
	v15 =	vsub.s32 v7, v10;
	v17 =	vld.idx.msk [tilespmem:v17+s3+$0x0], $0xffff;
	[tilespmem:s12+$0x0] =	vst v18  }
0x35b: {  	v18 =	vadd.s32 $0xF88, v12;
	v20 =	vld.idx.msk [tilespmem:v19+s3+$0x0], $0xffff  }
0x35c: {  	v19 =	vld.idx.msk [tilespmem:v11+s3+$0x0], $0xffff;
	[tilespmem:s8+$0x0] =	vst v23;
	v23 =	vadd.s32 $0x1F10, v14  }
0x35d: {  	v21 =	vadd.s32 $0x2E98, v21;
	v27 =	vld.idx.msk [tilespmem:v13+s3+$0x0], $0xffff;
	[tilespmem:s4+$0xCA80] =	vst v25  }
0x35e: {  	s4 =	sadd.s32 $0xED80, s23;
	v25 =	vld.idx.msk [tilespmem:v26+s3+$0x0], $0xffff;
	[tilespmem:s14+$0x0] =	vst v16;
	v16 =	vadd.s32 $0x1F10, v9  }
0x35f: {  	v28 =	vadd.s32 $0xF88, v13;
	s6 =	sadd.s32 $0x10E00, s13;
	s8 =	sor.u32 s24, s4;
	s4 =	sor.u32 s22, s4;
	v26 =	vld.idx.msk [tilespmem:v15+s3+$0x0], $0xffff;
	[tilespmem:s15+$0x280] =	vst v22  }
0x360: {  	s7 =	sadd.s32 $0x100, s7;
	s12 =	sor.u32 s20, s6;
	v22 =	vadd.s32 $0x1F10, v24;
	v18 =	vld.idx.msk [tilespmem:v18+s3+$0x0], $0xffff;
	[tilespmem:s4+$0x0] =	vst v17;
	s4 =	sor.u32 s2, s6  }
0x361: {  	v29 =	vadd.s32 $0xF88, v15;
	v30 =	vld.idx.msk [tilespmem:v23+s3+$0x0], $0xffff;
	[tilespmem:s4+$0x0] =	vst v20;
	s4 =	sand.u32 $0x1C00, s7  }
0x362: {  	s6 =	sor.u32 s7, s9;
	v20 =	vadd.s32 $0x1F10, v12;
	v31 =	vld.idx.msk [tilespmem:v21+s3+$0x0], $0xffff;
	s14 =	sadd.s32 $0xCA80, s4  }
0x363: {  	s6 =	sor.u32 $0x380, s6;
	[tilespmem:s18+$0x280] =	vst v27;
	v27 =	vadd.s32 $0x2E98, v14;
	v14 =	vld.idx.msk [tilespmem:v16+s3+$0x0], $0xffff;
	s18 =	sor.u32 s5, s14  }
.Ltmp3:
0x364: {  	s15 =	sor.u32 s0, s14;
	s14 =	sadd.s32 $0xED00, s26;
	v21 =	vld.idx.msk [tilespmem:v28+s3+$0x0], $0xffff;
	[tilespmem:s8+$0x0] =	vst v25;
	(pc) =	sbr.rel @p0 .LBB2_9-.Ltmp3, $4  }
0x365: {  	s17 =	sadd.s32 $0x10D80, s23;
	v25 =	vadd.s32 $0xF88, v11;
	s8 =	sor.u32 s28, s14;
	s14 =	sor.u32 s25, s14;
	[tilespmem:s15+$0x200] =	vst v26;
	v17 =	vld.idx.msk [tilespmem:v22+s3+$0x0], $0xffff  }
0x366: {  	s13 =	sadd.s32 $0x12E00, s13;
	v22 =	vadd.s32 $0x1F10, v13;
	v23 =	vld.idx.msk [tilespmem:v29+s3+$0x0], $0xffff;
	[tilespmem:s14+$0x0] =	vst v18;
	s14 =	sor.u32 s24, s17;
	s17 =	sor.u32 s22, s17  }
0x367: {  	s2 =	sor.u32 s2, s13;
	v16 =	vadd.s32 $0x2E98, v24;
	v20 =	vld.idx.msk [tilespmem:v20+s3+$0x0], $0xffff;
	[tilespmem:s17+$0x0] =	vst v30;
	s17 =	sor.u32 s20, s13;
	s20 =	smov.u32 s24  }
0x368: {  	s16 =	sadd.s32 $0x20, s16;
	v24 =	vadd.s32 $0x1F10, v15;
	s24 =	smov.u32 s28;
	s28 =	smov.u32 s5;
	v18 =	vld.idx.msk [tilespmem:v27+s3+$0x0], $0xffff;
	[tilespmem:s2+$0x0] =	vst v31  }
0x369: {  	_ =	sdelay $0x2  }
0x36a: {  	[tilespmem:s18+$0x200] =	vst v19  }
0x36b: {  	v7 =	vld.idx.msk [tilespmem:v25+s3+$0x0], $0xffff  }
0x36c: {  	v44 =	vadd.s32 $0x1F10, v11;
	s2 =	sadd.s32 $0xEC80, s4  }
0x36d: {  	s5 =	sor.u32 s0, s2  }
0x36e: {  	[tilespmem:s5+$0x0] =	vst v23  }
0x36f: {  	s2 =	sor.u32 s28, s2;
	v23 =	vld.idx.msk [tilespmem:v24+s3+$0x0], $0xffff  }
0x370: {  	v45 =	vadd.s32 $0x2E98, v15;
	[tilespmem:s2+$0x0] =	vst v7  }
0x371: {  	v46 =	vld.idx.msk [tilespmem:v44+s3+$0x0], $0xffff  }
0x372: {  	v47 =	vadd.s32 $0x2E98, v11;
	s13 =	sadd.s32 $0x10C80, s4  }
0x373: {  	s16 =	sor.u32 s0, s13  }
0x374: {  	[tilespmem:s16+$0x0] =	vst v23  }
0x375: {  	s2 =	sor.u32 s28, s13;
	v7 =	vld.idx.msk [tilespmem:v45+s3+$0x0], $0xffff  }
0x376: {  	v48 =	vsub.s32 v6, v10;
	[tilespmem:s2+$0x0] =	vst v46  }
0x377: {  	v11 =	vld.idx.msk [tilespmem:v47+s3+$0x0], $0xffff  }
0x378: {  	v49 =	vsub.s32 v6, v8;
	s31 =	sadd.s32 $0x12C80, s4  }
0x379: {  	s9 =	sor.u32 s0, s31  }
0x37a: {  	[tilespmem:s9+$0x0] =	vst v7  }
0x37b: {  	s2 =	sor.u32 s28, s31;
	v7 =	vld.idx.msk [tilespmem:v48+s3+$0x0], $0xffff  }
0x37c: {  	v50 =	vadd.s32 $0xF88, v48;
	[tilespmem:s2+$0x0] =	vst v11  }
0x37d: {  	v51 =	vld.idx.msk [tilespmem:v49+s3+$0x0], $0xffff  }
0x37e: {  	v52 =	vadd.s32 $0xF88, v49;
	_ =	sdelay $0x1  }
0x37f: {  	[tilespmem:s15+$0x280] =	vst v7  }
0x380: {  	v7 =	vld.idx.msk [tilespmem:v50+s3+$0x0], $0xffff  }
0x381: {  	v53 =	vadd.s32 $0x1F10, v48;
	[tilespmem:s18+$0x280] =	vst v51  }
0x382: {  	v19 =	vld.idx.msk [tilespmem:v52+s3+$0x0], $0xffff  }
0x383: {  	v54 =	vadd.s32 $0x1F10, v49;
	s13 =	sadd.s32 $0xED00, s4  }
0x384: {  	[tilespmem:s8+$0x0] =	vst v21;
	s15 =	sor.u32 s0, s13  }
0x385: {  	v12 =	vadd.s32 $0x2E98, v12;
	v21 =	vld.idx.msk [tilespmem:v22+s3+$0x0], $0xffff;
	[tilespmem:s15+$0x0] =	vst v7  }
0x386: {  	v55 =	vadd.s32 $0x2E98, v13;
	s2 =	sor.u32 s28, s13;
	v11 =	vld.idx.msk [tilespmem:v53+s3+$0x0], $0xffff  }
0x387: {  	v56 =	vadd.s32 $0x2E98, v48;
	s16 =	sadd.s32 $0x10D00, s26;
	[tilespmem:s2+$0x0] =	vst v19  }
0x388: {  	s18 =	sor.u32 s25, s16;
	v57 =	vld.idx.msk [tilespmem:v54+s3+$0x0], $0xffff  }
0x389: {  	v6 =	vadd.s32 $0x2E98, v49;
	s31 =	sadd.s32 $0x10D00, s4;
	[tilespmem:s18+$0x0] =	vst v20;
	s2 =	sor.u32 s24, s16  }
0x38a: {  	s8 =	sor.u32 s0, s31;
	v12 =	vld.idx.msk [tilespmem:v12+s3+$0x0], $0xffff;
	[tilespmem:s2+$0x0] =	vst v21  }
0x38b: {  	v58 =	vsub.s32 v3, v5;
	v7 =	vld.idx.msk [tilespmem:v55+s3+$0x0], $0xffff;
	[tilespmem:s8+$0x0] =	vst v11  }
0x38c: {  	v59 =	vsub.s32 v3, v4;
	s5 =	sor.u32 s28, s31;
	v13 =	vld.idx.msk [tilespmem:v56+s3+$0x0], $0xffff  }
0x38d: {  	v60 =	vsub.s32 v3, v10;
	s9 =	sadd.s32 $0x12D00, s26;
	[tilespmem:s5+$0x0] =	vst v57  }
0x38e: {  	s13 =	sor.u32 s25, s9;
	v6 =	vld.idx.msk [tilespmem:v6+s3+$0x0], $0xffff  }
0x38f: {  	v61 =	vsub.s32 v3, v8;
	s15 =	sadd.s32 $0x1, s11;
	s16 =	sadd.s32 $0x12D00, s4;
	s2 =	sor.u32 s24, s9;
	[tilespmem:s13+$0x0] =	vst v12  }
0x390: {  	s9 =	sand.u32 $0x3, s15;
	s18 =	sor.u32 s0, s16;
	v12 =	vld.idx.msk [tilespmem:v58+s3+$0x0], $0xffff;
	[tilespmem:s2+$0x0] =	vst v7  }
0x391: {  	v62 =	vadd.s32 $0xF88, v58;
	s31 =	sshll.u32 s9, $0x5;
	s5 =	sadd.s32 $0x1, s15;
	[tilespmem:s18+$0x0] =	vst v13;
	v63 =	vld.idx.msk [tilespmem:v59+s3+$0x0], $0xffff  }
0x392: {  	v24 =	vadd.s32 $0xF88, v59;
	s8 =	sor.u32 s28, s16;
	s2 =	sadd.s32 s31, s1;
	s5 =	sand.u32 $0x3, s5;
	v25 =	vld.idx.msk [tilespmem:v60+s3+$0x0], $0xffff  }
0x393: {  	v26 =	vadd.s32 $0xF88, v60;
	s1 =	sadd.s32 $0x10, s2;
	s5 =	sshll.u32 s5, $0x5;
	[tilespmem:s8+$0x0] =	vst v6  }
0x394: {  	s5 =	sadd.s32 s5, s7;
	s8 =	sor.u32 $0x300, s1;
	v27 =	vld.idx.msk [tilespmem:v61+s3+$0x0], $0xffff  }
0x395: {  	v28 =	vadd.s32 $0xF88, v61;
	s9 =	sor.u32 $0x300, s2;
	s2 =	sadd.s32 $0x10, s5;
	[tilespmem:s8+$0xCA80] =	vst v12  }
0x396: {  	v9 =	vadd.s32 $0x2E98, v9;
	s11 =	sor.u32 $0x300, s2;
	[tilespmem:s9+$0xCA80] =	vst v63;
	v7 =	vld.idx.msk [tilespmem:v62+s3+$0x0], $0xffff  }
0x397: {  	v29 =	vadd.s32 $0x1F10, v58;
	[tilespmem:s11+$0xCA80] =	vst v25;
	v13 =	vld.idx.msk [tilespmem:v24+s3+$0x0], $0xffff  }
0x398: {  	v30 =	vadd.s32 $0x1F10, v59;
	s5 =	sor.u32 $0x300, s5;
	v6 =	vld.idx.msk [tilespmem:v26+s3+$0x0], $0xffff  }
0x399: {  	v31 =	vadd.s32 $0x1F10, v60;
	s13 =	sadd.s32 $0xED80, s26;
	[tilespmem:s5+$0xCA80] =	vst v27  }
0x39a: {  	[tilespmem:s12+$0x0] =	vst v14;
	s15 =	sor.u32 s25, s13;
	v22 =	vld.idx.msk [tilespmem:v28+s3+$0x0], $0xffff  }
0x39b: {  	v32 =	vadd.s32 $0x1F10, v61;
	v9 =	vld.idx.msk [tilespmem:v9+s3+$0x0], $0xffff;
	s16 =	sadd.s32 $0xED80, s4;
	s5 =	sor.u32 s24, s13;
	[tilespmem:s15+$0x0] =	vst v7  }
0x39c: {  	s18 =	sor.u32 s0, s16;
	[tilespmem:s5+$0x0] =	vst v13;
	v7 =	vld.idx.msk [tilespmem:v29+s3+$0x0], $0xffff  }
0x39d: {  	v33 =	vadd.s32 $0x2E98, v58;
	[tilespmem:s18+$0x0] =	vst v6;
	v34 =	vld.idx.msk [tilespmem:v30+s3+$0x0], $0xffff  }
0x39e: {  	[tilespmem:s14+$0x0] =	vst v17;
	v11 =	vadd.s32 $0x2E98, v59;
	s7 =	sor.u32 s28, s16;
	v35 =	vld.idx.msk [tilespmem:v31+s3+$0x0], $0xffff  }
0x39f: {  	v15 =	vadd.s32 $0x2E98, v60;
	v16 =	vld.idx.msk [tilespmem:v16+s3+$0x0], $0xffff;
	s9 =	sadd.s32 $0x10D80, s26;
	[tilespmem:s7+$0x0] =	vst v22  }
0x3a0: {  	v1 =	vsub.s32 v0, v1;
	[tilespmem:s17+$0x0] =	vst v9;
	s11 =	sor.u32 s25, s9;
	v17 =	vld.idx.msk [tilespmem:v32+s3+$0x0], $0xffff  }
0x3a1: {  	s12 =	sadd.s32 $0x10D80, s4;
	v3 =	vadd.s32 $0x2E98, v61;
	s7 =	sor.u32 s24, s9;
	[tilespmem:s11+$0x0] =	vst v7  }
0x3a2: {  	v2 =	vsub.s32 v0, v2;
	s31 =	sadd.s32 $0x12D80, s23;
	s13 =	sor.u32 s0, s12;
	[tilespmem:s7+$0x0] =	vst v34;
	v6 =	vld.idx.msk [tilespmem:v33+s3+$0x0], $0xffff  }
0x3a3: {  	v37 =	vsub.s32 v0, v5;
	s5 =	sor.u32 s20, s31;
	[tilespmem:s13+$0x0] =	vst v35;
	v38 =	vld.idx.msk [tilespmem:v11+s3+$0x0], $0xffff  }
0x3a4: {  	v39 =	vsub.s32 v0, v4;
	s14 =	sor.u32 s28, s12;
	[tilespmem:s5+$0x0] =	vst v16;
	v40 =	vld.idx.msk [tilespmem:v15+s3+$0x0], $0xffff  }
0x3a5: {  	v41 =	vsub.s32 v0, v10;
	s16 =	sadd.s32 $0x12D80, s26;
	s8 =	sor.u32 s22, s31;
	v44 =	vld.idx.msk [tilespmem:v1+s3+$0x0], $0xffff;
	[tilespmem:s14+$0x0] =	vst v17  }
0x3a6: {  	v45 =	vadd.s32 $0xF88, v1;
	[tilespmem:s8+$0x0] =	vst v18;
	s18 =	sor.u32 s25, s16;
	v3 =	vld.idx.msk [tilespmem:v3+s3+$0x0], $0xffff  }
0x3a7: {  	v42 =	vsub.s32 v0, v8;
	v36 =	vld.idx.msk [tilespmem:v2+s3+$0x0], $0xffff;
	s15 =	sor.u32 $0x380, s29;
	s29 =	sadd.s32 $0x12D80, s4;
	s7 =	sor.u32 s24, s16;
	[tilespmem:s18+$0x0] =	vst v6  }
0x3a8: {  	v43 =	vadd.s32 $0xF88, v2;
	s31 =	sor.u32 s0, s29;
	[tilespmem:s7+$0x0] =	vst v38;
	v46 =	vld.idx.msk [tilespmem:v37+s3+$0x0], $0xffff  }
0x3a9: {  	v47 =	vadd.s32 $0xF88, v37;
	[tilespmem:s31+$0x0] =	vst v40;
	v48 =	vld.idx.msk [tilespmem:v39+s3+$0x0], $0xffff  }
0x3aa: {  	v49 =	vadd.s32 $0xF88, v39;
	s5 =	sor.u32 s28, s29;
	[tilespmem:s10+$0xCA80] =	vst v44;
	v50 =	vld.idx.msk [tilespmem:v41+s3+$0x0], $0xffff  }
0x3ab: {  	v51 =	vadd.s32 $0xF88, v41;
	v6 =	vld.idx.msk [tilespmem:v45+s3+$0x0], $0xffff;
	[tilespmem:s5+$0x0] =	vst v3  }
0x3ac: {  	v55 =	vadd.s32 $0x1F10, v1;
	s1 =	sor.u32 $0x380, s1;
	[tilespmem:s15+$0xCA80] =	vst v36;
	v52 =	vld.idx.msk [tilespmem:v42+s3+$0x0], $0xffff  }
0x3ad: {  	v53 =	vadd.s32 $0xF88, v42;
	v8 =	vld.idx.msk [tilespmem:v43+s3+$0x0], $0xffff;
	[tilespmem:s1+$0xCA80] =	vst v46  }
0x3ae: {  	v54 =	vadd.s32 $0x1F10, v2;
	s2 =	sor.u32 $0x380, s2;
	s5 =	sadd.s32 $0xEE00, s23;
	[tilespmem:s30+$0xCA80] =	vst v48;
	v7 =	vld.idx.msk [tilespmem:v47+s3+$0x0], $0xffff  }
0x3af: {  	v56 =	vadd.s32 $0x1F10, v37;
	s1 =	sor.u32 s20, s5;
	[tilespmem:s2+$0xCA80] =	vst v50;
	v3 =	vld.idx.msk [tilespmem:v49+s3+$0x0], $0xffff  }
0x3b0: {  	v57 =	vadd.s32 $0x1F10, v39;
	[tilespmem:s1+$0x0] =	vst v6;
	v9 =	vld.idx.msk [tilespmem:v51+s3+$0x0], $0xffff  }
0x3b1: {  	v58 =	vadd.s32 $0x1F10, v41;
	s7 =	sadd.s32 $0xEE00, s26;
	v11 =	vld.idx.msk [tilespmem:v55+s3+$0x0], $0xffff;
	[tilespmem:s6+$0xCA80] =	vst v52;
	s6 =	sor.u32 s22, s5  }
0x3b2: {  	v1 =	vadd.s32 $0x2E98, v1;
	s8 =	sor.u32 s25, s7;
	[tilespmem:s6+$0x0] =	vst v8;
	v12 =	vld.idx.msk [tilespmem:v53+s3+$0x0], $0xffff  }
0x3b3: {  	v59 =	vadd.s32 $0x1F10, v42;
	s9 =	sadd.s32 $0xEE00, s4;
	s2 =	sor.u32 s24, s7;
	[tilespmem:s8+$0x0] =	vst v7;
	v13 =	vld.idx.msk [tilespmem:v54+s3+$0x0], $0xffff  }
0x3b4: {  	v2 =	vadd.s32 $0x2E98, v2;
	s11 =	sadd.s32 $0x10E00, s23;
	s10 =	sor.u32 s0, s9;
	[tilespmem:s2+$0x0] =	vst v3;
	v7 =	vld.idx.msk [tilespmem:v56+s3+$0x0], $0xffff  }
0x3b5: {  	v60 =	vadd.s32 $0x2E98, v37;
	s2 =	sor.u32 s20, s11;
	[tilespmem:s10+$0x0] =	vst v9;
	v61 =	vld.idx.msk [tilespmem:v57+s3+$0x0], $0xffff  }
0x3b6: {  	v4 =	vadd.s32 $0x2E98, v39;
	s1 =	sor.u32 s28, s9;
	[tilespmem:s2+$0x0] =	vst v11;
	v8 =	vld.idx.msk [tilespmem:v58+s3+$0x0], $0xffff  }
0x3b7: {  	s12 =	sor.u32 s22, s11;
	s13 =	sadd.s32 $0x10E00, s26;
	v1 =	vld.idx.msk [tilespmem:v1+s3+$0x0], $0xffff;
	[tilespmem:s1+$0x0] =	vst v12  }
0x3b8: {  	s14 =	sor.u32 s25, s13;
	[tilespmem:s12+$0x0] =	vst v13;
	v6 =	vld.idx.msk [tilespmem:v59+s3+$0x0], $0xffff  }
0x3b9: {  	v62 =	vadd.s32 $0x2E98, v41;
	s15 =	sadd.s32 $0x10E00, s4;
	s1 =	sor.u32 s24, s13;
	[tilespmem:s14+$0x0] =	vst v7;
	v2 =	vld.idx.msk [tilespmem:v2+s3+$0x0], $0xffff  }
0x3ba: {  	v0 =	vadd.s32 $0x2E98, v42;
	s17 =	sadd.s32 $0x12E00, s23;
	s16 =	sor.u32 s0, s15;
	[tilespmem:s1+$0x0] =	vst v61;
	v3 =	vld.idx.msk [tilespmem:v60+s3+$0x0], $0xffff  }
0x3bb: {  	s1 =	sor.u32 s20, s17;
	[tilespmem:s16+$0x0] =	vst v8;
	v4 =	vld.idx.msk [tilespmem:v4+s3+$0x0], $0xffff  }
0x3bc: {  	s2 =	sor.u32 s28, s15;
	[tilespmem:s1+$0x0] =	vst v1  }
0x3bd: {  	s18 =	sor.u32 s22, s17;
	s20 =	sadd.s32 $0x12E00, s26;
	[tilespmem:s2+$0x0] =	vst v6  }
0x3be: {  	s22 =	sor.u32 s25, s20;
	v63 =	vld.idx.msk [tilespmem:v62+s3+$0x0], $0xffff;
	[tilespmem:s18+$0x0] =	vst v2  }
0x3bf: {  	s19 =	sadd.s32 $0x1, s19;
	s2 =	sor.u32 s24, s20;
	v0 =	vld.idx.msk [tilespmem:v0+s3+$0x0], $0xffff;
	s5 =	rddreg [dreg:$0x4];
	[tilespmem:s22+$0x0] =	vst v3  }
0x3c0: {  	p0 =	sne.s32 s19, $0x8;
	s23 =	sadd.s32 $0x12E00, s4;
	[tilespmem:s2+$0x0] =	vst v4;
	s5 =	sadd.s32 s5, s21  }
.Ltmp4:
0x3c1: {  	s2 =	rddreg [dreg:$0x7];
	s24 =	sshll.u32 s5, $0xA;
	(pc) =	sbr.rel @p0 .LBB2_2-.Ltmp4, $4  }
0x3c2: {  	s29 =	simm.s32 $0x2000;
	s25 =	sor.u32 s0, s23;
	s2 =	sadd.s32 s2, s24  }
0x3c3: {  	s1 =	sor.u32 s28, s23;
	s28 =	rddreg [dreg:$0x1];
	[tilespmem:s25+$0x0] =	vst v63;
	s26 =	sshrl.u32 s2, $0x3  }
0x3c4: {  	s31 =	simm.s32 $0xCA80;
	s30 =	simm.s32 $0x100000;
	[tilespmem:s1+$0x0] =	vst v0;
	s0 =	sadd.s32 s28, s26  }
0x3c5: {  	[hbm4b:s0+s29] =	stream.strided.scatter [tilespmem:s31], [sflag:$0x2], $0x8000, s30, s29, $0x38;
	[tilespmem:$0x14A80] =	vst v63  }
0x3c6: {  	s2 =	simm.s32 $0x1  }
0x3c7: {  	_ =	swait.ge [sflag:s2], $0x8000  }
0x3c8: {  	[sflag:s2] =	ssyncset.done $0x0  }
0x3c9: {  	s1 =	simm.s32 $0x2;
	[sflag:s2] =	ssyncadd.s32 $0xFFFF8000  }
0x3ca: {  	_ =	swait.ge [sflag:s1], $0x8000  }
0x3cb: {  	s4 =	rddreg [dreg:$0x9]  }
0x3cc: {  	s0 =	rddreg [dreg:$0x8];
	s4 =	sadd.s32 $0x1, s4  }
0x3cd: {  	p0 =	sne.s32 s4, s0  }
.Ltmp5:
0x3ce: {  	_ = 	snop;
	(pc) =	sbr.rel @p0 .LBB2_1-.Ltmp5, $3  }
0x3cf: {  	_ =	sdelay $0x1  }
0x3d0: {  	[sflag:s1] =	ssyncset.done $0x0  }
0x3d1: {  	[sflag:s1] =	ssyncadd.s32 $0xFFFF8000  }
0x3d2: {  	_ =	sfence.sel $0x180000  }
0x3d3: {  	[bflag:$0x0] =	sbarrier.arrive $0xFFFF  }
0x3d4: {  	_ =	strace $0x90000047  }
0x3d5: {  	s0 =	stileid.u32;
	[bflag:$0x2] =	sbarrier.arrive $0xFFFF  }
0x3d6: {  	p0 =	sne.s32 s0, $0x0;
	s0 =	rddreg [dreg:$0x2]  }
0x3d7: {  	s0 =	sadd.s32 @!p0 $0x100000, s0  }
0x3d8: {  	[sflag:s0] =	ssyncadd.tile.s32 @!p0 $0x1;
	_ =	shalt  }
.Lfunc_end2:
_tile_overlayer_lowered:
.L_overlay_start_2:
0x3d9: {  	(tag) =	ssettag $0x2  }
0x3da: {  	s0 =	rddreg [dreg:$0x0];
	s2 =	stileid.u32  }
0x3db: {  	s1 =	rddreg [dreg:$0x1];
	p0 =	sne.s32 s2, $0x0  }
0x3dc: {  	s3 =	rddreg [dreg:$0x2];
	[bflag:$0x3] =	sbarrier.arrive $0xFFFF;
	s2 =	simm.s32 @!p0 $0x1C03  }
0x3dd: {  	[timem:s3], [sflag:s2] =	dma.local @!p0 [hbm:s0], s1  }
0x3de: {  	s0 =	simm.s32 @!p0 $0x3  }
0x3df: {  	_ =	swait.ge @!p0 [sflag:s0], s1  }
0x3e0: {  	s1 =	ssub.s32 @!p0 $0x0, s1;
	[sflag:s0] =	ssyncset.done @!p0 $0x0  }
0x3e1: {  	[sflag:s0] =	ssyncadd.s32 @!p0 s1  }
0x3e2: {  	[bflag:$0x3] =	sbarrier.arrive $0xFFFF  }
0x3e3: {  	_ =	shalt  }

</sc_bundles>
